<compile_context>
chip_gen: v7x
topology: tpu7x:2x2x1
jax: 0.10.2.dev20260603
libtpu: 0.0.44.dev20260713+nightly
codegen_flags: <defaults>
</compile_context>

<pallas_src>
import functools

import jax
import jax.numpy as jnp
from jax import lax
from jax.experimental import pallas as pl
from jax.experimental.pallas import tpu as pltpu
from jax.experimental.pallas import tpu_sc as plsc

N = 10000
E = 320000
H = 200
HH = 128
HP = 2 * HH
R2 = 400

NC, NS = 2, 16
CH = 80
NCHUNK = 252
NBUF = 4
NGROUP = NCHUNK // NBUF
EP = NS * NCHUNK * CH
NA = N + 8
RSTRIDE = 624
RSPAN = 640

_NEG_SLOPE = (1.0 / 8.0 + 1.0 / 3.0) / 2.0


def _segsum_body(table, sd, zeros, out, *scr):
    sdb = scr[:NBUF]
    rows = scr[NBUF:2 * NBUF]
    isem = scr[2 * NBUF:3 * NBUF]
    gsem = scr[3 * NBUF:4 * NBUF]
    ssem = scr[4 * NBUF:5 * NBUF]
    acc = scr[5 * NBUF]
    c = lax.axis_index("c")
    s = lax.axis_index("s")

    pltpu.sync_copy(zeros, acc.at[pl.ds(s * RSTRIDE, RSPAN)])
    plsc.subcore_barrier()

    for b in range(NBUF):
        pltpu.async_copy(sd.at[c, s, b], sdb[b], isem[b])

    def _window(w, _):
        j0 = w * NBUF
        for b in range(NBUF):
            pltpu.make_async_copy(sd.at[c, s, j0 + b], sdb[b],
                                  isem[b]).wait()
            pltpu.async_copy(table.at[sdb[b].at[0]], rows[b], gsem[b])
        for b in range(NBUF):
            pltpu.make_async_copy(table.at[sdb[b].at[0]], rows[b],
                                  gsem[b]).wait()
            pltpu.async_copy(rows[b], acc.at[sdb[b].at[1]], ssem[b],
                             add=True)
        @pl.when(w < NGROUP - 1)
        def _():
            for b in range(NBUF):
                pltpu.make_async_copy(rows[b], acc.at[sdb[b].at[1]],
                                      ssem[b]).wait()
                pltpu.async_copy(sd.at[c, s, j0 + NBUF + b], sdb[b],
                                 isem[b])
        return 0

    lax.fori_loop(0, NGROUP, _window, 0)
    for b in range(NBUF):
        pltpu.make_async_copy(rows[b], acc.at[sdb[b].at[1]], ssem[b]).wait()
    plsc.subcore_barrier()

    pltpu.sync_copy(acc.at[pl.ds(s * RSTRIDE, RSPAN)],
                    out.at[pl.ds(c * N + s * RSTRIDE, RSPAN)])


def _segsum(table2, sd, zeros):
    table2, sd, zeros = lax.optimization_barrier((table2, sd, zeros))
    return pl.kernel(
        _segsum_body,
        out_type=jax.ShapeDtypeStruct((2 * N, HH), jnp.float32),
        mesh=plsc.VectorSubcoreMesh(core_axis_name="c", subcore_axis_name="s"),
        scratch_types=(
            [pltpu.VMEM((2, CH), jnp.int32)] * NBUF
            + [pltpu.VMEM((CH, HH), jnp.float32)] * NBUF
            + [pltpu.SemaphoreType.DMA] * (3 * NBUF)
            + [pltpu.VMEM_SHARED((NA, HH), jnp.float32)]
        ),
        name="edge_segsum",
    )(table2, sd, zeros)


_BN = 2000


def _l2norm(x):
    n = jnp.sqrt(jnp.sum(x * x, axis=-1, keepdims=True))
    return x / jnp.clip(n, 1e-12, None)


def _norm_body(x_ref, o0_ref, o1_ref):
    y = _l2norm(x_ref[...])
    o0_ref[...] = y[:, :HH]
    o1_ref[...] = jnp.concatenate(
        [y[:, HH:], jnp.zeros((y.shape[0], HP - H), jnp.float32)], axis=1)


def _deg_inv(r1):
    col = lax.broadcasted_iota(jnp.int32, r1.shape, 1)
    deg = jnp.sum(jnp.where(col >= H - HH, r1, 0.0), axis=1) * (1.0 / (HP - H))
    return 1.0 / jnp.maximum(deg, 1.0)


def _merge_q(p0, p1, r0, r1):
    q = jnp.concatenate([p0[...] + r0[...], p1[...] + r1[...]], axis=1)
    return q, _deg_inv(r1[...])


def _layer_body(p0, p1, r0, r1, h0, h1, wn_ref, wl_ref, o0_ref, o1_ref):
    q, inv = _merge_q(p0, p1, r0, r1)
    agg = jnp.dot(q, wn_ref[...], preferred_element_type=jnp.float32)
    agg = agg * inv[:, None]
    h = jnp.concatenate([h0[...], h1[...]], axis=1)
    x = agg + jnp.dot(h, wl_ref[...], preferred_element_type=jnp.float32)
    y = jnp.where(x >= 0, x, x * _NEG_SLOPE)
    o0_ref[...] = y[:, :HH]
    o1_ref[...] = y[:, HH:]


def _final_body(p0, p1, r0, r1, h10, h11, h00, h01,
                wn_ref, wl_ref, wt_ref, b_ref, o_ref):
    q, inv = _merge_q(p0, p1, r0, r1)
    agg = jnp.dot(q, wn_ref[...], preferred_element_type=jnp.float32)
    agg = agg * inv[:, None]
    h1 = jnp.concatenate([h10[...], h11[...]], axis=1)
    x = agg + jnp.dot(h1, wl_ref[...], preferred_element_type=jnp.float32)
    h2 = jnp.where(x >= 0, x, x * _NEG_SLOPE)
    h2 = _l2norm(h2)
    h0 = jnp.concatenate([h00[...], h01[...]], axis=1)
    g = jax.nn.sigmoid(
        jnp.dot(h0, wt_ref[...], preferred_element_type=jnp.float32)
        + b_ref[...])
    o_ref[...] = g * h2 + (1.0 - g) * h0


def _half_spec():
    return pl.BlockSpec((_BN, HH), lambda i: (i, 0))


def _full_spec(shape):
    return pl.BlockSpec(shape, lambda i: tuple(0 for _ in shape))


def _norm_call(x):
    return pl.pallas_call(
        _norm_body,
        grid=(N // _BN,),
        in_specs=[pl.BlockSpec((_BN, H), lambda i: (i, 0))],
        out_specs=[_half_spec(), _half_spec()],
        out_shape=[jax.ShapeDtypeStruct((N, HH), jnp.float32),
                   jax.ShapeDtypeStruct((N, HH), jnp.float32)],
    )(x)


def _layer_call(p, r, h, wn, wl):
    return pl.pallas_call(
        _layer_body,
        grid=(N // _BN,),
        in_specs=[_half_spec()] * 6 + [_full_spec((HP, HP))] * 2,
        out_specs=[_half_spec(), _half_spec()],
        out_shape=[jax.ShapeDtypeStruct((N, HH), jnp.float32),
                   jax.ShapeDtypeStruct((N, HH), jnp.float32)],
    )(p[:N], p[N:], r[:N], r[N:], h[0], h[1], wn, wl)


def _final_call(p, r, h1, h0, wn, wl, wt, b):
    return pl.pallas_call(
        _final_body,
        grid=(N // _BN,),
        in_specs=([_half_spec()] * 8
                  + [_full_spec((HP, HP))] * 3 + [_full_spec((1, HP))]),
        out_specs=pl.BlockSpec((_BN, HP), lambda i: (i, 0)),
        out_shape=jax.ShapeDtypeStruct((N, HP), jnp.float32),
    )(p[:N], p[N:], r[:N], r[N:], h1[0], h1[1], h0[0], h0[1],
      wn, wl, wt, b)


def kernel(dynamic_emb, emb_rel, W_neigh, W_loop, time_gate_weight,
           time_gate_bias, edge_index, edge_type):
    f32 = jnp.float32
    src = edge_index[0].astype(jnp.int32)
    dst = edge_index[1].astype(jnp.int32)
    etype = edge_type.astype(jnp.int32)

    pad_w = lambda w: jnp.pad(w.astype(f32), ((0, HP - H), (0, HP - H)))
    wn0, wn1 = pad_w(W_neigh[0]), pad_w(W_neigh[1])
    wl0, wl1 = pad_w(W_loop[0]), pad_w(W_loop[1])
    wt = pad_w(time_gate_weight)
    bias = jnp.pad(time_gate_bias.astype(f32), (0, HP - H))[None, :]

    h0 = _norm_call(dynamic_emb.astype(f32))
    rel = emb_rel.astype(f32)
    rel2 = jnp.concatenate(
        [rel[:, :HH],
         jnp.concatenate([rel[:, HH:], jnp.ones((R2, HP - H), f32)], axis=1)],
        axis=0)

    srcp = jnp.pad(src, (0, EP - E)).reshape(NS, NCHUNK, CH)
    etyp = jnp.pad(etype, (0, EP - E)).reshape(NS, NCHUNK, CH)
    dstp = jnp.pad(dst, (0, EP - E),
                   constant_values=N).reshape(NS, NCHUNK, CH)
    sd_of = lambda g, voff: jnp.stack(
        [jnp.stack([g, dstp], axis=2), jnp.stack([g + voff, dstp], axis=2)])
    sd_h = sd_of(srcp, N)
    sd_r = sd_of(etyp, R2)
    zeros = jnp.zeros((RSPAN, HH), f32)

    r = _segsum(rel2, sd_r, zeros)
    p0 = _segsum(jnp.concatenate([h0[0], h0[1]], axis=0), sd_h, zeros)
    h1 = _layer_call(p0, r, h0, wn0, wl0)
    p1 = _segsum(jnp.concatenate([h1[0], h1[1]], axis=0), sd_h, zeros)
    out = _final_call(p1, r, h1, h0, wn1, wl1, wt, bias)
    return out[:, :H]

# --- scband reference (transcript-rebuilt; emitter-appended) ---
"""Pipeline reference for scband-recurrent-rgcn-18691697672501 (READ-ONLY COPY).

The authoritative reference and input builder live on the scoring server;
editing this copy changes nothing except your own understanding.
"""

import jax, jax.numpy as jnp
import numpy as np

N = 10000   # num_ents
E = 320000  # num edges (avg_degree=32)
H = 200     # h_dim (hardcoded transformer d_model=200 in original module)
R = 200     # num_rels -> 2*R relation embeddings
L = 2       # num_hidden_layers (UnionRGCNLayer stack)


def _rrelu_eval(x):
    # F.rrelu in eval mode: negative slope = (lower + upper) / 2 = (1/8 + 1/3) / 2
    neg_slope = (1.0 / 8.0 + 1.0 / 3.0) / 2.0
    return jnp.where(x >= 0, x, x * neg_slope)


def _l2norm(x):
    # F.normalize(x) along last dim
    n = jnp.sqrt(jnp.sum(x * x, axis=-1, keepdims=True))
    return x / jnp.clip(n, 1e-12, None)


def setup_inputs(seed: int = 0) -> dict:
    key = jax.random.key(seed)
    ks = jax.random.split(key, 8)
    edge_index = jax.random.randint(ks[0], (2, E), 0, N)
    edge_type = jax.random.randint(ks[1], (E,), 0, 2 * R)
    dynamic_emb = jax.random.normal(ks[2], (N, H), dtype=jnp.float32)
    emb_rel = jax.random.normal(ks[3], (2 * R, H), dtype=jnp.float32) * 0.1
    W_neigh = jax.random.normal(ks[4], (L, H, H), dtype=jnp.float32) * (1.0 / np.sqrt(H))
    W_loop = jax.random.normal(ks[5], (L, H, H), dtype=jnp.float32) * (1.0 / np.sqrt(H))
    time_gate_weight = jax.random.normal(ks[6], (H, H), dtype=jnp.float32) * (1.0 / np.sqrt(H))
    time_gate_bias = jnp.zeros((H,), dtype=jnp.float32)
    return {
        "dynamic_emb": dynamic_emb,
        "emb_rel": emb_rel,
        "W_neigh": W_neigh,
        "W_loop": W_loop,
        "time_gate_weight": time_gate_weight,
        "time_gate_bias": time_gate_bias,
        "edge_index": edge_index,
        "edge_type": edge_type,
    }


def reference(dynamic_emb, emb_rel, W_neigh, W_loop, time_gate_weight,
              time_gate_bias, edge_index, edge_type):
    # One temporal-evolution step of RecurrentRGCN (RE-GCN style):
    #   current_h = F.normalize(dynamic_emb)               (layer_norm=True)
    #   current_h = RGCNCell(g, current_h, emb_rel)        (L UnionRGCNLayers)
    #   gate = sigmoid(current_h0 @ time_gate_weight + b)
    #   h = gate * current_h + (1 - gate) * h_prev
    src = edge_index[0]
    dst = edge_index[1]

    h0 = _l2norm(dynamic_emb)

    # in-degree normalization for message aggregation
    deg = jax.ops.segment_sum(jnp.ones((E,), dtype=jnp.float32), dst, num_segments=N)
    inv_deg = 1.0 / jnp.clip(deg, 1.0, None)

    h = h0
    for i in range(L):
        # UnionRGCNLayer: message = comp(h_src, rel_emb[etype]) @ W_neighbor
        msg = (h[src] + emb_rel[edge_type]) @ W_neigh[i]
        agg = jax.ops.segment_sum(msg, dst, num_segments=N) * inv_deg[:, None]
        loop = h @ W_loop[i]  # self-loop transform
        h = _rrelu_eval(agg + loop)

    h = _l2norm(h)  # layer_norm=True path

    # time gate recurrence
    gate = jax.nn.sigmoid(h0 @ time_gate_weight + time_gate_bias[None, :])
    h_out = gate * h + (1.0 - gate) * h0
    return h_out

if __name__ == "__main__":
    import jax
    _d = setup_inputs()
    print(jax.jit(kernel)(*tuple(_d.values())))

</pallas_src>

<mosaic_0001>
#map = affine_map<(d0, d1) -> (0, 0)>
#map1 = affine_map<(d0, d1) -> (0, 0, 0, 0, 0)>
module attributes {stable_mosaic.version = 14 : i64} {
  func.func @edge_segsum(%arg0: i32, %arg1: i32, %arg2: memref<800x128xf32, #tpu.memory_space<hbm>>, %arg3: memref<2x16x252x2x80xi32, #tpu.memory_space<hbm>>, %arg4: memref<640x128xf32, #tpu.memory_space<hbm>>, %arg5: memref<20000x128xf32, #tpu.memory_space<hbm>>, %arg6: memref<2x80xi32, #tpu.memory_space<vmem>>, %arg7: memref<2x80xi32, #tpu.memory_space<vmem>>, %arg8: memref<2x80xi32, #tpu.memory_space<vmem>>, %arg9: memref<2x80xi32, #tpu.memory_space<vmem>>, %arg10: memref<80x128xf32, #tpu.memory_space<vmem>>, %arg11: memref<80x128xf32, #tpu.memory_space<vmem>>, %arg12: memref<80x128xf32, #tpu.memory_space<vmem>>, %arg13: memref<80x128xf32, #tpu.memory_space<vmem>>, %arg14: memref<!tpu.dma_semaphore, #tpu.memory_space<semaphore_mem>>, %arg15: memref<!tpu.dma_semaphore, #tpu.memory_space<semaphore_mem>>, %arg16: memref<!tpu.dma_semaphore, #tpu.memory_space<semaphore_mem>>, %arg17: memref<!tpu.dma_semaphore, #tpu.memory_space<semaphore_mem>>, %arg18: memref<!tpu.dma_semaphore, #tpu.memory_space<semaphore_mem>>, %arg19: memref<!tpu.dma_semaphore, #tpu.memory_space<semaphore_mem>>, %arg20: memref<!tpu.dma_semaphore, #tpu.memory_space<semaphore_mem>>, %arg21: memref<!tpu.dma_semaphore, #tpu.memory_space<semaphore_mem>>, %arg22: memref<!tpu.dma_semaphore, #tpu.memory_space<semaphore_mem>>, %arg23: memref<!tpu.dma_semaphore, #tpu.memory_space<semaphore_mem>>, %arg24: memref<!tpu.dma_semaphore, #tpu.memory_space<semaphore_mem>>, %arg25: memref<!tpu.dma_semaphore, #tpu.memory_space<semaphore_mem>>, %arg26: memref<10008x128xf32, #tpu.memory_space<vmem_shared>>) attributes {dimension_semantics = [#tpu.dimension_semantics<core_parallel>, #tpu.dimension_semantics<subcore_parallel>], iteration_bounds = array<i64: 2, 16>, scalar_prefetch = 0 : i64, scratch_operands = 21 : i64, tpu.core_type = #tpu.core_type<sc_vector_subcore>, window_params = [{transform_indices = #map}, {transform_indices = #map1}, {transform_indices = #map}, {transform_indices = #map}]} {
    %mul3A = arith.constant 624 : i32
    %mul3A_0 = arith.muli %arg1, %mul3A : i32
    "tpu.region"() ({
      %run_scoped3A = tpu.sem_alloc : memref<!tpu.dma_semaphore, #tpu.memory_space<semaphore_mem>>
      %dma_start3A_76 = arith.constant 0 : i32
      %dma_start3A_77 = tpu.memref_slice %arg26[%mul3A_0, %dma_start3A_76] : memref<10008x128xf32, #tpu.memory_space<vmem_shared>> -> memref<640x128xf32, #tpu.memory_space<vmem_shared>>
      tpu.enqueue_dma source(%arg4 : memref<640x128xf32, #tpu.memory_space<hbm>>) target(%dma_start3A_77 : memref<640x128xf32, #tpu.memory_space<vmem_shared>>) target_semaphore(%run_scoped3A : memref<!tpu.dma_semaphore, #tpu.memory_space<semaphore_mem>>)
      %dma_wait3A_78 = arith.constant 0 : i32
      %dma_wait3A_79 = tpu.memref_slice %arg26[%mul3A_0, %dma_wait3A_78] : memref<10008x128xf32, #tpu.memory_space<vmem_shared>> -> memref<640x128xf32, #tpu.memory_space<vmem_shared>>
      tpu.wait_dma2 semaphore(%run_scoped3A : memref<!tpu.dma_semaphore, #tpu.memory_space<semaphore_mem>>) src(%arg4 : memref<640x128xf32, #tpu.memory_space<hbm>>) dst(%dma_wait3A_79 : memref<640x128xf32, #tpu.memory_space<vmem_shared>>)
      tpu.yield
    }) : () -> ()
    %barrier3A = arith.constant 0 : index
    tpu.barrier barrier_id(%barrier3A)
    %dma_start3A = arith.constant 0 : i32
    %dma_start3A_1 = arith.constant 0 : i32
    %dma_start3A_2 = arith.constant 0 : i32
    %dma_start3A_3 = tpu.memref_slice %arg3[%arg0, %arg1, %dma_start3A, %dma_start3A_1, %dma_start3A_2] : memref<2x16x252x2x80xi32, #tpu.memory_space<hbm>> -> memref<1x1x1x2x80xi32, #tpu.memory_space<hbm>>
    %dma_start3A_4 = tpu.memref_squeeze %dma_start3A_3 : memref<1x1x1x2x80xi32, #tpu.memory_space<hbm>> -> memref<2x80xi32, #tpu.memory_space<hbm>>
    %dma_start3A_5 = arith.constant 0 : i32
    %dma_start3A_6 = arith.constant 0 : i32
    %dma_start3A_7 = tpu.memref_slice %arg3[%arg0, %arg1, %dma_start3A, %dma_start3A_5, %dma_start3A_6] : memref<2x16x252x2x80xi32, #tpu.memory_space<hbm>> -> memref<1x1x1x2x80xi32, #tpu.memory_space<hbm>>
    %dma_start3A_8 = tpu.memref_squeeze %dma_start3A_7 : memref<1x1x1x2x80xi32, #tpu.memory_space<hbm>> -> memref<2x80xi32, #tpu.memory_space<hbm>>
    tpu.enqueue_dma source(%dma_start3A_8 : memref<2x80xi32, #tpu.memory_space<hbm>>) target(%arg6 : memref<2x80xi32, #tpu.memory_space<vmem>>) target_semaphore(%arg14 : memref<!tpu.dma_semaphore, #tpu.memory_space<semaphore_mem>>)
    %dma_start3A_9 = arith.constant 1 : i32
    %dma_start3A_10 = arith.constant 0 : i32
    %dma_start3A_11 = arith.constant 0 : i32
    %dma_start3A_12 = tpu.memref_slice %arg3[%arg0, %arg1, %dma_start3A_9, %dma_start3A_10, %dma_start3A_11] : memref<2x16x252x2x80xi32, #tpu.memory_space<hbm>> -> memref<1x1x1x2x80xi32, #tpu.memory_space<hbm>>
    %dma_start3A_13 = tpu.memref_squeeze %dma_start3A_12 : memref<1x1x1x2x80xi32, #tpu.memory_space<hbm>> -> memref<2x80xi32, #tpu.memory_space<hbm>>
    %dma_start3A_14 = arith.constant 0 : i32
    %dma_start3A_15 = arith.constant 0 : i32
    %dma_start3A_16 = tpu.memref_slice %arg3[%arg0, %arg1, %dma_start3A_9, %dma_start3A_14, %dma_start3A_15] : memref<2x16x252x2x80xi32, #tpu.memory_space<hbm>> -> memref<1x1x1x2x80xi32, #tpu.memory_space<hbm>>
    %dma_start3A_17 = tpu.memref_squeeze %dma_start3A_16 : memref<1x1x1x2x80xi32, #tpu.memory_space<hbm>> -> memref<2x80xi32, #tpu.memory_space<hbm>>
    tpu.enqueue_dma source(%dma_start3A_17 : memref<2x80xi32, #tpu.memory_space<hbm>>) target(%arg7 : memref<2x80xi32, #tpu.memory_space<vmem>>) target_semaphore(%arg15 : memref<!tpu.dma_semaphore, #tpu.memory_space<semaphore_mem>>)
    %dma_start3A_18 = arith.constant 2 : i32
    %dma_start3A_19 = arith.constant 0 : i32
    %dma_start3A_20 = arith.constant 0 : i32
    %dma_start3A_21 = tpu.memref_slice %arg3[%arg0, %arg1, %dma_start3A_18, %dma_start3A_19, %dma_start3A_20] : memref<2x16x252x2x80xi32, #tpu.memory_space<hbm>> -> memref<1x1x1x2x80xi32, #tpu.memory_space<hbm>>
    %dma_start3A_22 = tpu.memref_squeeze %dma_start3A_21 : memref<1x1x1x2x80xi32, #tpu.memory_space<hbm>> -> memref<2x80xi32, #tpu.memory_space<hbm>>
    %dma_start3A_23 = arith.constant 0 : i32
    %dma_start3A_24 = arith.constant 0 : i32
    %dma_start3A_25 = tpu.memref_slice %arg3[%arg0, %arg1, %dma_start3A_18, %dma_start3A_23, %dma_start3A_24] : memref<2x16x252x2x80xi32, #tpu.memory_space<hbm>> -> memref<1x1x1x2x80xi32, #tpu.memory_space<hbm>>
    %dma_start3A_26 = tpu.memref_squeeze %dma_start3A_25 : memref<1x1x1x2x80xi32, #tpu.memory_space<hbm>> -> memref<2x80xi32, #tpu.memory_space<hbm>>
    tpu.enqueue_dma source(%dma_start3A_26 : memref<2x80xi32, #tpu.memory_space<hbm>>) target(%arg8 : memref<2x80xi32, #tpu.memory_space<vmem>>) target_semaphore(%arg16 : memref<!tpu.dma_semaphore, #tpu.memory_space<semaphore_mem>>)
    %dma_start3A_27 = arith.constant 3 : i32
    %dma_start3A_28 = arith.constant 0 : i32
    %dma_start3A_29 = arith.constant 0 : i32
    %dma_start3A_30 = tpu.memref_slice %arg3[%arg0, %arg1, %dma_start3A_27, %dma_start3A_28, %dma_start3A_29] : memref<2x16x252x2x80xi32, #tpu.memory_space<hbm>> -> memref<1x1x1x2x80xi32, #tpu.memory_space<hbm>>
    %dma_start3A_31 = tpu.memref_squeeze %dma_start3A_30 : memref<1x1x1x2x80xi32, #tpu.memory_space<hbm>> -> memref<2x80xi32, #tpu.memory_space<hbm>>
    %dma_start3A_32 = arith.constant 0 : i32
    %dma_start3A_33 = arith.constant 0 : i32
    %dma_start3A_34 = tpu.memref_slice %arg3[%arg0, %arg1, %dma_start3A_27, %dma_start3A_32, %dma_start3A_33] : memref<2x16x252x2x80xi32, #tpu.memory_space<hbm>> -> memref<1x1x1x2x80xi32, #tpu.memory_space<hbm>>
    %dma_start3A_35 = tpu.memref_squeeze %dma_start3A_34 : memref<1x1x1x2x80xi32, #tpu.memory_space<hbm>> -> memref<2x80xi32, #tpu.memory_space<hbm>>
    tpu.enqueue_dma source(%dma_start3A_35 : memref<2x80xi32, #tpu.memory_space<hbm>>) target(%arg9 : memref<2x80xi32, #tpu.memory_space<vmem>>) target_semaphore(%arg17 : memref<!tpu.dma_semaphore, #tpu.memory_space<semaphore_mem>>)
    %scan3A = arith.constant 0 : i32
    %scan3A_36 = arith.constant 0 : i32
    %scan3A_37 = arith.constant 63 : i32
    %scan3A_38 = arith.addi %scan3A_36, %scan3A_37 : i32
    %scan3A_39 = arith.constant 1 : i32
    %scan3A_40 = scf.for %scan3A_76 = %scan3A_36 to %scan3A_38 step %scan3A_39 iter_args(%scan3A_77 = %scan3A) -> (i32)  : i32 {
      %mul3A_78 = arith.constant 4 : i32
      %mul3A_79 = arith.muli %scan3A_76, %mul3A_78 : i32
      %add3A_80 = arith.constant 0 : i32
      %add3A_81 = arith.addi %mul3A_79, %add3A_80 : i32
      %dma_wait3A_82 = arith.constant 0 : i32
      %dma_wait3A_83 = arith.constant 0 : i32
      %dma_wait3A_84 = tpu.memref_slice %arg3[%arg0, %arg1, %add3A_81, %dma_wait3A_82, %dma_wait3A_83] : memref<2x16x252x2x80xi32, #tpu.memory_space<hbm>> -> memref<1x1x1x2x80xi32, #tpu.memory_space<hbm>>
      %dma_wait3A_85 = tpu.memref_squeeze %dma_wait3A_84 : memref<1x1x1x2x80xi32, #tpu.memory_space<hbm>> -> memref<2x80xi32, #tpu.memory_space<hbm>>
      %dma_wait3A_86 = arith.constant 0 : i32
      %dma_wait3A_87 = arith.constant 0 : i32
      %dma_wait3A_88 = tpu.memref_slice %arg3[%arg0, %arg1, %add3A_81, %dma_wait3A_86, %dma_wait3A_87] : memref<2x16x252x2x80xi32, #tpu.memory_space<hbm>> -> memref<1x1x1x2x80xi32, #tpu.memory_space<hbm>>
      %dma_wait3A_89 = tpu.memref_squeeze %dma_wait3A_88 : memref<1x1x1x2x80xi32, #tpu.memory_space<hbm>> -> memref<2x80xi32, #tpu.memory_space<hbm>>
      tpu.wait_dma2 semaphore(%arg14 : memref<!tpu.dma_semaphore, #tpu.memory_space<semaphore_mem>>) src(%dma_wait3A_89 : memref<2x80xi32, #tpu.memory_space<hbm>>) dst(%arg6 : memref<2x80xi32, #tpu.memory_space<vmem>>)
      %dma_start3A_90 = arith.constant 0 : i32
      %dma_start3A_91 = arith.constant 0 : i32
      %dma_start3A_92 = tpu.memref_slice %arg6[%dma_start3A_90, %dma_start3A_91] : memref<2x80xi32, #tpu.memory_space<vmem>> -> memref<1x80xi32, #tpu.memory_space<vmem>>
      %dma_start3A_93 = tpu.memref_squeeze %dma_start3A_92 : memref<1x80xi32, #tpu.memory_space<vmem>> -> memref<80xi32, #tpu.memory_space<vmem>>
      %dma_start3A_94 = arith.constant 0 : i32
      %dma_start3A_95 = arith.constant 0 : i32
      %dma_start3A_96 = tpu.memref_slice %arg2[%dma_start3A_94, %dma_start3A_95] : memref<800x128xf32, #tpu.memory_space<hbm>> -> memref<800x128xf32, #tpu.memory_space<hbm>>
      tpu.enqueue_indirect_dma source(%dma_start3A_96 : memref<800x128xf32, #tpu.memory_space<hbm>>) target(%arg10 : memref<80x128xf32, #tpu.memory_space<vmem>>) offsets(%dma_start3A_93 : memref<80xi32, #tpu.memory_space<vmem>>) semaphore(%arg18 : memref<!tpu.dma_semaphore, #tpu.memory_space<semaphore_mem>>)
      %add3A_97 = arith.constant 1 : i32
      %add3A_98 = arith.addi %mul3A_79, %add3A_97 : i32
      %dma_wait3A_99 = arith.constant 0 : i32
      %dma_wait3A_100 = arith.constant 0 : i32
      %dma_wait3A_101 = tpu.memref_slice %arg3[%arg0, %arg1, %add3A_98, %dma_wait3A_99, %dma_wait3A_100] : memref<2x16x252x2x80xi32, #tpu.memory_space<hbm>> -> memref<1x1x1x2x80xi32, #tpu.memory_space<hbm>>
      %dma_wait3A_102 = tpu.memref_squeeze %dma_wait3A_101 : memref<1x1x1x2x80xi32, #tpu.memory_space<hbm>> -> memref<2x80xi32, #tpu.memory_space<hbm>>
      %dma_wait3A_103 = arith.constant 0 : i32
      %dma_wait3A_104 = arith.constant 0 : i32
      %dma_wait3A_105 = tpu.memref_slice %arg3[%arg0, %arg1, %add3A_98, %dma_wait3A_103, %dma_wait3A_104] : memref<2x16x252x2x80xi32, #tpu.memory_space<hbm>> -> memref<1x1x1x2x80xi32, #tpu.memory_space<hbm>>
      %dma_wait3A_106 = tpu.memref_squeeze %dma_wait3A_105 : memref<1x1x1x2x80xi32, #tpu.memory_space<hbm>> -> memref<2x80xi32, #tpu.memory_space<hbm>>
      tpu.wait_dma2 semaphore(%arg15 : memref<!tpu.dma_semaphore, #tpu.memory_space<semaphore_mem>>) src(%dma_wait3A_106 : memref<2x80xi32, #tpu.memory_space<hbm>>) dst(%arg7 : memref<2x80xi32, #tpu.memory_space<vmem>>)
      %dma_start3A_107 = arith.constant 0 : i32
      %dma_start3A_108 = arith.constant 0 : i32
      %dma_start3A_109 = tpu.memref_slice %arg7[%dma_start3A_107, %dma_start3A_108] : memref<2x80xi32, #tpu.memory_space<vmem>> -> memref<1x80xi32, #tpu.memory_space<vmem>>
      %dma_start3A_110 = tpu.memref_squeeze %dma_start3A_109 : memref<1x80xi32, #tpu.memory_space<vmem>> -> memref<80xi32, #tpu.memory_space<vmem>>
      %dma_start3A_111 = arith.constant 0 : i32
      %dma_start3A_112 = arith.constant 0 : i32
      %dma_start3A_113 = tpu.memref_slice %arg2[%dma_start3A_111, %dma_start3A_112] : memref<800x128xf32, #tpu.memory_space<hbm>> -> memref<800x128xf32, #tpu.memory_space<hbm>>
      tpu.enqueue_indirect_dma source(%dma_start3A_113 : memref<800x128xf32, #tpu.memory_space<hbm>>) target(%arg11 : memref<80x128xf32, #tpu.memory_space<vmem>>) offsets(%dma_start3A_110 : memref<80xi32, #tpu.memory_space<vmem>>) semaphore(%arg19 : memref<!tpu.dma_semaphore, #tpu.memory_space<semaphore_mem>>)
      %add3A_114 = arith.constant 2 : i32
      %add3A_115 = arith.addi %mul3A_79, %add3A_114 : i32
      %dma_wait3A_116 = arith.constant 0 : i32
      %dma_wait3A_117 = arith.constant 0 : i32
      %dma_wait3A_118 = tpu.memref_slice %arg3[%arg0, %arg1, %add3A_115, %dma_wait3A_116, %dma_wait3A_117] : memref<2x16x252x2x80xi32, #tpu.memory_space<hbm>> -> memref<1x1x1x2x80xi32, #tpu.memory_space<hbm>>
      %dma_wait3A_119 = tpu.memref_squeeze %dma_wait3A_118 : memref<1x1x1x2x80xi32, #tpu.memory_space<hbm>> -> memref<2x80xi32, #tpu.memory_space<hbm>>
      %dma_wait3A_120 = arith.constant 0 : i32
      %dma_wait3A_121 = arith.constant 0 : i32
      %dma_wait3A_122 = tpu.memref_slice %arg3[%arg0, %arg1, %add3A_115, %dma_wait3A_120, %dma_wait3A_121] : memref<2x16x252x2x80xi32, #tpu.memory_space<hbm>> -> memref<1x1x1x2x80xi32, #tpu.memory_space<hbm>>
      %dma_wait3A_123 = tpu.memref_squeeze %dma_wait3A_122 : memref<1x1x1x2x80xi32, #tpu.memory_space<hbm>> -> memref<2x80xi32, #tpu.memory_space<hbm>>
      tpu.wait_dma2 semaphore(%arg16 : memref<!tpu.dma_semaphore, #tpu.memory_space<semaphore_mem>>) src(%dma_wait3A_123 : memref<2x80xi32, #tpu.memory_space<hbm>>) dst(%arg8 : memref<2x80xi32, #tpu.memory_space<vmem>>)
      %dma_start3A_124 = arith.constant 0 : i32
      %dma_start3A_125 = arith.constant 0 : i32
      %dma_start3A_126 = tpu.memref_slice %arg8[%dma_start3A_124, %dma_start3A_125] : memref<2x80xi32, #tpu.memory_space<vmem>> -> memref<1x80xi32, #tpu.memory_space<vmem>>
      %dma_start3A_127 = tpu.memref_squeeze %dma_start3A_126 : memref<1x80xi32, #tpu.memory_space<vmem>> -> memref<80xi32, #tpu.memory_space<vmem>>
      %dma_start3A_128 = arith.constant 0 : i32
      %dma_start3A_129 = arith.constant 0 : i32
      %dma_start3A_130 = tpu.memref_slice %arg2[%dma_start3A_128, %dma_start3A_129] : memref<800x128xf32, #tpu.memory_space<hbm>> -> memref<800x128xf32, #tpu.memory_space<hbm>>
      tpu.enqueue_indirect_dma source(%dma_start3A_130 : memref<800x128xf32, #tpu.memory_space<hbm>>) target(%arg12 : memref<80x128xf32, #tpu.memory_space<vmem>>) offsets(%dma_start3A_127 : memref<80xi32, #tpu.memory_space<vmem>>) semaphore(%arg20 : memref<!tpu.dma_semaphore, #tpu.memory_space<semaphore_mem>>)
      %add3A_131 = arith.constant 3 : i32
      %add3A_132 = arith.addi %mul3A_79, %add3A_131 : i32
      %dma_wait3A_133 = arith.constant 0 : i32
      %dma_wait3A_134 = arith.constant 0 : i32
      %dma_wait3A_135 = tpu.memref_slice %arg3[%arg0, %arg1, %add3A_132, %dma_wait3A_133, %dma_wait3A_134] : memref<2x16x252x2x80xi32, #tpu.memory_space<hbm>> -> memref<1x1x1x2x80xi32, #tpu.memory_space<hbm>>
      %dma_wait3A_136 = tpu.memref_squeeze %dma_wait3A_135 : memref<1x1x1x2x80xi32, #tpu.memory_space<hbm>> -> memref<2x80xi32, #tpu.memory_space<hbm>>
      %dma_wait3A_137 = arith.constant 0 : i32
      %dma_wait3A_138 = arith.constant 0 : i32
      %dma_wait3A_139 = tpu.memref_slice %arg3[%arg0, %arg1, %add3A_132, %dma_wait3A_137, %dma_wait3A_138] : memref<2x16x252x2x80xi32, #tpu.memory_space<hbm>> -> memref<1x1x1x2x80xi32, #tpu.memory_space<hbm>>
      %dma_wait3A_140 = tpu.memref_squeeze %dma_wait3A_139 : memref<1x1x1x2x80xi32, #tpu.memory_space<hbm>> -> memref<2x80xi32, #tpu.memory_space<hbm>>
      tpu.wait_dma2 semaphore(%arg17 : memref<!tpu.dma_semaphore, #tpu.memory_space<semaphore_mem>>) src(%dma_wait3A_140 : memref<2x80xi32, #tpu.memory_space<hbm>>) dst(%arg9 : memref<2x80xi32, #tpu.memory_space<vmem>>)
      %dma_start3A_141 = arith.constant 0 : i32
      %dma_start3A_142 = arith.constant 0 : i32
      %dma_start3A_143 = tpu.memref_slice %arg9[%dma_start3A_141, %dma_start3A_142] : memref<2x80xi32, #tpu.memory_space<vmem>> -> memref<1x80xi32, #tpu.memory_space<vmem>>
      %dma_start3A_144 = tpu.memref_squeeze %dma_start3A_143 : memref<1x80xi32, #tpu.memory_space<vmem>> -> memref<80xi32, #tpu.memory_space<vmem>>
      %dma_start3A_145 = arith.constant 0 : i32
      %dma_start3A_146 = arith.constant 0 : i32
      %dma_start3A_147 = tpu.memref_slice %arg2[%dma_start3A_145, %dma_start3A_146] : memref<800x128xf32, #tpu.memory_space<hbm>> -> memref<800x128xf32, #tpu.memory_space<hbm>>
      tpu.enqueue_indirect_dma source(%dma_start3A_147 : memref<800x128xf32, #tpu.memory_space<hbm>>) target(%arg13 : memref<80x128xf32, #tpu.memory_space<vmem>>) offsets(%dma_start3A_144 : memref<80xi32, #tpu.memory_space<vmem>>) semaphore(%arg21 : memref<!tpu.dma_semaphore, #tpu.memory_space<semaphore_mem>>)
      %dma_wait3A_148 = arith.constant 0 : i32
      %dma_wait3A_149 = arith.constant 0 : i32
      %dma_wait3A_150 = tpu.memref_slice %arg6[%dma_wait3A_148, %dma_wait3A_149] : memref<2x80xi32, #tpu.memory_space<vmem>> -> memref<1x80xi32, #tpu.memory_space<vmem>>
      %dma_wait3A_151 = tpu.memref_squeeze %dma_wait3A_150 : memref<1x80xi32, #tpu.memory_space<vmem>> -> memref<80xi32, #tpu.memory_space<vmem>>
      %dma_wait3A_152 = arith.constant 0 : i32
      %dma_wait3A_153 = arith.constant 0 : i32
      %dma_wait3A_154 = tpu.memref_slice %arg2[%dma_wait3A_152, %dma_wait3A_153] : memref<800x128xf32, #tpu.memory_space<hbm>> -> memref<800x128xf32, #tpu.memory_space<hbm>>
      tpu.wait_indirect_dma semaphore(%arg18 : memref<!tpu.dma_semaphore, #tpu.memory_space<semaphore_mem>>) src(%dma_wait3A_154 : memref<800x128xf32, #tpu.memory_space<hbm>>) dst(%arg10 : memref<80x128xf32, #tpu.memory_space<vmem>>)
      %dma_start3A_155 = arith.constant 1 : i32
      %dma_start3A_156 = arith.constant 0 : i32
      %dma_start3A_157 = tpu.memref_slice %arg6[%dma_start3A_155, %dma_start3A_156] : memref<2x80xi32, #tpu.memory_space<vmem>> -> memref<1x80xi32, #tpu.memory_space<vmem>>
      %dma_start3A_158 = tpu.memref_squeeze %dma_start3A_157 : memref<1x80xi32, #tpu.memory_space<vmem>> -> memref<80xi32, #tpu.memory_space<vmem>>
      %dma_start3A_159 = arith.constant 0 : i32
      %dma_start3A_160 = arith.constant 0 : i32
      %dma_start3A_161 = tpu.memref_slice %arg26[%dma_start3A_159, %dma_start3A_160] : memref<10008x128xf32, #tpu.memory_space<vmem_shared>> -> memref<10008x128xf32, #tpu.memory_space<vmem_shared>>
      tpu.enqueue_indirect_dma source(%arg10 : memref<80x128xf32, #tpu.memory_space<vmem>>) target(%dma_start3A_161 : memref<10008x128xf32, #tpu.memory_space<vmem_shared>>) offsets(%dma_start3A_158 : memref<80xi32, #tpu.memory_space<vmem>>) semaphore(%arg22 : memref<!tpu.dma_semaphore, #tpu.memory_space<semaphore_mem>>) {add = true}
      %dma_wait3A_162 = arith.constant 0 : i32
      %dma_wait3A_163 = arith.constant 0 : i32
      %dma_wait3A_164 = tpu.memref_slice %arg7[%dma_wait3A_162, %dma_wait3A_163] : memref<2x80xi32, #tpu.memory_space<vmem>> -> memref<1x80xi32, #tpu.memory_space<vmem>>
      %dma_wait3A_165 = tpu.memref_squeeze %dma_wait3A_164 : memref<1x80xi32, #tpu.memory_space<vmem>> -> memref<80xi32, #tpu.memory_space<vmem>>
      %dma_wait3A_166 = arith.constant 0 : i32
      %dma_wait3A_167 = arith.constant 0 : i32
      %dma_wait3A_168 = tpu.memref_slice %arg2[%dma_wait3A_166, %dma_wait3A_167] : memref<800x128xf32, #tpu.memory_space<hbm>> -> memref<800x128xf32, #tpu.memory_space<hbm>>
      tpu.wait_indirect_dma semaphore(%arg19 : memref<!tpu.dma_semaphore, #tpu.memory_space<semaphore_mem>>) src(%dma_wait3A_168 : memref<800x128xf32, #tpu.memory_space<hbm>>) dst(%arg11 : memref<80x128xf32, #tpu.memory_space<vmem>>)
      %dma_start3A_169 = arith.constant 1 : i32
      %dma_start3A_170 = arith.constant 0 : i32
      %dma_start3A_171 = tpu.memref_slice %arg7[%dma_start3A_169, %dma_start3A_170] : memref<2x80xi32, #tpu.memory_space<vmem>> -> memref<1x80xi32, #tpu.memory_space<vmem>>
      %dma_start3A_172 = tpu.memref_squeeze %dma_start3A_171 : memref<1x80xi32, #tpu.memory_space<vmem>> -> memref<80xi32, #tpu.memory_space<vmem>>
      %dma_start3A_173 = arith.constant 0 : i32
      %dma_start3A_174 = arith.constant 0 : i32
      %dma_start3A_175 = tpu.memref_slice %arg26[%dma_start3A_173, %dma_start3A_174] : memref<10008x128xf32, #tpu.memory_space<vmem_shared>> -> memref<10008x128xf32, #tpu.memory_space<vmem_shared>>
      tpu.enqueue_indirect_dma source(%arg11 : memref<80x128xf32, #tpu.memory_space<vmem>>) target(%dma_start3A_175 : memref<10008x128xf32, #tpu.memory_space<vmem_shared>>) offsets(%dma_start3A_172 : memref<80xi32, #tpu.memory_space<vmem>>) semaphore(%arg23 : memref<!tpu.dma_semaphore, #tpu.memory_space<semaphore_mem>>) {add = true}
      %dma_wait3A_176 = arith.constant 0 : i32
      %dma_wait3A_177 = arith.constant 0 : i32
      %dma_wait3A_178 = tpu.memref_slice %arg8[%dma_wait3A_176, %dma_wait3A_177] : memref<2x80xi32, #tpu.memory_space<vmem>> -> memref<1x80xi32, #tpu.memory_space<vmem>>
      %dma_wait3A_179 = tpu.memref_squeeze %dma_wait3A_178 : memref<1x80xi32, #tpu.memory_space<vmem>> -> memref<80xi32, #tpu.memory_space<vmem>>
      %dma_wait3A_180 = arith.constant 0 : i32
      %dma_wait3A_181 = arith.constant 0 : i32
      %dma_wait3A_182 = tpu.memref_slice %arg2[%dma_wait3A_180, %dma_wait3A_181] : memref<800x128xf32, #tpu.memory_space<hbm>> -> memref<800x128xf32, #tpu.memory_space<hbm>>
      tpu.wait_indirect_dma semaphore(%arg20 : memref<!tpu.dma_semaphore, #tpu.memory_space<semaphore_mem>>) src(%dma_wait3A_182 : memref<800x128xf32, #tpu.memory_space<hbm>>) dst(%arg12 : memref<80x128xf32, #tpu.memory_space<vmem>>)
      %dma_start3A_183 = arith.constant 1 : i32
      %dma_start3A_184 = arith.constant 0 : i32
      %dma_start3A_185 = tpu.memref_slice %arg8[%dma_start3A_183, %dma_start3A_184] : memref<2x80xi32, #tpu.memory_space<vmem>> -> memref<1x80xi32, #tpu.memory_space<vmem>>
      %dma_start3A_186 = tpu.memref_squeeze %dma_start3A_185 : memref<1x80xi32, #tpu.memory_space<vmem>> -> memref<80xi32, #tpu.memory_space<vmem>>
      %dma_start3A_187 = arith.constant 0 : i32
      %dma_start3A_188 = arith.constant 0 : i32
      %dma_start3A_189 = tpu.memref_slice %arg26[%dma_start3A_187, %dma_start3A_188] : memref<10008x128xf32, #tpu.memory_space<vmem_shared>> -> memref<10008x128xf32, #tpu.memory_space<vmem_shared>>
      tpu.enqueue_indirect_dma source(%arg12 : memref<80x128xf32, #tpu.memory_space<vmem>>) target(%dma_start3A_189 : memref<10008x128xf32, #tpu.memory_space<vmem_shared>>) offsets(%dma_start3A_186 : memref<80xi32, #tpu.memory_space<vmem>>) semaphore(%arg24 : memref<!tpu.dma_semaphore, #tpu.memory_space<semaphore_mem>>) {add = true}
      %dma_wait3A_190 = arith.constant 0 : i32
      %dma_wait3A_191 = arith.constant 0 : i32
      %dma_wait3A_192 = tpu.memref_slice %arg9[%dma_wait3A_190, %dma_wait3A_191] : memref<2x80xi32, #tpu.memory_space<vmem>> -> memref<1x80xi32, #tpu.memory_space<vmem>>
      %dma_wait3A_193 = tpu.memref_squeeze %dma_wait3A_192 : memref<1x80xi32, #tpu.memory_space<vmem>> -> memref<80xi32, #tpu.memory_space<vmem>>
      %dma_wait3A_194 = arith.constant 0 : i32
      %dma_wait3A_195 = arith.constant 0 : i32
      %dma_wait3A_196 = tpu.memref_slice %arg2[%dma_wait3A_194, %dma_wait3A_195] : memref<800x128xf32, #tpu.memory_space<hbm>> -> memref<800x128xf32, #tpu.memory_space<hbm>>
      tpu.wait_indirect_dma semaphore(%arg21 : memref<!tpu.dma_semaphore, #tpu.memory_space<semaphore_mem>>) src(%dma_wait3A_196 : memref<800x128xf32, #tpu.memory_space<hbm>>) dst(%arg13 : memref<80x128xf32, #tpu.memory_space<vmem>>)
      %dma_start3A_197 = arith.constant 1 : i32
      %dma_start3A_198 = arith.constant 0 : i32
      %dma_start3A_199 = tpu.memref_slice %arg9[%dma_start3A_197, %dma_start3A_198] : memref<2x80xi32, #tpu.memory_space<vmem>> -> memref<1x80xi32, #tpu.memory_space<vmem>>
      %dma_start3A_200 = tpu.memref_squeeze %dma_start3A_199 : memref<1x80xi32, #tpu.memory_space<vmem>> -> memref<80xi32, #tpu.memory_space<vmem>>
      %dma_start3A_201 = arith.constant 0 : i32
      %dma_start3A_202 = arith.constant 0 : i32
      %dma_start3A_203 = tpu.memref_slice %arg26[%dma_start3A_201, %dma_start3A_202] : memref<10008x128xf32, #tpu.memory_space<vmem_shared>> -> memref<10008x128xf32, #tpu.memory_space<vmem_shared>>
      tpu.enqueue_indirect_dma source(%arg13 : memref<80x128xf32, #tpu.memory_space<vmem>>) target(%dma_start3A_203 : memref<10008x128xf32, #tpu.memory_space<vmem_shared>>) offsets(%dma_start3A_200 : memref<80xi32, #tpu.memory_space<vmem>>) semaphore(%arg25 : memref<!tpu.dma_semaphore, #tpu.memory_space<semaphore_mem>>) {add = true}
      %lt3A = arith.constant 62 : i32
      %lt3A_204 = arith.cmpi slt, %scan3A_76, %lt3A : i32
      %convert_element_type3A = arith.extui %lt3A_204 : i1 to i32
      %cond3A = arith.constant 0 : i32
      %cond3A_205 = arith.cmpi ne, %convert_element_type3A, %cond3A : i32
      scf.if %cond3A_205 {
        %dma_wait3A_207 = arith.constant 1 : i32
        %dma_wait3A_208 = arith.constant 0 : i32
        %dma_wait3A_209 = tpu.memref_slice %arg6[%dma_wait3A_207, %dma_wait3A_208] : memref<2x80xi32, #tpu.memory_space<vmem>> -> memref<1x80xi32, #tpu.memory_space<vmem>>
        %dma_wait3A_210 = tpu.memref_squeeze %dma_wait3A_209 : memref<1x80xi32, #tpu.memory_space<vmem>> -> memref<80xi32, #tpu.memory_space<vmem>>
        %dma_wait3A_211 = arith.constant 0 : i32
        %dma_wait3A_212 = arith.constant 0 : i32
        %dma_wait3A_213 = tpu.memref_slice %arg26[%dma_wait3A_211, %dma_wait3A_212] : memref<10008x128xf32, #tpu.memory_space<vmem_shared>> -> memref<10008x128xf32, #tpu.memory_space<vmem_shared>>
        tpu.wait_indirect_dma semaphore(%arg22 : memref<!tpu.dma_semaphore, #tpu.memory_space<semaphore_mem>>) src(%arg10 : memref<80x128xf32, #tpu.memory_space<vmem>>) dst(%dma_wait3A_213 : memref<10008x128xf32, #tpu.memory_space<vmem_shared>>)
        %add3A_214 = arith.constant 4 : i32
        %add3A_215 = arith.addi %mul3A_79, %add3A_214 : i32
        %add3A_216 = arith.constant 0 : i32
        %add3A_217 = arith.addi %add3A_215, %add3A_216 : i32
        %dma_start3A_218 = arith.constant 0 : i32
        %dma_start3A_219 = arith.constant 0 : i32
        %dma_start3A_220 = tpu.memref_slice %arg3[%arg0, %arg1, %add3A_217, %dma_start3A_218, %dma_start3A_219] : memref<2x16x252x2x80xi32, #tpu.memory_space<hbm>> -> memref<1x1x1x2x80xi32, #tpu.memory_space<hbm>>
        %dma_start3A_221 = tpu.memref_squeeze %dma_start3A_220 : memref<1x1x1x2x80xi32, #tpu.memory_space<hbm>> -> memref<2x80xi32, #tpu.memory_space<hbm>>
        %dma_start3A_222 = arith.constant 0 : i32
        %dma_start3A_223 = arith.constant 0 : i32
        %dma_start3A_224 = tpu.memref_slice %arg3[%arg0, %arg1, %add3A_217, %dma_start3A_222, %dma_start3A_223] : memref<2x16x252x2x80xi32, #tpu.memory_space<hbm>> -> memref<1x1x1x2x80xi32, #tpu.memory_space<hbm>>
        %dma_start3A_225 = tpu.memref_squeeze %dma_start3A_224 : memref<1x1x1x2x80xi32, #tpu.memory_space<hbm>> -> memref<2x80xi32, #tpu.memory_space<hbm>>
        tpu.enqueue_dma source(%dma_start3A_225 : memref<2x80xi32, #tpu.memory_space<hbm>>) target(%arg6 : memref<2x80xi32, #tpu.memory_space<vmem>>) target_semaphore(%arg14 : memref<!tpu.dma_semaphore, #tpu.memory_space<semaphore_mem>>)
        %dma_wait3A_226 = arith.constant 1 : i32
        %dma_wait3A_227 = arith.constant 0 : i32
        %dma_wait3A_228 = tpu.memref_slice %arg7[%dma_wait3A_226, %dma_wait3A_227] : memref<2x80xi32, #tpu.memory_space<vmem>> -> memref<1x80xi32, #tpu.memory_space<vmem>>
        %dma_wait3A_229 = tpu.memref_squeeze %dma_wait3A_228 : memref<1x80xi32, #tpu.memory_space<vmem>> -> memref<80xi32, #tpu.memory_space<vmem>>
        %dma_wait3A_230 = arith.constant 0 : i32
        %dma_wait3A_231 = arith.constant 0 : i32
        %dma_wait3A_232 = tpu.memref_slice %arg26[%dma_wait3A_230, %dma_wait3A_231] : memref<10008x128xf32, #tpu.memory_space<vmem_shared>> -> memref<10008x128xf32, #tpu.memory_space<vmem_shared>>
        tpu.wait_indirect_dma semaphore(%arg23 : memref<!tpu.dma_semaphore, #tpu.memory_space<semaphore_mem>>) src(%arg11 : memref<80x128xf32, #tpu.memory_space<vmem>>) dst(%dma_wait3A_232 : memref<10008x128xf32, #tpu.memory_space<vmem_shared>>)
        %add3A_233 = arith.constant 4 : i32
        %add3A_234 = arith.addi %mul3A_79, %add3A_233 : i32
        %add3A_235 = arith.constant 1 : i32
        %add3A_236 = arith.addi %add3A_234, %add3A_235 : i32
        %dma_start3A_237 = arith.constant 0 : i32
        %dma_start3A_238 = arith.constant 0 : i32
        %dma_start3A_239 = tpu.memref_slice %arg3[%arg0, %arg1, %add3A_236, %dma_start3A_237, %dma_start3A_238] : memref<2x16x252x2x80xi32, #tpu.memory_space<hbm>> -> memref<1x1x1x2x80xi32, #tpu.memory_space<hbm>>
        %dma_start3A_240 = tpu.memref_squeeze %dma_start3A_239 : memref<1x1x1x2x80xi32, #tpu.memory_space<hbm>> -> memref<2x80xi32, #tpu.memory_space<hbm>>
        %dma_start3A_241 = arith.constant 0 : i32
        %dma_start3A_242 = arith.constant 0 : i32
        %dma_start3A_243 = tpu.memref_slice %arg3[%arg0, %arg1, %add3A_236, %dma_start3A_241, %dma_start3A_242] : memref<2x16x252x2x80xi32, #tpu.memory_space<hbm>> -> memref<1x1x1x2x80xi32, #tpu.memory_space<hbm>>
        %dma_start3A_244 = tpu.memref_squeeze %dma_start3A_243 : memref<1x1x1x2x80xi32, #tpu.memory_space<hbm>> -> memref<2x80xi32, #tpu.memory_space<hbm>>
        tpu.enqueue_dma source(%dma_start3A_244 : memref<2x80xi32, #tpu.memory_space<hbm>>) target(%arg7 : memref<2x80xi32, #tpu.memory_space<vmem>>) target_semaphore(%arg15 : memref<!tpu.dma_semaphore, #tpu.memory_space<semaphore_mem>>)
        %dma_wait3A_245 = arith.constant 1 : i32
        %dma_wait3A_246 = arith.constant 0 : i32
        %dma_wait3A_247 = tpu.memref_slice %arg8[%dma_wait3A_245, %dma_wait3A_246] : memref<2x80xi32, #tpu.memory_space<vmem>> -> memref<1x80xi32, #tpu.memory_space<vmem>>
        %dma_wait3A_248 = tpu.memref_squeeze %dma_wait3A_247 : memref<1x80xi32, #tpu.memory_space<vmem>> -> memref<80xi32, #tpu.memory_space<vmem>>
        %dma_wait3A_249 = arith.constant 0 : i32
        %dma_wait3A_250 = arith.constant 0 : i32
        %dma_wait3A_251 = tpu.memref_slice %arg26[%dma_wait3A_249, %dma_wait3A_250] : memref<10008x128xf32, #tpu.memory_space<vmem_shared>> -> memref<10008x128xf32, #tpu.memory_space<vmem_shared>>
        tpu.wait_indirect_dma semaphore(%arg24 : memref<!tpu.dma_semaphore, #tpu.memory_space<semaphore_mem>>) src(%arg12 : memref<80x128xf32, #tpu.memory_space<vmem>>) dst(%dma_wait3A_251 : memref<10008x128xf32, #tpu.memory_space<vmem_shared>>)
        %add3A_252 = arith.constant 4 : i32
        %add3A_253 = arith.addi %mul3A_79, %add3A_252 : i32
        %add3A_254 = arith.constant 2 : i32
        %add3A_255 = arith.addi %add3A_253, %add3A_254 : i32
        %dma_start3A_256 = arith.constant 0 : i32
        %dma_start3A_257 = arith.constant 0 : i32
        %dma_start3A_258 = tpu.memref_slice %arg3[%arg0, %arg1, %add3A_255, %dma_start3A_256, %dma_start3A_257] : memref<2x16x252x2x80xi32, #tpu.memory_space<hbm>> -> memref<1x1x1x2x80xi32, #tpu.memory_space<hbm>>
        %dma_start3A_259 = tpu.memref_squeeze %dma_start3A_258 : memref<1x1x1x2x80xi32, #tpu.memory_space<hbm>> -> memref<2x80xi32, #tpu.memory_space<hbm>>
        %dma_start3A_260 = arith.constant 0 : i32
        %dma_start3A_261 = arith.constant 0 : i32
        %dma_start3A_262 = tpu.memref_slice %arg3[%arg0, %arg1, %add3A_255, %dma_start3A_260, %dma_start3A_261] : memref<2x16x252x2x80xi32, #tpu.memory_space<hbm>> -> memref<1x1x1x2x80xi32, #tpu.memory_space<hbm>>
        %dma_start3A_263 = tpu.memref_squeeze %dma_start3A_262 : memref<1x1x1x2x80xi32, #tpu.memory_space<hbm>> -> memref<2x80xi32, #tpu.memory_space<hbm>>
        tpu.enqueue_dma source(%dma_start3A_263 : memref<2x80xi32, #tpu.memory_space<hbm>>) target(%arg8 : memref<2x80xi32, #tpu.memory_space<vmem>>) target_semaphore(%arg16 : memref<!tpu.dma_semaphore, #tpu.memory_space<semaphore_mem>>)
        %dma_wait3A_264 = arith.constant 1 : i32
        %dma_wait3A_265 = arith.constant 0 : i32
        %dma_wait3A_266 = tpu.memref_slice %arg9[%dma_wait3A_264, %dma_wait3A_265] : memref<2x80xi32, #tpu.memory_space<vmem>> -> memref<1x80xi32, #tpu.memory_space<vmem>>
        %dma_wait3A_267 = tpu.memref_squeeze %dma_wait3A_266 : memref<1x80xi32, #tpu.memory_space<vmem>> -> memref<80xi32, #tpu.memory_space<vmem>>
        %dma_wait3A_268 = arith.constant 0 : i32
        %dma_wait3A_269 = arith.constant 0 : i32
        %dma_wait3A_270 = tpu.memref_slice %arg26[%dma_wait3A_268, %dma_wait3A_269] : memref<10008x128xf32, #tpu.memory_space<vmem_shared>> -> memref<10008x128xf32, #tpu.memory_space<vmem_shared>>
        tpu.wait_indirect_dma semaphore(%arg25 : memref<!tpu.dma_semaphore, #tpu.memory_space<semaphore_mem>>) src(%arg13 : memref<80x128xf32, #tpu.memory_space<vmem>>) dst(%dma_wait3A_270 : memref<10008x128xf32, #tpu.memory_space<vmem_shared>>)
        %add3A_271 = arith.constant 4 : i32
        %add3A_272 = arith.addi %mul3A_79, %add3A_271 : i32
        %add3A_273 = arith.constant 3 : i32
        %add3A_274 = arith.addi %add3A_272, %add3A_273 : i32
        %dma_start3A_275 = arith.constant 0 : i32
        %dma_start3A_276 = arith.constant 0 : i32
        %dma_start3A_277 = tpu.memref_slice %arg3[%arg0, %arg1, %add3A_274, %dma_start3A_275, %dma_start3A_276] : memref<2x16x252x2x80xi32, #tpu.memory_space<hbm>> -> memref<1x1x1x2x80xi32, #tpu.memory_space<hbm>>
        %dma_start3A_278 = tpu.memref_squeeze %dma_start3A_277 : memref<1x1x1x2x80xi32, #tpu.memory_space<hbm>> -> memref<2x80xi32, #tpu.memory_space<hbm>>
        %dma_start3A_279 = arith.constant 0 : i32
        %dma_start3A_280 = arith.constant 0 : i32
        %dma_start3A_281 = tpu.memref_slice %arg3[%arg0, %arg1, %add3A_274, %dma_start3A_279, %dma_start3A_280] : memref<2x16x252x2x80xi32, #tpu.memory_space<hbm>> -> memref<1x1x1x2x80xi32, #tpu.memory_space<hbm>>
        %dma_start3A_282 = tpu.memref_squeeze %dma_start3A_281 : memref<1x1x1x2x80xi32, #tpu.memory_space<hbm>> -> memref<2x80xi32, #tpu.memory_space<hbm>>
        tpu.enqueue_dma source(%dma_start3A_282 : memref<2x80xi32, #tpu.memory_space<hbm>>) target(%arg9 : memref<2x80xi32, #tpu.memory_space<vmem>>) target_semaphore(%arg17 : memref<!tpu.dma_semaphore, #tpu.memory_space<semaphore_mem>>)
      } else {
      }
      %scan3A_206 = arith.constant 0 : i32
      scf.yield %scan3A_206 : i32
    }
    %scan3A_41 = arith.constant 63 : i32
    %dma_wait3A = arith.constant 1 : i32
    %dma_wait3A_42 = arith.constant 0 : i32
    %dma_wait3A_43 = tpu.memref_slice %arg6[%dma_wait3A, %dma_wait3A_42] : memref<2x80xi32, #tpu.memory_space<vmem>> -> memref<1x80xi32, #tpu.memory_space<vmem>>
    %dma_wait3A_44 = tpu.memref_squeeze %dma_wait3A_43 : memref<1x80xi32, #tpu.memory_space<vmem>> -> memref<80xi32, #tpu.memory_space<vmem>>
    %dma_wait3A_45 = arith.constant 0 : i32
    %dma_wait3A_46 = arith.constant 0 : i32
    %dma_wait3A_47 = tpu.memref_slice %arg26[%dma_wait3A_45, %dma_wait3A_46] : memref<10008x128xf32, #tpu.memory_space<vmem_shared>> -> memref<10008x128xf32, #tpu.memory_space<vmem_shared>>
    tpu.wait_indirect_dma semaphore(%arg22 : memref<!tpu.dma_semaphore, #tpu.memory_space<semaphore_mem>>) src(%arg10 : memref<80x128xf32, #tpu.memory_space<vmem>>) dst(%dma_wait3A_47 : memref<10008x128xf32, #tpu.memory_space<vmem_shared>>)
    %dma_wait3A_48 = arith.constant 1 : i32
    %dma_wait3A_49 = arith.constant 0 : i32
    %dma_wait3A_50 = tpu.memref_slice %arg7[%dma_wait3A_48, %dma_wait3A_49] : memref<2x80xi32, #tpu.memory_space<vmem>> -> memref<1x80xi32, #tpu.memory_space<vmem>>
    %dma_wait3A_51 = tpu.memref_squeeze %dma_wait3A_50 : memref<1x80xi32, #tpu.memory_space<vmem>> -> memref<80xi32, #tpu.memory_space<vmem>>
    %dma_wait3A_52 = arith.constant 0 : i32
    %dma_wait3A_53 = arith.constant 0 : i32
    %dma_wait3A_54 = tpu.memref_slice %arg26[%dma_wait3A_52, %dma_wait3A_53] : memref<10008x128xf32, #tpu.memory_space<vmem_shared>> -> memref<10008x128xf32, #tpu.memory_space<vmem_shared>>
    tpu.wait_indirect_dma semaphore(%arg23 : memref<!tpu.dma_semaphore, #tpu.memory_space<semaphore_mem>>) src(%arg11 : memref<80x128xf32, #tpu.memory_space<vmem>>) dst(%dma_wait3A_54 : memref<10008x128xf32, #tpu.memory_space<vmem_shared>>)
    %dma_wait3A_55 = arith.constant 1 : i32
    %dma_wait3A_56 = arith.constant 0 : i32
    %dma_wait3A_57 = tpu.memref_slice %arg8[%dma_wait3A_55, %dma_wait3A_56] : memref<2x80xi32, #tpu.memory_space<vmem>> -> memref<1x80xi32, #tpu.memory_space<vmem>>
    %dma_wait3A_58 = tpu.memref_squeeze %dma_wait3A_57 : memref<1x80xi32, #tpu.memory_space<vmem>> -> memref<80xi32, #tpu.memory_space<vmem>>
    %dma_wait3A_59 = arith.constant 0 : i32
    %dma_wait3A_60 = arith.constant 0 : i32
    %dma_wait3A_61 = tpu.memref_slice %arg26[%dma_wait3A_59, %dma_wait3A_60] : memref<10008x128xf32, #tpu.memory_space<vmem_shared>> -> memref<10008x128xf32, #tpu.memory_space<vmem_shared>>
    tpu.wait_indirect_dma semaphore(%arg24 : memref<!tpu.dma_semaphore, #tpu.memory_space<semaphore_mem>>) src(%arg12 : memref<80x128xf32, #tpu.memory_space<vmem>>) dst(%dma_wait3A_61 : memref<10008x128xf32, #tpu.memory_space<vmem_shared>>)
    %dma_wait3A_62 = arith.constant 1 : i32
    %dma_wait3A_63 = arith.constant 0 : i32
    %dma_wait3A_64 = tpu.memref_slice %arg9[%dma_wait3A_62, %dma_wait3A_63] : memref<2x80xi32, #tpu.memory_space<vmem>> -> memref<1x80xi32, #tpu.memory_space<vmem>>
    %dma_wait3A_65 = tpu.memref_squeeze %dma_wait3A_64 : memref<1x80xi32, #tpu.memory_space<vmem>> -> memref<80xi32, #tpu.memory_space<vmem>>
    %dma_wait3A_66 = arith.constant 0 : i32
    %dma_wait3A_67 = arith.constant 0 : i32
    %dma_wait3A_68 = tpu.memref_slice %arg26[%dma_wait3A_66, %dma_wait3A_67] : memref<10008x128xf32, #tpu.memory_space<vmem_shared>> -> memref<10008x128xf32, #tpu.memory_space<vmem_shared>>
    tpu.wait_indirect_dma semaphore(%arg25 : memref<!tpu.dma_semaphore, #tpu.memory_space<semaphore_mem>>) src(%arg13 : memref<80x128xf32, #tpu.memory_space<vmem>>) dst(%dma_wait3A_68 : memref<10008x128xf32, #tpu.memory_space<vmem_shared>>)
    %barrier3A_69 = arith.constant 0 : index
    tpu.barrier barrier_id(%barrier3A_69)
    %mul3A_70 = arith.constant 624 : i32
    %mul3A_71 = arith.muli %arg1, %mul3A_70 : i32
    %mul3A_72 = arith.constant 10000 : i32
    %mul3A_73 = arith.muli %arg0, %mul3A_72 : i32
    %mul3A_74 = arith.constant 624 : i32
    %mul3A_75 = arith.muli %arg1, %mul3A_74 : i32
    %add3A = arith.addi %mul3A_73, %mul3A_75 : i32
    "tpu.region"() ({
      %run_scoped3A = tpu.sem_alloc : memref<!tpu.dma_semaphore, #tpu.memory_space<semaphore_mem>>
      %dma_start3A_76 = arith.constant 0 : i32
      %dma_start3A_77 = tpu.memref_slice %arg5[%add3A, %dma_start3A_76] : memref<20000x128xf32, #tpu.memory_space<hbm>> -> memref<640x128xf32, #tpu.memory_space<hbm>>
      %dma_start3A_78 = arith.constant 0 : i32
      %dma_start3A_79 = tpu.memref_slice %arg26[%mul3A_71, %dma_start3A_78] : memref<10008x128xf32, #tpu.memory_space<vmem_shared>> -> memref<640x128xf32, #tpu.memory_space<vmem_shared>>
      tpu.enqueue_dma source(%dma_start3A_79 : memref<640x128xf32, #tpu.memory_space<vmem_shared>>) target(%dma_start3A_77 : memref<640x128xf32, #tpu.memory_space<hbm>>) target_semaphore(%run_scoped3A : memref<!tpu.dma_semaphore, #tpu.memory_space<semaphore_mem>>)
      %dma_wait3A_80 = arith.constant 0 : i32
      %dma_wait3A_81 = tpu.memref_slice %arg5[%add3A, %dma_wait3A_80] : memref<20000x128xf32, #tpu.memory_space<hbm>> -> memref<640x128xf32, #tpu.memory_space<hbm>>
      %dma_wait3A_82 = arith.constant 0 : i32
      %dma_wait3A_83 = tpu.memref_slice %arg26[%mul3A_71, %dma_wait3A_82] : memref<10008x128xf32, #tpu.memory_space<vmem_shared>> -> memref<640x128xf32, #tpu.memory_space<vmem_shared>>
      tpu.wait_dma2 semaphore(%run_scoped3A : memref<!tpu.dma_semaphore, #tpu.memory_space<semaphore_mem>>) src(%dma_wait3A_83 : memref<640x128xf32, #tpu.memory_space<vmem_shared>>) dst(%dma_wait3A_81 : memref<640x128xf32, #tpu.memory_space<hbm>>)
      tpu.yield
    }) : () -> ()
    return
  }
}

#map = affine_map<(d0, d1) -> (0, 0)>
#map1 = affine_map<(d0, d1) -> (0, 0, 0, 0, 0)>
module attributes {stable_mosaic.version = 14 : i64} {
  func.func @edge_segsum(%arg0: i32, %arg1: i32, %arg2: memref<20000x128xf32, #tpu.memory_space<hbm>>, %arg3: memref<2x16x252x2x80xi32, #tpu.memory_space<hbm>>, %arg4: memref<640x128xf32, #tpu.memory_space<hbm>>, %arg5: memref<20000x128xf32, #tpu.memory_space<hbm>>, %arg6: memref<2x80xi32, #tpu.memory_space<vmem>>, %arg7: memref<2x80xi32, #tpu.memory_space<vmem>>, %arg8: memref<2x80xi32, #tpu.memory_space<vmem>>, %arg9: memref<2x80xi32, #tpu.memory_space<vmem>>, %arg10: memref<80x128xf32, #tpu.memory_space<vmem>>, %arg11: memref<80x128xf32, #tpu.memory_space<vmem>>, %arg12: memref<80x128xf32, #tpu.memory_space<vmem>>, %arg13: memref<80x128xf32, #tpu.memory_space<vmem>>, %arg14: memref<!tpu.dma_semaphore, #tpu.memory_space<semaphore_mem>>, %arg15: memref<!tpu.dma_semaphore, #tpu.memory_space<semaphore_mem>>, %arg16: memref<!tpu.dma_semaphore, #tpu.memory_space<semaphore_mem>>, %arg17: memref<!tpu.dma_semaphore, #tpu.memory_space<semaphore_mem>>, %arg18: memref<!tpu.dma_semaphore, #tpu.memory_space<semaphore_mem>>, %arg19: memref<!tpu.dma_semaphore, #tpu.memory_space<semaphore_mem>>, %arg20: memref<!tpu.dma_semaphore, #tpu.memory_space<semaphore_mem>>, %arg21: memref<!tpu.dma_semaphore, #tpu.memory_space<semaphore_mem>>, %arg22: memref<!tpu.dma_semaphore, #tpu.memory_space<semaphore_mem>>, %arg23: memref<!tpu.dma_semaphore, #tpu.memory_space<semaphore_mem>>, %arg24: memref<!tpu.dma_semaphore, #tpu.memory_space<semaphore_mem>>, %arg25: memref<!tpu.dma_semaphore, #tpu.memory_space<semaphore_mem>>, %arg26: memref<10008x128xf32, #tpu.memory_space<vmem_shared>>) attributes {dimension_semantics = [#tpu.dimension_semantics<core_parallel>, #tpu.dimension_semantics<subcore_parallel>], iteration_bounds = array<i64: 2, 16>, scalar_prefetch = 0 : i64, scratch_operands = 21 : i64, tpu.core_type = #tpu.core_type<sc_vector_subcore>, window_params = [{transform_indices = #map}, {transform_indices = #map1}, {transform_indices = #map}, {transform_indices = #map}]} {
    %mul3A = arith.constant 624 : i32
    %mul3A_0 = arith.muli %arg1, %mul3A : i32
    "tpu.region"() ({
      %run_scoped3A = tpu.sem_alloc : memref<!tpu.dma_semaphore, #tpu.memory_space<semaphore_mem>>
      %dma_start3A_76 = arith.constant 0 : i32
      %dma_start3A_77 = tpu.memref_slice %arg26[%mul3A_0, %dma_start3A_76] : memref<10008x128xf32, #tpu.memory_space<vmem_shared>> -> memref<640x128xf32, #tpu.memory_space<vmem_shared>>
      tpu.enqueue_dma source(%arg4 : memref<640x128xf32, #tpu.memory_space<hbm>>) target(%dma_start3A_77 : memref<640x128xf32, #tpu.memory_space<vmem_shared>>) target_semaphore(%run_scoped3A : memref<!tpu.dma_semaphore, #tpu.memory_space<semaphore_mem>>)
      %dma_wait3A_78 = arith.constant 0 : i32
      %dma_wait3A_79 = tpu.memref_slice %arg26[%mul3A_0, %dma_wait3A_78] : memref<10008x128xf32, #tpu.memory_space<vmem_shared>> -> memref<640x128xf32, #tpu.memory_space<vmem_shared>>
      tpu.wait_dma2 semaphore(%run_scoped3A : memref<!tpu.dma_semaphore, #tpu.memory_space<semaphore_mem>>) src(%arg4 : memref<640x128xf32, #tpu.memory_space<hbm>>) dst(%dma_wait3A_79 : memref<640x128xf32, #tpu.memory_space<vmem_shared>>)
      tpu.yield
    }) : () -> ()
    %barrier3A = arith.constant 0 : index
    tpu.barrier barrier_id(%barrier3A)
    %dma_start3A = arith.constant 0 : i32
    %dma_start3A_1 = arith.constant 0 : i32
    %dma_start3A_2 = arith.constant 0 : i32
    %dma_start3A_3 = tpu.memref_slice %arg3[%arg0, %arg1, %dma_start3A, %dma_start3A_1, %dma_start3A_2] : memref<2x16x252x2x80xi32, #tpu.memory_space<hbm>> -> memref<1x1x1x2x80xi32, #tpu.memory_space<hbm>>
    %dma_start3A_4 = tpu.memref_squeeze %dma_start3A_3 : memref<1x1x1x2x80xi32, #tpu.memory_space<hbm>> -> memref<2x80xi32, #tpu.memory_space<hbm>>
    %dma_start3A_5 = arith.constant 0 : i32
    %dma_start3A_6 = arith.constant 0 : i32
    %dma_start3A_7 = tpu.memref_slice %arg3[%arg0, %arg1, %dma_start3A, %dma_start3A_5, %dma_start3A_6] : memref<2x16x252x2x80xi32, #tpu.memory_space<hbm>> -> memref<1x1x1x2x80xi32, #tpu.memory_space<hbm>>
    %dma_start3A_8 = tpu.memref_squeeze %dma_start3A_7 : memref<1x1x1x2x80xi32, #tpu.memory_space<hbm>> -> memref<2x80xi32, #tpu.memory_space<hbm>>
    tpu.enqueue_dma source(%dma_start3A_8 : memref<2x80xi32, #tpu.memory_space<hbm>>) target(%arg6 : memref<2x80xi32, #tpu.memory_space<vmem>>) target_semaphore(%arg14 : memref<!tpu.dma_semaphore, #tpu.memory_space<semaphore_mem>>)
    %dma_start3A_9 = arith.constant 1 : i32
    %dma_start3A_10 = arith.constant 0 : i32
    %dma_start3A_11 = arith.constant 0 : i32
    %dma_start3A_12 = tpu.memref_slice %arg3[%arg0, %arg1, %dma_start3A_9, %dma_start3A_10, %dma_start3A_11] : memref<2x16x252x2x80xi32, #tpu.memory_space<hbm>> -> memref<1x1x1x2x80xi32, #tpu.memory_space<hbm>>
    %dma_start3A_13 = tpu.memref_squeeze %dma_start3A_12 : memref<1x1x1x2x80xi32, #tpu.memory_space<hbm>> -> memref<2x80xi32, #tpu.memory_space<hbm>>
    %dma_start3A_14 = arith.constant 0 : i32
    %dma_start3A_15 = arith.constant 0 : i32
    %dma_start3A_16 = tpu.memref_slice %arg3[%arg0, %arg1, %dma_start3A_9, %dma_start3A_14, %dma_start3A_15] : memref<2x16x252x2x80xi32, #tpu.memory_space<hbm>> -> memref<1x1x1x2x80xi32, #tpu.memory_space<hbm>>
    %dma_start3A_17 = tpu.memref_squeeze %dma_start3A_16 : memref<1x1x1x2x80xi32, #tpu.memory_space<hbm>> -> memref<2x80xi32, #tpu.memory_space<hbm>>
    tpu.enqueue_dma source(%dma_start3A_17 : memref<2x80xi32, #tpu.memory_space<hbm>>) target(%arg7 : memref<2x80xi32, #tpu.memory_space<vmem>>) target_semaphore(%arg15 : memref<!tpu.dma_semaphore, #tpu.memory_space<semaphore_mem>>)
    %dma_start3A_18 = arith.constant 2 : i32
    %dma_start3A_19 = arith.constant 0 : i32
    %dma_start3A_20 = arith.constant 0 : i32
    %dma_start3A_21 = tpu.memref_slice %arg3[%arg0, %arg1, %dma_start3A_18, %dma_start3A_19, %dma_start3A_20] : memref<2x16x252x2x80xi32, #tpu.memory_space<hbm>> -> memref<1x1x1x2x80xi32, #tpu.memory_space<hbm>>
    %dma_start3A_22 = tpu.memref_squeeze %dma_start3A_21 : memref<1x1x1x2x80xi32, #tpu.memory_space<hbm>> -> memref<2x80xi32, #tpu.memory_space<hbm>>
    %dma_start3A_23 = arith.constant 0 : i32
    %dma_start3A_24 = arith.constant 0 : i32
    %dma_start3A_25 = tpu.memref_slice %arg3[%arg0, %arg1, %dma_start3A_18, %dma_start3A_23, %dma_start3A_24] : memref<2x16x252x2x80xi32, #tpu.memory_space<hbm>> -> memref<1x1x1x2x80xi32, #tpu.memory_space<hbm>>
    %dma_start3A_26 = tpu.memref_squeeze %dma_start3A_25 : memref<1x1x1x2x80xi32, #tpu.memory_space<hbm>> -> memref<2x80xi32, #tpu.memory_space<hbm>>
    tpu.enqueue_dma source(%dma_start3A_26 : memref<2x80xi32, #tpu.memory_space<hbm>>) target(%arg8 : memref<2x80xi32, #tpu.memory_space<vmem>>) target_semaphore(%arg16 : memref<!tpu.dma_semaphore, #tpu.memory_space<semaphore_mem>>)
    %dma_start3A_27 = arith.constant 3 : i32
    %dma_start3A_28 = arith.constant 0 : i32
    %dma_start3A_29 = arith.constant 0 : i32
    %dma_start3A_30 = tpu.memref_slice %arg3[%arg0, %arg1, %dma_start3A_27, %dma_start3A_28, %dma_start3A_29] : memref<2x16x252x2x80xi32, #tpu.memory_space<hbm>> -> memref<1x1x1x2x80xi32, #tpu.memory_space<hbm>>
    %dma_start3A_31 = tpu.memref_squeeze %dma_start3A_30 : memref<1x1x1x2x80xi32, #tpu.memory_space<hbm>> -> memref<2x80xi32, #tpu.memory_space<hbm>>
    %dma_start3A_32 = arith.constant 0 : i32
    %dma_start3A_33 = arith.constant 0 : i32
    %dma_start3A_34 = tpu.memref_slice %arg3[%arg0, %arg1, %dma_start3A_27, %dma_start3A_32, %dma_start3A_33] : memref<2x16x252x2x80xi32, #tpu.memory_space<hbm>> -> memref<1x1x1x2x80xi32, #tpu.memory_space<hbm>>
    %dma_start3A_35 = tpu.memref_squeeze %dma_start3A_34 : memref<1x1x1x2x80xi32, #tpu.memory_space<hbm>> -> memref<2x80xi32, #tpu.memory_space<hbm>>
    tpu.enqueue_dma source(%dma_start3A_35 : memref<2x80xi32, #tpu.memory_space<hbm>>) target(%arg9 : memref<2x80xi32, #tpu.memory_space<vmem>>) target_semaphore(%arg17 : memref<!tpu.dma_semaphore, #tpu.memory_space<semaphore_mem>>)
    %scan3A = arith.constant 0 : i32
    %scan3A_36 = arith.constant 0 : i32
    %scan3A_37 = arith.constant 63 : i32
    %scan3A_38 = arith.addi %scan3A_36, %scan3A_37 : i32
    %scan3A_39 = arith.constant 1 : i32
    %scan3A_40 = scf.for %scan3A_76 = %scan3A_36 to %scan3A_38 step %scan3A_39 iter_args(%scan3A_77 = %scan3A) -> (i32)  : i32 {
      %mul3A_78 = arith.constant 4 : i32
      %mul3A_79 = arith.muli %scan3A_76, %mul3A_78 : i32
      %add3A_80 = arith.constant 0 : i32
      %add3A_81 = arith.addi %mul3A_79, %add3A_80 : i32
      %dma_wait3A_82 = arith.constant 0 : i32
      %dma_wait3A_83 = arith.constant 0 : i32
      %dma_wait3A_84 = tpu.memref_slice %arg3[%arg0, %arg1, %add3A_81, %dma_wait3A_82, %dma_wait3A_83] : memref<2x16x252x2x80xi32, #tpu.memory_space<hbm>> -> memref<1x1x1x2x80xi32, #tpu.memory_space<hbm>>
      %dma_wait3A_85 = tpu.memref_squeeze %dma_wait3A_84 : memref<1x1x1x2x80xi32, #tpu.memory_space<hbm>> -> memref<2x80xi32, #tpu.memory_space<hbm>>
      %dma_wait3A_86 = arith.constant 0 : i32
      %dma_wait3A_87 = arith.constant 0 : i32
      %dma_wait3A_88 = tpu.memref_slice %arg3[%arg0, %arg1, %add3A_81, %dma_wait3A_86, %dma_wait3A_87] : memref<2x16x252x2x80xi32, #tpu.memory_space<hbm>> -> memref<1x1x1x2x80xi32, #tpu.memory_space<hbm>>
      %dma_wait3A_89 = tpu.memref_squeeze %dma_wait3A_88 : memref<1x1x1x2x80xi32, #tpu.memory_space<hbm>> -> memref<2x80xi32, #tpu.memory_space<hbm>>
      tpu.wait_dma2 semaphore(%arg14 : memref<!tpu.dma_semaphore, #tpu.memory_space<semaphore_mem>>) src(%dma_wait3A_89 : memref<2x80xi32, #tpu.memory_space<hbm>>) dst(%arg6 : memref<2x80xi32, #tpu.memory_space<vmem>>)
      %dma_start3A_90 = arith.constant 0 : i32
      %dma_start3A_91 = arith.constant 0 : i32
      %dma_start3A_92 = tpu.memref_slice %arg6[%dma_start3A_90, %dma_start3A_91] : memref<2x80xi32, #tpu.memory_space<vmem>> -> memref<1x80xi32, #tpu.memory_space<vmem>>
      %dma_start3A_93 = tpu.memref_squeeze %dma_start3A_92 : memref<1x80xi32, #tpu.memory_space<vmem>> -> memref<80xi32, #tpu.memory_space<vmem>>
      %dma_start3A_94 = arith.constant 0 : i32
      %dma_start3A_95 = arith.constant 0 : i32
      %dma_start3A_96 = tpu.memref_slice %arg2[%dma_start3A_94, %dma_start3A_95] : memref<20000x128xf32, #tpu.memory_space<hbm>> -> memref<20000x128xf32, #tpu.memory_space<hbm>>
      tpu.enqueue_indirect_dma source(%dma_start3A_96 : memref<20000x128xf32, #tpu.memory_space<hbm>>) target(%arg10 : memref<80x128xf32, #tpu.memory_space<vmem>>) offsets(%dma_start3A_93 : memref<80xi32, #tpu.memory_space<vmem>>) semaphore(%arg18 : memref<!tpu.dma_semaphore, #tpu.memory_space<semaphore_mem>>)
      %add3A_97 = arith.constant 1 : i32
      %add3A_98 = arith.addi %mul3A_79, %add3A_97 : i32
      %dma_wait3A_99 = arith.constant 0 : i32
      %dma_wait3A_100 = arith.constant 0 : i32
      %dma_wait3A_101 = tpu.memref_slice %arg3[%arg0, %arg1, %add3A_98, %dma_wait3A_99, %dma_wait3A_100] : memref<2x16x252x2x80xi32, #tpu.memory_space<hbm>> -> memref<1x1x1x2x80xi32, #tpu.memory_space<hbm>>
      %dma_wait3A_102 = tpu.memref_squeeze %dma_wait3A_101 : memref<1x1x1x2x80xi32, #tpu.memory_space<hbm>> -> memref<2x80xi32, #tpu.memory_space<hbm>>
      %dma_wait3A_103 = arith.constant 0 : i32
      %dma_wait3A_104 = arith.constant 0 : i32
      %dma_wait3A_105 = tpu.memref_slice %arg3[%arg0, %arg1, %add3A_98, %dma_wait3A_103, %dma_wait3A_104] : memref<2x16x252x2x80xi32, #tpu.memory_space<hbm>> -> memref<1x1x1x2x80xi32, #tpu.memory_space<hbm>>
      %dma_wait3A_106 = tpu.memref_squeeze %dma_wait3A_105 : memref<1x1x1x2x80xi32, #tpu.memory_space<hbm>> -> memref<2x80xi32, #tpu.memory_space<hbm>>
      tpu.wait_dma2 semaphore(%arg15 : memref<!tpu.dma_semaphore, #tpu.memory_space<semaphore_mem>>) src(%dma_wait3A_106 : memref<2x80xi32, #tpu.memory_space<hbm>>) dst(%arg7 : memref<2x80xi32, #tpu.memory_space<vmem>>)
      %dma_start3A_107 = arith.constant 0 : i32
      %dma_start3A_108 = arith.constant 0 : i32
      %dma_start3A_109 = tpu.memref_slice %arg7[%dma_start3A_107, %dma_start3A_108] : memref<2x80xi32, #tpu.memory_space<vmem>> -> memref<1x80xi32, #tpu.memory_space<vmem>>
      %dma_start3A_110 = tpu.memref_squeeze %dma_start3A_109 : memref<1x80xi32, #tpu.memory_space<vmem>> -> memref<80xi32, #tpu.memory_space<vmem>>
      %dma_start3A_111 = arith.constant 0 : i32
      %dma_start3A_112 = arith.constant 0 : i32
      %dma_start3A_113 = tpu.memref_slice %arg2[%dma_start3A_111, %dma_start3A_112] : memref<20000x128xf32, #tpu.memory_space<hbm>> -> memref<20000x128xf32, #tpu.memory_space<hbm>>
      tpu.enqueue_indirect_dma source(%dma_start3A_113 : memref<20000x128xf32, #tpu.memory_space<hbm>>) target(%arg11 : memref<80x128xf32, #tpu.memory_space<vmem>>) offsets(%dma_start3A_110 : memref<80xi32, #tpu.memory_space<vmem>>) semaphore(%arg19 : memref<!tpu.dma_semaphore, #tpu.memory_space<semaphore_mem>>)
      %add3A_114 = arith.constant 2 : i32
      %add3A_115 = arith.addi %mul3A_79, %add3A_114 : i32
      %dma_wait3A_116 = arith.constant 0 : i32
      %dma_wait3A_117 = arith.constant 0 : i32
      %dma_wait3A_118 = tpu.memref_slice %arg3[%arg0, %arg1, %add3A_115, %dma_wait3A_116, %dma_wait3A_117] : memref<2x16x252x2x80xi32, #tpu.memory_space<hbm>> -> memref<1x1x1x2x80xi32, #tpu.memory_space<hbm>>
      %dma_wait3A_119 = tpu.memref_squeeze %dma_wait3A_118 : memref<1x1x1x2x80xi32, #tpu.memory_space<hbm>> -> memref<2x80xi32, #tpu.memory_space<hbm>>
      %dma_wait3A_120 = arith.constant 0 : i32
      %dma_wait3A_121 = arith.constant 0 : i32
      %dma_wait3A_122 = tpu.memref_slice %arg3[%arg0, %arg1, %add3A_115, %dma_wait3A_120, %dma_wait3A_121] : memref<2x16x252x2x80xi32, #tpu.memory_space<hbm>> -> memref<1x1x1x2x80xi32, #tpu.memory_space<hbm>>
      %dma_wait3A_123 = tpu.memref_squeeze %dma_wait3A_122 : memref<1x1x1x2x80xi32, #tpu.memory_space<hbm>> -> memref<2x80xi32, #tpu.memory_space<hbm>>
      tpu.wait_dma2 semaphore(%arg16 : memref<!tpu.dma_semaphore, #tpu.memory_space<semaphore_mem>>) src(%dma_wait3A_123 : memref<2x80xi32, #tpu.memory_space<hbm>>) dst(%arg8 : memref<2x80xi32, #tpu.memory_space<vmem>>)
      %dma_start3A_124 = arith.constant 0 : i32
      %dma_start3A_125 = arith.constant 0 : i32
      %dma_start3A_126 = tpu.memref_slice %arg8[%dma_start3A_124, %dma_start3A_125] : memref<2x80xi32, #tpu.memory_space<vmem>> -> memref<1x80xi32, #tpu.memory_space<vmem>>
      %dma_start3A_127 = tpu.memref_squeeze %dma_start3A_126 : memref<1x80xi32, #tpu.memory_space<vmem>> -> memref<80xi32, #tpu.memory_space<vmem>>
      %dma_start3A_128 = arith.constant 0 : i32
      %dma_start3A_129 = arith.constant 0 : i32
      %dma_start3A_130 = tpu.memref_slice %arg2[%dma_start3A_128, %dma_start3A_129] : memref<20000x128xf32, #tpu.memory_space<hbm>> -> memref<20000x128xf32, #tpu.memory_space<hbm>>
      tpu.enqueue_indirect_dma source(%dma_start3A_130 : memref<20000x128xf32, #tpu.memory_space<hbm>>) target(%arg12 : memref<80x128xf32, #tpu.memory_space<vmem>>) offsets(%dma_start3A_127 : memref<80xi32, #tpu.memory_space<vmem>>) semaphore(%arg20 : memref<!tpu.dma_semaphore, #tpu.memory_space<semaphore_mem>>)
      %add3A_131 = arith.constant 3 : i32
      %add3A_132 = arith.addi %mul3A_79, %add3A_131 : i32
      %dma_wait3A_133 = arith.constant 0 : i32
      %dma_wait3A_134 = arith.constant 0 : i32
      %dma_wait3A_135 = tpu.memref_slice %arg3[%arg0, %arg1, %add3A_132, %dma_wait3A_133, %dma_wait3A_134] : memref<2x16x252x2x80xi32, #tpu.memory_space<hbm>> -> memref<1x1x1x2x80xi32, #tpu.memory_space<hbm>>
      %dma_wait3A_136 = tpu.memref_squeeze %dma_wait3A_135 : memref<1x1x1x2x80xi32, #tpu.memory_space<hbm>> -> memref<2x80xi32, #tpu.memory_space<hbm>>
      %dma_wait3A_137 = arith.constant 0 : i32
      %dma_wait3A_138 = arith.constant 0 : i32
      %dma_wait3A_139 = tpu.memref_slice %arg3[%arg0, %arg1, %add3A_132, %dma_wait3A_137, %dma_wait3A_138] : memref<2x16x252x2x80xi32, #tpu.memory_space<hbm>> -> memref<1x1x1x2x80xi32, #tpu.memory_space<hbm>>
      %dma_wait3A_140 = tpu.memref_squeeze %dma_wait3A_139 : memref<1x1x1x2x80xi32, #tpu.memory_space<hbm>> -> memref<2x80xi32, #tpu.memory_space<hbm>>
      tpu.wait_dma2 semaphore(%arg17 : memref<!tpu.dma_semaphore, #tpu.memory_space<semaphore_mem>>) src(%dma_wait3A_140 : memref<2x80xi32, #tpu.memory_space<hbm>>) dst(%arg9 : memref<2x80xi32, #tpu.memory_space<vmem>>)
      %dma_start3A_141 = arith.constant 0 : i32
      %dma_start3A_142 = arith.constant 0 : i32
      %dma_start3A_143 = tpu.memref_slice %arg9[%dma_start3A_141, %dma_start3A_142] : memref<2x80xi32, #tpu.memory_space<vmem>> -> memref<1x80xi32, #tpu.memory_space<vmem>>
      %dma_start3A_144 = tpu.memref_squeeze %dma_start3A_143 : memref<1x80xi32, #tpu.memory_space<vmem>> -> memref<80xi32, #tpu.memory_space<vmem>>
      %dma_start3A_145 = arith.constant 0 : i32
      %dma_start3A_146 = arith.constant 0 : i32
      %dma_start3A_147 = tpu.memref_slice %arg2[%dma_start3A_145, %dma_start3A_146] : memref<20000x128xf32, #tpu.memory_space<hbm>> -> memref<20000x128xf32, #tpu.memory_space<hbm>>
      tpu.enqueue_indirect_dma source(%dma_start3A_147 : memref<20000x128xf32, #tpu.memory_space<hbm>>) target(%arg13 : memref<80x128xf32, #tpu.memory_space<vmem>>) offsets(%dma_start3A_144 : memref<80xi32, #tpu.memory_space<vmem>>) semaphore(%arg21 : memref<!tpu.dma_semaphore, #tpu.memory_space<semaphore_mem>>)
      %dma_wait3A_148 = arith.constant 0 : i32
      %dma_wait3A_149 = arith.constant 0 : i32
      %dma_wait3A_150 = tpu.memref_slice %arg6[%dma_wait3A_148, %dma_wait3A_149] : memref<2x80xi32, #tpu.memory_space<vmem>> -> memref<1x80xi32, #tpu.memory_space<vmem>>
      %dma_wait3A_151 = tpu.memref_squeeze %dma_wait3A_150 : memref<1x80xi32, #tpu.memory_space<vmem>> -> memref<80xi32, #tpu.memory_space<vmem>>
      %dma_wait3A_152 = arith.constant 0 : i32
      %dma_wait3A_153 = arith.constant 0 : i32
      %dma_wait3A_154 = tpu.memref_slice %arg2[%dma_wait3A_152, %dma_wait3A_153] : memref<20000x128xf32, #tpu.memory_space<hbm>> -> memref<20000x128xf32, #tpu.memory_space<hbm>>
      tpu.wait_indirect_dma semaphore(%arg18 : memref<!tpu.dma_semaphore, #tpu.memory_space<semaphore_mem>>) src(%dma_wait3A_154 : memref<20000x128xf32, #tpu.memory_space<hbm>>) dst(%arg10 : memref<80x128xf32, #tpu.memory_space<vmem>>)
      %dma_start3A_155 = arith.constant 1 : i32
      %dma_start3A_156 = arith.constant 0 : i32
      %dma_start3A_157 = tpu.memref_slice %arg6[%dma_start3A_155, %dma_start3A_156] : memref<2x80xi32, #tpu.memory_space<vmem>> -> memref<1x80xi32, #tpu.memory_space<vmem>>
      %dma_start3A_158 = tpu.memref_squeeze %dma_start3A_157 : memref<1x80xi32, #tpu.memory_space<vmem>> -> memref<80xi32, #tpu.memory_space<vmem>>
      %dma_start3A_159 = arith.constant 0 : i32
      %dma_start3A_160 = arith.constant 0 : i32
      %dma_start3A_161 = tpu.memref_slice %arg26[%dma_start3A_159, %dma_start3A_160] : memref<10008x128xf32, #tpu.memory_space<vmem_shared>> -> memref<10008x128xf32, #tpu.memory_space<vmem_shared>>
      tpu.enqueue_indirect_dma source(%arg10 : memref<80x128xf32, #tpu.memory_space<vmem>>) target(%dma_start3A_161 : memref<10008x128xf32, #tpu.memory_space<vmem_shared>>) offsets(%dma_start3A_158 : memref<80xi32, #tpu.memory_space<vmem>>) semaphore(%arg22 : memref<!tpu.dma_semaphore, #tpu.memory_space<semaphore_mem>>) {add = true}
      %dma_wait3A_162 = arith.constant 0 : i32
      %dma_wait3A_163 = arith.constant 0 : i32
      %dma_wait3A_164 = tpu.memref_slice %arg7[%dma_wait3A_162, %dma_wait3A_163] : memref<2x80xi32, #tpu.memory_space<vmem>> -> memref<1x80xi32, #tpu.memory_space<vmem>>
      %dma_wait3A_165 = tpu.memref_squeeze %dma_wait3A_164 : memref<1x80xi32, #tpu.memory_space<vmem>> -> memref<80xi32, #tpu.memory_space<vmem>>
      %dma_wait3A_166 = arith.constant 0 : i32
      %dma_wait3A_167 = arith.constant 0 : i32
      %dma_wait3A_168 = tpu.memref_slice %arg2[%dma_wait3A_166, %dma_wait3A_167] : memref<20000x128xf32, #tpu.memory_space<hbm>> -> memref<20000x128xf32, #tpu.memory_space<hbm>>
      tpu.wait_indirect_dma semaphore(%arg19 : memref<!tpu.dma_semaphore, #tpu.memory_space<semaphore_mem>>) src(%dma_wait3A_168 : memref<20000x128xf32, #tpu.memory_space<hbm>>) dst(%arg11 : memref<80x128xf32, #tpu.memory_space<vmem>>)
      %dma_start3A_169 = arith.constant 1 : i32
      %dma_start3A_170 = arith.constant 0 : i32
      %dma_start3A_171 = tpu.memref_slice %arg7[%dma_start3A_169, %dma_start3A_170] : memref<2x80xi32, #tpu.memory_space<vmem>> -> memref<1x80xi32, #tpu.memory_space<vmem>>
      %dma_start3A_172 = tpu.memref_squeeze %dma_start3A_171 : memref<1x80xi32, #tpu.memory_space<vmem>> -> memref<80xi32, #tpu.memory_space<vmem>>
      %dma_start3A_173 = arith.constant 0 : i32
      %dma_start3A_174 = arith.constant 0 : i32
      %dma_start3A_175 = tpu.memref_slice %arg26[%dma_start3A_173, %dma_start3A_174] : memref<10008x128xf32, #tpu.memory_space<vmem_shared>> -> memref<10008x128xf32, #tpu.memory_space<vmem_shared>>
      tpu.enqueue_indirect_dma source(%arg11 : memref<80x128xf32, #tpu.memory_space<vmem>>) target(%dma_start3A_175 : memref<10008x128xf32, #tpu.memory_space<vmem_shared>>) offsets(%dma_start3A_172 : memref<80xi32, #tpu.memory_space<vmem>>) semaphore(%arg23 : memref<!tpu.dma_semaphore, #tpu.memory_space<semaphore_mem>>) {add = true}
      %dma_wait3A_176 = arith.constant 0 : i32
      %dma_wait3A_177 = arith.constant 0 : i32
      %dma_wait3A_178 = tpu.memref_slice %arg8[%dma_wait3A_176, %dma_wait3A_177] : memref<2x80xi32, #tpu.memory_space<vmem>> -> memref<1x80xi32, #tpu.memory_space<vmem>>
      %dma_wait3A_179 = tpu.memref_squeeze %dma_wait3A_178 : memref<1x80xi32, #tpu.memory_space<vmem>> -> memref<80xi32, #tpu.memory_space<vmem>>
      %dma_wait3A_180 = arith.constant 0 : i32
      %dma_wait3A_181 = arith.constant 0 : i32
      %dma_wait3A_182 = tpu.memref_slice %arg2[%dma_wait3A_180, %dma_wait3A_181] : memref<20000x128xf32, #tpu.memory_space<hbm>> -> memref<20000x128xf32, #tpu.memory_space<hbm>>
      tpu.wait_indirect_dma semaphore(%arg20 : memref<!tpu.dma_semaphore, #tpu.memory_space<semaphore_mem>>) src(%dma_wait3A_182 : memref<20000x128xf32, #tpu.memory_space<hbm>>) dst(%arg12 : memref<80x128xf32, #tpu.memory_space<vmem>>)
      %dma_start3A_183 = arith.constant 1 : i32
      %dma_start3A_184 = arith.constant 0 : i32
      %dma_start3A_185 = tpu.memref_slice %arg8[%dma_start3A_183, %dma_start3A_184] : memref<2x80xi32, #tpu.memory_space<vmem>> -> memref<1x80xi32, #tpu.memory_space<vmem>>
      %dma_start3A_186 = tpu.memref_squeeze %dma_start3A_185 : memref<1x80xi32, #tpu.memory_space<vmem>> -> memref<80xi32, #tpu.memory_space<vmem>>
      %dma_start3A_187 = arith.constant 0 : i32
      %dma_start3A_188 = arith.constant 0 : i32
      %dma_start3A_189 = tpu.memref_slice %arg26[%dma_start3A_187, %dma_start3A_188] : memref<10008x128xf32, #tpu.memory_space<vmem_shared>> -> memref<10008x128xf32, #tpu.memory_space<vmem_shared>>
      tpu.enqueue_indirect_dma source(%arg12 : memref<80x128xf32, #tpu.memory_space<vmem>>) target(%dma_start3A_189 : memref<10008x128xf32, #tpu.memory_space<vmem_shared>>) offsets(%dma_start3A_186 : memref<80xi32, #tpu.memory_space<vmem>>) semaphore(%arg24 : memref<!tpu.dma_semaphore, #tpu.memory_space<semaphore_mem>>) {add = true}
      %dma_wait3A_190 = arith.constant 0 : i32
      %dma_wait3A_191 = arith.constant 0 : i32
      %dma_wait3A_192 = tpu.memref_slice %arg9[%dma_wait3A_190, %dma_wait3A_191] : memref<2x80xi32, #tpu.memory_space<vmem>> -> memref<1x80xi32, #tpu.memory_space<vmem>>
      %dma_wait3A_193 = tpu.memref_squeeze %dma_wait3A_192 : memref<1x80xi32, #tpu.memory_space<vmem>> -> memref<80xi32, #tpu.memory_space<vmem>>
      %dma_wait3A_194 = arith.constant 0 : i32
      %dma_wait3A_195 = arith.constant 0 : i32
      %dma_wait3A_196 = tpu.memref_slice %arg2[%dma_wait3A_194, %dma_wait3A_195] : memref<20000x128xf32, #tpu.memory_space<hbm>> -> memref<20000x128xf32, #tpu.memory_space<hbm>>
      tpu.wait_indirect_dma semaphore(%arg21 : memref<!tpu.dma_semaphore, #tpu.memory_space<semaphore_mem>>) src(%dma_wait3A_196 : memref<20000x128xf32, #tpu.memory_space<hbm>>) dst(%arg13 : memref<80x128xf32, #tpu.memory_space<vmem>>)
      %dma_start3A_197 = arith.constant 1 : i32
      %dma_start3A_198 = arith.constant 0 : i32
      %dma_start3A_199 = tpu.memref_slice %arg9[%dma_start3A_197, %dma_start3A_198] : memref<2x80xi32, #tpu.memory_space<vmem>> -> memref<1x80xi32, #tpu.memory_space<vmem>>
      %dma_start3A_200 = tpu.memref_squeeze %dma_start3A_199 : memref<1x80xi32, #tpu.memory_space<vmem>> -> memref<80xi32, #tpu.memory_space<vmem>>
      %dma_start3A_201 = arith.constant 0 : i32
      %dma_start3A_202 = arith.constant 0 : i32
      %dma_start3A_203 = tpu.memref_slice %arg26[%dma_start3A_201, %dma_start3A_202] : memref<10008x128xf32, #tpu.memory_space<vmem_shared>> -> memref<10008x128xf32, #tpu.memory_space<vmem_shared>>
      tpu.enqueue_indirect_dma source(%arg13 : memref<80x128xf32, #tpu.memory_space<vmem>>) target(%dma_start3A_203 : memref<10008x128xf32, #tpu.memory_space<vmem_shared>>) offsets(%dma_start3A_200 : memref<80xi32, #tpu.memory_space<vmem>>) semaphore(%arg25 : memref<!tpu.dma_semaphore, #tpu.memory_space<semaphore_mem>>) {add = true}
      %lt3A = arith.constant 62 : i32
      %lt3A_204 = arith.cmpi slt, %scan3A_76, %lt3A : i32
      %convert_element_type3A = arith.extui %lt3A_204 : i1 to i32
      %cond3A = arith.constant 0 : i32
      %cond3A_205 = arith.cmpi ne, %convert_element_type3A, %cond3A : i32
      scf.if %cond3A_205 {
        %dma_wait3A_207 = arith.constant 1 : i32
        %dma_wait3A_208 = arith.constant 0 : i32
        %dma_wait3A_209 = tpu.memref_slice %arg6[%dma_wait3A_207, %dma_wait3A_208] : memref<2x80xi32, #tpu.memory_space<vmem>> -> memref<1x80xi32, #tpu.memory_space<vmem>>
        %dma_wait3A_210 = tpu.memref_squeeze %dma_wait3A_209 : memref<1x80xi32, #tpu.memory_space<vmem>> -> memref<80xi32, #tpu.memory_space<vmem>>
        %dma_wait3A_211 = arith.constant 0 : i32
        %dma_wait3A_212 = arith.constant 0 : i32
        %dma_wait3A_213 = tpu.memref_slice %arg26[%dma_wait3A_211, %dma_wait3A_212] : memref<10008x128xf32, #tpu.memory_space<vmem_shared>> -> memref<10008x128xf32, #tpu.memory_space<vmem_shared>>
        tpu.wait_indirect_dma semaphore(%arg22 : memref<!tpu.dma_semaphore, #tpu.memory_space<semaphore_mem>>) src(%arg10 : memref<80x128xf32, #tpu.memory_space<vmem>>) dst(%dma_wait3A_213 : memref<10008x128xf32, #tpu.memory_space<vmem_shared>>)
        %add3A_214 = arith.constant 4 : i32
        %add3A_215 = arith.addi %mul3A_79, %add3A_214 : i32
        %add3A_216 = arith.constant 0 : i32
        %add3A_217 = arith.addi %add3A_215, %add3A_216 : i32
        %dma_start3A_218 = arith.constant 0 : i32
        %dma_start3A_219 = arith.constant 0 : i32
        %dma_start3A_220 = tpu.memref_slice %arg3[%arg0, %arg1, %add3A_217, %dma_start3A_218, %dma_start3A_219] : memref<2x16x252x2x80xi32, #tpu.memory_space<hbm>> -> memref<1x1x1x2x80xi32, #tpu.memory_space<hbm>>
        %dma_start3A_221 = tpu.memref_squeeze %dma_start3A_220 : memref<1x1x1x2x80xi32, #tpu.memory_space<hbm>> -> memref<2x80xi32, #tpu.memory_space<hbm>>
        %dma_start3A_222 = arith.constant 0 : i32
        %dma_start3A_223 = arith.constant 0 : i32
        %dma_start3A_224 = tpu.memref_slice %arg3[%arg0, %arg1, %add3A_217, %dma_start3A_222, %dma_start3A_223] : memref<2x16x252x2x80xi32, #tpu.memory_space<hbm>> -> memref<1x1x1x2x80xi32, #tpu.memory_space<hbm>>
        %dma_start3A_225 = tpu.memref_squeeze %dma_start3A_224 : memref<1x1x1x2x80xi32, #tpu.memory_space<hbm>> -> memref<2x80xi32, #tpu.memory_space<hbm>>
        tpu.enqueue_dma source(%dma_start3A_225 : memref<2x80xi32, #tpu.memory_space<hbm>>) target(%arg6 : memref<2x80xi32, #tpu.memory_space<vmem>>) target_semaphore(%arg14 : memref<!tpu.dma_semaphore, #tpu.memory_space<semaphore_mem>>)
        %dma_wait3A_226 = arith.constant 1 : i32
        %dma_wait3A_227 = arith.constant 0 : i32
        %dma_wait3A_228 = tpu.memref_slice %arg7[%dma_wait3A_226, %dma_wait3A_227] : memref<2x80xi32, #tpu.memory_space<vmem>> -> memref<1x80xi32, #tpu.memory_space<vmem>>
        %dma_wait3A_229 = tpu.memref_squeeze %dma_wait3A_228 : memref<1x80xi32, #tpu.memory_space<vmem>> -> memref<80xi32, #tpu.memory_space<vmem>>
        %dma_wait3A_230 = arith.constant 0 : i32
        %dma_wait3A_231 = arith.constant 0 : i32
        %dma_wait3A_232 = tpu.memref_slice %arg26[%dma_wait3A_230, %dma_wait3A_231] : memref<10008x128xf32, #tpu.memory_space<vmem_shared>> -> memref<10008x128xf32, #tpu.memory_space<vmem_shared>>
        tpu.wait_indirect_dma semaphore(%arg23 : memref<!tpu.dma_semaphore, #tpu.memory_space<semaphore_mem>>) src(%arg11 : memref<80x128xf32, #tpu.memory_space<vmem>>) dst(%dma_wait3A_232 : memref<10008x128xf32, #tpu.memory_space<vmem_shared>>)
        %add3A_233 = arith.constant 4 : i32
        %add3A_234 = arith.addi %mul3A_79, %add3A_233 : i32
        %add3A_235 = arith.constant 1 : i32
        %add3A_236 = arith.addi %add3A_234, %add3A_235 : i32
        %dma_start3A_237 = arith.constant 0 : i32
        %dma_start3A_238 = arith.constant 0 : i32
        %dma_start3A_239 = tpu.memref_slice %arg3[%arg0, %arg1, %add3A_236, %dma_start3A_237, %dma_start3A_238] : memref<2x16x252x2x80xi32, #tpu.memory_space<hbm>> -> memref<1x1x1x2x80xi32, #tpu.memory_space<hbm>>
        %dma_start3A_240 = tpu.memref_squeeze %dma_start3A_239 : memref<1x1x1x2x80xi32, #tpu.memory_space<hbm>> -> memref<2x80xi32, #tpu.memory_space<hbm>>
        %dma_start3A_241 = arith.constant 0 : i32
        %dma_start3A_242 = arith.constant 0 : i32
        %dma_start3A_243 = tpu.memref_slice %arg3[%arg0, %arg1, %add3A_236, %dma_start3A_241, %dma_start3A_242] : memref<2x16x252x2x80xi32, #tpu.memory_space<hbm>> -> memref<1x1x1x2x80xi32, #tpu.memory_space<hbm>>
        %dma_start3A_244 = tpu.memref_squeeze %dma_start3A_243 : memref<1x1x1x2x80xi32, #tpu.memory_space<hbm>> -> memref<2x80xi32, #tpu.memory_space<hbm>>
        tpu.enqueue_dma source(%dma_start3A_244 : memref<2x80xi32, #tpu.memory_space<hbm>>) target(%arg7 : memref<2x80xi32, #tpu.memory_space<vmem>>) target_semaphore(%arg15 : memref<!tpu.dma_semaphore, #tpu.memory_space<semaphore_mem>>)
        %dma_wait3A_245 = arith.constant 1 : i32
        %dma_wait3A_246 = arith.constant 0 : i32
        %dma_wait3A_247 = tpu.memref_slice %arg8[%dma_wait3A_245, %dma_wait3A_246] : memref<2x80xi32, #tpu.memory_space<vmem>> -> memref<1x80xi32, #tpu.memory_space<vmem>>
        %dma_wait3A_248 = tpu.memref_squeeze %dma_wait3A_247 : memref<1x80xi32, #tpu.memory_space<vmem>> -> memref<80xi32, #tpu.memory_space<vmem>>
        %dma_wait3A_249 = arith.constant 0 : i32
        %dma_wait3A_250 = arith.constant 0 : i32
        %dma_wait3A_251 = tpu.memref_slice %arg26[%dma_wait3A_249, %dma_wait3A_250] : memref<10008x128xf32, #tpu.memory_space<vmem_shared>> -> memref<10008x128xf32, #tpu.memory_space<vmem_shared>>
        tpu.wait_indirect_dma semaphore(%arg24 : memref<!tpu.dma_semaphore, #tpu.memory_space<semaphore_mem>>) src(%arg12 : memref<80x128xf32, #tpu.memory_space<vmem>>) dst(%dma_wait3A_251 : memref<10008x128xf32, #tpu.memory_space<vmem_shared>>)
        %add3A_252 = arith.constant 4 : i32
        %add3A_253 = arith.addi %mul3A_79, %add3A_252 : i32
        %add3A_254 = arith.constant 2 : i32
        %add3A_255 = arith.addi %add3A_253, %add3A_254 : i32
        %dma_start3A_256 = arith.constant 0 : i32
        %dma_start3A_257 = arith.constant 0 : i32
        %dma_start3A_258 = tpu.memref_slice %arg3[%arg0, %arg1, %add3A_255, %dma_start3A_256, %dma_start3A_257] : memref<2x16x252x2x80xi32, #tpu.memory_space<hbm>> -> memref<1x1x1x2x80xi32, #tpu.memory_space<hbm>>
        %dma_start3A_259 = tpu.memref_squeeze %dma_start3A_258 : memref<1x1x1x2x80xi32, #tpu.memory_space<hbm>> -> memref<2x80xi32, #tpu.memory_space<hbm>>
        %dma_start3A_260 = arith.constant 0 : i32
        %dma_start3A_261 = arith.constant 0 : i32
        %dma_start3A_262 = tpu.memref_slice %arg3[%arg0, %arg1, %add3A_255, %dma_start3A_260, %dma_start3A_261] : memref<2x16x252x2x80xi32, #tpu.memory_space<hbm>> -> memref<1x1x1x2x80xi32, #tpu.memory_space<hbm>>
        %dma_start3A_263 = tpu.memref_squeeze %dma_start3A_262 : memref<1x1x1x2x80xi32, #tpu.memory_space<hbm>> -> memref<2x80xi32, #tpu.memory_space<hbm>>
        tpu.enqueue_dma source(%dma_start3A_263 : memref<2x80xi32, #tpu.memory_space<hbm>>) target(%arg8 : memref<2x80xi32, #tpu.memory_space<vmem>>) target_semaphore(%arg16 : memref<!tpu.dma_semaphore, #tpu.memory_space<semaphore_mem>>)
        %dma_wait3A_264 = arith.constant 1 : i32
        %dma_wait3A_265 = arith.constant 0 : i32
        %dma_wait3A_266 = tpu.memref_slice %arg9[%dma_wait3A_264, %dma_wait3A_265] : memref<2x80xi32, #tpu.memory_space<vmem>> -> memref<1x80xi32, #tpu.memory_space<vmem>>
        %dma_wait3A_267 = tpu.memref_squeeze %dma_wait3A_266 : memref<1x80xi32, #tpu.memory_space<vmem>> -> memref<80xi32, #tpu.memory_space<vmem>>
        %dma_wait3A_268 = arith.constant 0 : i32
        %dma_wait3A_269 = arith.constant 0 : i32
        %dma_wait3A_270 = tpu.memref_slice %arg26[%dma_wait3A_268, %dma_wait3A_269] : memref<10008x128xf32, #tpu.memory_space<vmem_shared>> -> memref<10008x128xf32, #tpu.memory_space<vmem_shared>>
        tpu.wait_indirect_dma semaphore(%arg25 : memref<!tpu.dma_semaphore, #tpu.memory_space<semaphore_mem>>) src(%arg13 : memref<80x128xf32, #tpu.memory_space<vmem>>) dst(%dma_wait3A_270 : memref<10008x128xf32, #tpu.memory_space<vmem_shared>>)
        %add3A_271 = arith.constant 4 : i32
        %add3A_272 = arith.addi %mul3A_79, %add3A_271 : i32
        %add3A_273 = arith.constant 3 : i32
        %add3A_274 = arith.addi %add3A_272, %add3A_273 : i32
        %dma_start3A_275 = arith.constant 0 : i32
        %dma_start3A_276 = arith.constant 0 : i32
        %dma_start3A_277 = tpu.memref_slice %arg3[%arg0, %arg1, %add3A_274, %dma_start3A_275, %dma_start3A_276] : memref<2x16x252x2x80xi32, #tpu.memory_space<hbm>> -> memref<1x1x1x2x80xi32, #tpu.memory_space<hbm>>
        %dma_start3A_278 = tpu.memref_squeeze %dma_start3A_277 : memref<1x1x1x2x80xi32, #tpu.memory_space<hbm>> -> memref<2x80xi32, #tpu.memory_space<hbm>>
        %dma_start3A_279 = arith.constant 0 : i32
        %dma_start3A_280 = arith.constant 0 : i32
        %dma_start3A_281 = tpu.memref_slice %arg3[%arg0, %arg1, %add3A_274, %dma_start3A_279, %dma_start3A_280] : memref<2x16x252x2x80xi32, #tpu.memory_space<hbm>> -> memref<1x1x1x2x80xi32, #tpu.memory_space<hbm>>
        %dma_start3A_282 = tpu.memref_squeeze %dma_start3A_281 : memref<1x1x1x2x80xi32, #tpu.memory_space<hbm>> -> memref<2x80xi32, #tpu.memory_space<hbm>>
        tpu.enqueue_dma source(%dma_start3A_282 : memref<2x80xi32, #tpu.memory_space<hbm>>) target(%arg9 : memref<2x80xi32, #tpu.memory_space<vmem>>) target_semaphore(%arg17 : memref<!tpu.dma_semaphore, #tpu.memory_space<semaphore_mem>>)
      } else {
      }
      %scan3A_206 = arith.constant 0 : i32
      scf.yield %scan3A_206 : i32
    }
    %scan3A_41 = arith.constant 63 : i32
    %dma_wait3A = arith.constant 1 : i32
    %dma_wait3A_42 = arith.constant 0 : i32
    %dma_wait3A_43 = tpu.memref_slice %arg6[%dma_wait3A, %dma_wait3A_42] : memref<2x80xi32, #tpu.memory_space<vmem>> -> memref<1x80xi32, #tpu.memory_space<vmem>>
    %dma_wait3A_44 = tpu.memref_squeeze %dma_wait3A_43 : memref<1x80xi32, #tpu.memory_space<vmem>> -> memref<80xi32, #tpu.memory_space<vmem>>
    %dma_wait3A_45 = arith.constant 0 : i32
    %dma_wait3A_46 = arith.constant 0 : i32
    %dma_wait3A_47 = tpu.memref_slice %arg26[%dma_wait3A_45, %dma_wait3A_46] : memref<10008x128xf32, #tpu.memory_space<vmem_shared>> -> memref<10008x128xf32, #tpu.memory_space<vmem_shared>>
    tpu.wait_indirect_dma semaphore(%arg22 : memref<!tpu.dma_semaphore, #tpu.memory_space<semaphore_mem>>) src(%arg10 : memref<80x128xf32, #tpu.memory_space<vmem>>) dst(%dma_wait3A_47 : memref<10008x128xf32, #tpu.memory_space<vmem_shared>>)
    %dma_wait3A_48 = arith.constant 1 : i32
    %dma_wait3A_49 = arith.constant 0 : i32
    %dma_wait3A_50 = tpu.memref_slice %arg7[%dma_wait3A_48, %dma_wait3A_49] : memref<2x80xi32, #tpu.memory_space<vmem>> -> memref<1x80xi32, #tpu.memory_space<vmem>>
    %dma_wait3A_51 = tpu.memref_squeeze %dma_wait3A_50 : memref<1x80xi32, #tpu.memory_space<vmem>> -> memref<80xi32, #tpu.memory_space<vmem>>
    %dma_wait3A_52 = arith.constant 0 : i32
    %dma_wait3A_53 = arith.constant 0 : i32
    %dma_wait3A_54 = tpu.memref_slice %arg26[%dma_wait3A_52, %dma_wait3A_53] : memref<10008x128xf32, #tpu.memory_space<vmem_shared>> -> memref<10008x128xf32, #tpu.memory_space<vmem_shared>>
    tpu.wait_indirect_dma semaphore(%arg23 : memref<!tpu.dma_semaphore, #tpu.memory_space<semaphore_mem>>) src(%arg11 : memref<80x128xf32, #tpu.memory_space<vmem>>) dst(%dma_wait3A_54 : memref<10008x128xf32, #tpu.memory_space<vmem_shared>>)
    %dma_wait3A_55 = arith.constant 1 : i32
    %dma_wait3A_56 = arith.constant 0 : i32
    %dma_wait3A_57 = tpu.memref_slice %arg8[%dma_wait3A_55, %dma_wait3A_56] : memref<2x80xi32, #tpu.memory_space<vmem>> -> memref<1x80xi32, #tpu.memory_space<vmem>>
    %dma_wait3A_58 = tpu.memref_squeeze %dma_wait3A_57 : memref<1x80xi32, #tpu.memory_space<vmem>> -> memref<80xi32, #tpu.memory_space<vmem>>
    %dma_wait3A_59 = arith.constant 0 : i32
    %dma_wait3A_60 = arith.constant 0 : i32
    %dma_wait3A_61 = tpu.memref_slice %arg26[%dma_wait3A_59, %dma_wait3A_60] : memref<10008x128xf32, #tpu.memory_space<vmem_shared>> -> memref<10008x128xf32, #tpu.memory_space<vmem_shared>>
    tpu.wait_indirect_dma semaphore(%arg24 : memref<!tpu.dma_semaphore, #tpu.memory_space<semaphore_mem>>) src(%arg12 : memref<80x128xf32, #tpu.memory_space<vmem>>) dst(%dma_wait3A_61 : memref<10008x128xf32, #tpu.memory_space<vmem_shared>>)
    %dma_wait3A_62 = arith.constant 1 : i32
    %dma_wait3A_63 = arith.constant 0 : i32
    %dma_wait3A_64 = tpu.memref_slice %arg9[%dma_wait3A_62, %dma_wait3A_63] : memref<2x80xi32, #tpu.memory_space<vmem>> -> memref<1x80xi32, #tpu.memory_space<vmem>>
    %dma_wait3A_65 = tpu.memref_squeeze %dma_wait3A_64 : memref<1x80xi32, #tpu.memory_space<vmem>> -> memref<80xi32, #tpu.memory_space<vmem>>
    %dma_wait3A_66 = arith.constant 0 : i32
    %dma_wait3A_67 = arith.constant 0 : i32
    %dma_wait3A_68 = tpu.memref_slice %arg26[%dma_wait3A_66, %dma_wait3A_67] : memref<10008x128xf32, #tpu.memory_space<vmem_shared>> -> memref<10008x128xf32, #tpu.memory_space<vmem_shared>>
    tpu.wait_indirect_dma semaphore(%arg25 : memref<!tpu.dma_semaphore, #tpu.memory_space<semaphore_mem>>) src(%arg13 : memref<80x128xf32, #tpu.memory_space<vmem>>) dst(%dma_wait3A_68 : memref<10008x128xf32, #tpu.memory_space<vmem_shared>>)
    %barrier3A_69 = arith.constant 0 : index
    tpu.barrier barrier_id(%barrier3A_69)
    %mul3A_70 = arith.constant 624 : i32
    %mul3A_71 = arith.muli %arg1, %mul3A_70 : i32
    %mul3A_72 = arith.constant 10000 : i32
    %mul3A_73 = arith.muli %arg0, %mul3A_72 : i32
    %mul3A_74 = arith.constant 624 : i32
    %mul3A_75 = arith.muli %arg1, %mul3A_74 : i32
    %add3A = arith.addi %mul3A_73, %mul3A_75 : i32
    "tpu.region"() ({
      %run_scoped3A = tpu.sem_alloc : memref<!tpu.dma_semaphore, #tpu.memory_space<semaphore_mem>>
      %dma_start3A_76 = arith.constant 0 : i32
      %dma_start3A_77 = tpu.memref_slice %arg5[%add3A, %dma_start3A_76] : memref<20000x128xf32, #tpu.memory_space<hbm>> -> memref<640x128xf32, #tpu.memory_space<hbm>>
      %dma_start3A_78 = arith.constant 0 : i32
      %dma_start3A_79 = tpu.memref_slice %arg26[%mul3A_71, %dma_start3A_78] : memref<10008x128xf32, #tpu.memory_space<vmem_shared>> -> memref<640x128xf32, #tpu.memory_space<vmem_shared>>
      tpu.enqueue_dma source(%dma_start3A_79 : memref<640x128xf32, #tpu.memory_space<vmem_shared>>) target(%dma_start3A_77 : memref<640x128xf32, #tpu.memory_space<hbm>>) target_semaphore(%run_scoped3A : memref<!tpu.dma_semaphore, #tpu.memory_space<semaphore_mem>>)
      %dma_wait3A_80 = arith.constant 0 : i32
      %dma_wait3A_81 = tpu.memref_slice %arg5[%add3A, %dma_wait3A_80] : memref<20000x128xf32, #tpu.memory_space<hbm>> -> memref<640x128xf32, #tpu.memory_space<hbm>>
      %dma_wait3A_82 = arith.constant 0 : i32
      %dma_wait3A_83 = tpu.memref_slice %arg26[%mul3A_71, %dma_wait3A_82] : memref<10008x128xf32, #tpu.memory_space<vmem_shared>> -> memref<640x128xf32, #tpu.memory_space<vmem_shared>>
      tpu.wait_dma2 semaphore(%run_scoped3A : memref<!tpu.dma_semaphore, #tpu.memory_space<semaphore_mem>>) src(%dma_wait3A_83 : memref<640x128xf32, #tpu.memory_space<vmem_shared>>) dst(%dma_wait3A_81 : memref<640x128xf32, #tpu.memory_space<hbm>>)
      tpu.yield
    }) : () -> ()
    return
  }
}

#map = affine_map<(d0, d1) -> (0, 0)>
#map1 = affine_map<(d0, d1) -> (0, 0, 0, 0, 0)>
module attributes {stable_mosaic.version = 14 : i64} {
  func.func @edge_segsum(%arg0: i32, %arg1: i32, %arg2: memref<20000x128xf32, #tpu.memory_space<hbm>>, %arg3: memref<2x16x252x2x80xi32, #tpu.memory_space<hbm>>, %arg4: memref<640x128xf32, #tpu.memory_space<hbm>>, %arg5: memref<20000x128xf32, #tpu.memory_space<hbm>>, %arg6: memref<2x80xi32, #tpu.memory_space<vmem>>, %arg7: memref<2x80xi32, #tpu.memory_space<vmem>>, %arg8: memref<2x80xi32, #tpu.memory_space<vmem>>, %arg9: memref<2x80xi32, #tpu.memory_space<vmem>>, %arg10: memref<80x128xf32, #tpu.memory_space<vmem>>, %arg11: memref<80x128xf32, #tpu.memory_space<vmem>>, %arg12: memref<80x128xf32, #tpu.memory_space<vmem>>, %arg13: memref<80x128xf32, #tpu.memory_space<vmem>>, %arg14: memref<!tpu.dma_semaphore, #tpu.memory_space<semaphore_mem>>, %arg15: memref<!tpu.dma_semaphore, #tpu.memory_space<semaphore_mem>>, %arg16: memref<!tpu.dma_semaphore, #tpu.memory_space<semaphore_mem>>, %arg17: memref<!tpu.dma_semaphore, #tpu.memory_space<semaphore_mem>>, %arg18: memref<!tpu.dma_semaphore, #tpu.memory_space<semaphore_mem>>, %arg19: memref<!tpu.dma_semaphore, #tpu.memory_space<semaphore_mem>>, %arg20: memref<!tpu.dma_semaphore, #tpu.memory_space<semaphore_mem>>, %arg21: memref<!tpu.dma_semaphore, #tpu.memory_space<semaphore_mem>>, %arg22: memref<!tpu.dma_semaphore, #tpu.memory_space<semaphore_mem>>, %arg23: memref<!tpu.dma_semaphore, #tpu.memory_space<semaphore_mem>>, %arg24: memref<!tpu.dma_semaphore, #tpu.memory_space<semaphore_mem>>, %arg25: memref<!tpu.dma_semaphore, #tpu.memory_space<semaphore_mem>>, %arg26: memref<10008x128xf32, #tpu.memory_space<vmem_shared>>) attributes {dimension_semantics = [#tpu.dimension_semantics<core_parallel>, #tpu.dimension_semantics<subcore_parallel>], iteration_bounds = array<i64: 2, 16>, scalar_prefetch = 0 : i64, scratch_operands = 21 : i64, tpu.core_type = #tpu.core_type<sc_vector_subcore>, window_params = [{transform_indices = #map}, {transform_indices = #map1}, {transform_indices = #map}, {transform_indices = #map}]} {
    %mul3A = arith.constant 624 : i32
    %mul3A_0 = arith.muli %arg1, %mul3A : i32
    "tpu.region"() ({
      %run_scoped3A = tpu.sem_alloc : memref<!tpu.dma_semaphore, #tpu.memory_space<semaphore_mem>>
      %dma_start3A_76 = arith.constant 0 : i32
      %dma_start3A_77 = tpu.memref_slice %arg26[%mul3A_0, %dma_start3A_76] : memref<10008x128xf32, #tpu.memory_space<vmem_shared>> -> memref<640x128xf32, #tpu.memory_space<vmem_shared>>
      tpu.enqueue_dma source(%arg4 : memref<640x128xf32, #tpu.memory_space<hbm>>) target(%dma_start3A_77 : memref<640x128xf32, #tpu.memory_space<vmem_shared>>) target_semaphore(%run_scoped3A : memref<!tpu.dma_semaphore, #tpu.memory_space<semaphore_mem>>)
      %dma_wait3A_78 = arith.constant 0 : i32
      %dma_wait3A_79 = tpu.memref_slice %arg26[%mul3A_0, %dma_wait3A_78] : memref<10008x128xf32, #tpu.memory_space<vmem_shared>> -> memref<640x128xf32, #tpu.memory_space<vmem_shared>>
      tpu.wait_dma2 semaphore(%run_scoped3A : memref<!tpu.dma_semaphore, #tpu.memory_space<semaphore_mem>>) src(%arg4 : memref<640x128xf32, #tpu.memory_space<hbm>>) dst(%dma_wait3A_79 : memref<640x128xf32, #tpu.memory_space<vmem_shared>>)
      tpu.yield
    }) : () -> ()
    %barrier3A = arith.constant 0 : index
    tpu.barrier barrier_id(%barrier3A)
    %dma_start3A = arith.constant 0 : i32
    %dma_start3A_1 = arith.constant 0 : i32
    %dma_start3A_2 = arith.constant 0 : i32
    %dma_start3A_3 = tpu.memref_slice %arg3[%arg0, %arg1, %dma_start3A, %dma_start3A_1, %dma_start3A_2] : memref<2x16x252x2x80xi32, #tpu.memory_space<hbm>> -> memref<1x1x1x2x80xi32, #tpu.memory_space<hbm>>
    %dma_start3A_4 = tpu.memref_squeeze %dma_start3A_3 : memref<1x1x1x2x80xi32, #tpu.memory_space<hbm>> -> memref<2x80xi32, #tpu.memory_space<hbm>>
    %dma_start3A_5 = arith.constant 0 : i32
    %dma_start3A_6 = arith.constant 0 : i32
    %dma_start3A_7 = tpu.memref_slice %arg3[%arg0, %arg1, %dma_start3A, %dma_start3A_5, %dma_start3A_6] : memref<2x16x252x2x80xi32, #tpu.memory_space<hbm>> -> memref<1x1x1x2x80xi32, #tpu.memory_space<hbm>>
    %dma_start3A_8 = tpu.memref_squeeze %dma_start3A_7 : memref<1x1x1x2x80xi32, #tpu.memory_space<hbm>> -> memref<2x80xi32, #tpu.memory_space<hbm>>
    tpu.enqueue_dma source(%dma_start3A_8 : memref<2x80xi32, #tpu.memory_space<hbm>>) target(%arg6 : memref<2x80xi32, #tpu.memory_space<vmem>>) target_semaphore(%arg14 : memref<!tpu.dma_semaphore, #tpu.memory_space<semaphore_mem>>)
    %dma_start3A_9 = arith.constant 1 : i32
    %dma_start3A_10 = arith.constant 0 : i32
    %dma_start3A_11 = arith.constant 0 : i32
    %dma_start3A_12 = tpu.memref_slice %arg3[%arg0, %arg1, %dma_start3A_9, %dma_start3A_10, %dma_start3A_11] : memref<2x16x252x2x80xi32, #tpu.memory_space<hbm>> -> memref<1x1x1x2x80xi32, #tpu.memory_space<hbm>>
    %dma_start3A_13 = tpu.memref_squeeze %dma_start3A_12 : memref<1x1x1x2x80xi32, #tpu.memory_space<hbm>> -> memref<2x80xi32, #tpu.memory_space<hbm>>
    %dma_start3A_14 = arith.constant 0 : i32
    %dma_start3A_15 = arith.constant 0 : i32
    %dma_start3A_16 = tpu.memref_slice %arg3[%arg0, %arg1, %dma_start3A_9, %dma_start3A_14, %dma_start3A_15] : memref<2x16x252x2x80xi32, #tpu.memory_space<hbm>> -> memref<1x1x1x2x80xi32, #tpu.memory_space<hbm>>
    %dma_start3A_17 = tpu.memref_squeeze %dma_start3A_16 : memref<1x1x1x2x80xi32, #tpu.memory_space<hbm>> -> memref<2x80xi32, #tpu.memory_space<hbm>>
    tpu.enqueue_dma source(%dma_start3A_17 : memref<2x80xi32, #tpu.memory_space<hbm>>) target(%arg7 : memref<2x80xi32, #tpu.memory_space<vmem>>) target_semaphore(%arg15 : memref<!tpu.dma_semaphore, #tpu.memory_space<semaphore_mem>>)
    %dma_start3A_18 = arith.constant 2 : i32
    %dma_start3A_19 = arith.constant 0 : i32
    %dma_start3A_20 = arith.constant 0 : i32
    %dma_start3A_21 = tpu.memref_slice %arg3[%arg0, %arg1, %dma_start3A_18, %dma_start3A_19, %dma_start3A_20] : memref<2x16x252x2x80xi32, #tpu.memory_space<hbm>> -> memref<1x1x1x2x80xi32, #tpu.memory_space<hbm>>
    %dma_start3A_22 = tpu.memref_squeeze %dma_start3A_21 : memref<1x1x1x2x80xi32, #tpu.memory_space<hbm>> -> memref<2x80xi32, #tpu.memory_space<hbm>>
    %dma_start3A_23 = arith.constant 0 : i32
    %dma_start3A_24 = arith.constant 0 : i32
    %dma_start3A_25 = tpu.memref_slice %arg3[%arg0, %arg1, %dma_start3A_18, %dma_start3A_23, %dma_start3A_24] : memref<2x16x252x2x80xi32, #tpu.memory_space<hbm>> -> memref<1x1x1x2x80xi32, #tpu.memory_space<hbm>>
    %dma_start3A_26 = tpu.memref_squeeze %dma_start3A_25 : memref<1x1x1x2x80xi32, #tpu.memory_space<hbm>> -> memref<2x80xi32, #tpu.memory_space<hbm>>
    tpu.enqueue_dma source(%dma_start3A_26 : memref<2x80xi32, #tpu.memory_space<hbm>>) target(%arg8 : memref<2x80xi32, #tpu.memory_space<vmem>>) target_semaphore(%arg16 : memref<!tpu.dma_semaphore, #tpu.memory_space<semaphore_mem>>)
    %dma_start3A_27 = arith.constant 3 : i32
    %dma_start3A_28 = arith.constant 0 : i32
    %dma_start3A_29 = arith.constant 0 : i32
    %dma_start3A_30 = tpu.memref_slice %arg3[%arg0, %arg1, %dma_start3A_27, %dma_start3A_28, %dma_start3A_29] : memref<2x16x252x2x80xi32, #tpu.memory_space<hbm>> -> memref<1x1x1x2x80xi32, #tpu.memory_space<hbm>>
    %dma_start3A_31 = tpu.memref_squeeze %dma_start3A_30 : memref<1x1x1x2x80xi32, #tpu.memory_space<hbm>> -> memref<2x80xi32, #tpu.memory_space<hbm>>
    %dma_start3A_32 = arith.constant 0 : i32
    %dma_start3A_33 = arith.constant 0 : i32
    %dma_start3A_34 = tpu.memref_slice %arg3[%arg0, %arg1, %dma_start3A_27, %dma_start3A_32, %dma_start3A_33] : memref<2x16x252x2x80xi32, #tpu.memory_space<hbm>> -> memref<1x1x1x2x80xi32, #tpu.memory_space<hbm>>
    %dma_start3A_35 = tpu.memref_squeeze %dma_start3A_34 : memref<1x1x1x2x80xi32, #tpu.memory_space<hbm>> -> memref<2x80xi32, #tpu.memory_space<hbm>>
    tpu.enqueue_dma source(%dma_start3A_35 : memref<2x80xi32, #tpu.memory_space<hbm>>) target(%arg9 : memref<2x80xi32, #tpu.memory_space<vmem>>) target_semaphore(%arg17 : memref<!tpu.dma_semaphore, #tpu.memory_space<semaphore_mem>>)
    %scan3A = arith.constant 0 : i32
    %scan3A_36 = arith.constant 0 : i32
    %scan3A_37 = arith.constant 63 : i32
    %scan3A_38 = arith.addi %scan3A_36, %scan3A_37 : i32
    %scan3A_39 = arith.constant 1 : i32
    %scan3A_40 = scf.for %scan3A_76 = %scan3A_36 to %scan3A_38 step %scan3A_39 iter_args(%scan3A_77 = %scan3A) -> (i32)  : i32 {
      %mul3A_78 = arith.constant 4 : i32
      %mul3A_79 = arith.muli %scan3A_76, %mul3A_78 : i32
      %add3A_80 = arith.constant 0 : i32
      %add3A_81 = arith.addi %mul3A_79, %add3A_80 : i32
      %dma_wait3A_82 = arith.constant 0 : i32
      %dma_wait3A_83 = arith.constant 0 : i32
      %dma_wait3A_84 = tpu.memref_slice %arg3[%arg0, %arg1, %add3A_81, %dma_wait3A_82, %dma_wait3A_83] : memref<2x16x252x2x80xi32, #tpu.memory_space<hbm>> -> memref<1x1x1x2x80xi32, #tpu.memory_space<hbm>>
      %dma_wait3A_85 = tpu.memref_squeeze %dma_wait3A_84 : memref<1x1x1x2x80xi32, #tpu.memory_space<hbm>> -> memref<2x80xi32, #tpu.memory_space<hbm>>
      %dma_wait3A_86 = arith.constant 0 : i32
      %dma_wait3A_87 = arith.constant 0 : i32
      %dma_wait3A_88 = tpu.memref_slice %arg3[%arg0, %arg1, %add3A_81, %dma_wait3A_86, %dma_wait3A_87] : memref<2x16x252x2x80xi32, #tpu.memory_space<hbm>> -> memref<1x1x1x2x80xi32, #tpu.memory_space<hbm>>
      %dma_wait3A_89 = tpu.memref_squeeze %dma_wait3A_88 : memref<1x1x1x2x80xi32, #tpu.memory_space<hbm>> -> memref<2x80xi32, #tpu.memory_space<hbm>>
      tpu.wait_dma2 semaphore(%arg14 : memref<!tpu.dma_semaphore, #tpu.memory_space<semaphore_mem>>) src(%dma_wait3A_89 : memref<2x80xi32, #tpu.memory_space<hbm>>) dst(%arg6 : memref<2x80xi32, #tpu.memory_space<vmem>>)
      %dma_start3A_90 = arith.constant 0 : i32
      %dma_start3A_91 = arith.constant 0 : i32
      %dma_start3A_92 = tpu.memref_slice %arg6[%dma_start3A_90, %dma_start3A_91] : memref<2x80xi32, #tpu.memory_space<vmem>> -> memref<1x80xi32, #tpu.memory_space<vmem>>
      %dma_start3A_93 = tpu.memref_squeeze %dma_start3A_92 : memref<1x80xi32, #tpu.memory_space<vmem>> -> memref<80xi32, #tpu.memory_space<vmem>>
      %dma_start3A_94 = arith.constant 0 : i32
      %dma_start3A_95 = arith.constant 0 : i32
      %dma_start3A_96 = tpu.memref_slice %arg2[%dma_start3A_94, %dma_start3A_95] : memref<20000x128xf32, #tpu.memory_space<hbm>> -> memref<20000x128xf32, #tpu.memory_space<hbm>>
      tpu.enqueue_indirect_dma source(%dma_start3A_96 : memref<20000x128xf32, #tpu.memory_space<hbm>>) target(%arg10 : memref<80x128xf32, #tpu.memory_space<vmem>>) offsets(%dma_start3A_93 : memref<80xi32, #tpu.memory_space<vmem>>) semaphore(%arg18 : memref<!tpu.dma_semaphore, #tpu.memory_space<semaphore_mem>>)
      %add3A_97 = arith.constant 1 : i32
      %add3A_98 = arith.addi %mul3A_79, %add3A_97 : i32
      %dma_wait3A_99 = arith.constant 0 : i32
      %dma_wait3A_100 = arith.constant 0 : i32
      %dma_wait3A_101 = tpu.memref_slice %arg3[%arg0, %arg1, %add3A_98, %dma_wait3A_99, %dma_wait3A_100] : memref<2x16x252x2x80xi32, #tpu.memory_space<hbm>> -> memref<1x1x1x2x80xi32, #tpu.memory_space<hbm>>
      %dma_wait3A_102 = tpu.memref_squeeze %dma_wait3A_101 : memref<1x1x1x2x80xi32, #tpu.memory_space<hbm>> -> memref<2x80xi32, #tpu.memory_space<hbm>>
      %dma_wait3A_103 = arith.constant 0 : i32
      %dma_wait3A_104 = arith.constant 0 : i32
      %dma_wait3A_105 = tpu.memref_slice %arg3[%arg0, %arg1, %add3A_98, %dma_wait3A_103, %dma_wait3A_104] : memref<2x16x252x2x80xi32, #tpu.memory_space<hbm>> -> memref<1x1x1x2x80xi32, #tpu.memory_space<hbm>>
      %dma_wait3A_106 = tpu.memref_squeeze %dma_wait3A_105 : memref<1x1x1x2x80xi32, #tpu.memory_space<hbm>> -> memref<2x80xi32, #tpu.memory_space<hbm>>
      tpu.wait_dma2 semaphore(%arg15 : memref<!tpu.dma_semaphore, #tpu.memory_space<semaphore_mem>>) src(%dma_wait3A_106 : memref<2x80xi32, #tpu.memory_space<hbm>>) dst(%arg7 : memref<2x80xi32, #tpu.memory_space<vmem>>)
      %dma_start3A_107 = arith.constant 0 : i32
      %dma_start3A_108 = arith.constant 0 : i32
      %dma_start3A_109 = tpu.memref_slice %arg7[%dma_start3A_107, %dma_start3A_108] : memref<2x80xi32, #tpu.memory_space<vmem>> -> memref<1x80xi32, #tpu.memory_space<vmem>>
      %dma_start3A_110 = tpu.memref_squeeze %dma_start3A_109 : memref<1x80xi32, #tpu.memory_space<vmem>> -> memref<80xi32, #tpu.memory_space<vmem>>
      %dma_start3A_111 = arith.constant 0 : i32
      %dma_start3A_112 = arith.constant 0 : i32
      %dma_start3A_113 = tpu.memref_slice %arg2[%dma_start3A_111, %dma_start3A_112] : memref<20000x128xf32, #tpu.memory_space<hbm>> -> memref<20000x128xf32, #tpu.memory_space<hbm>>
      tpu.enqueue_indirect_dma source(%dma_start3A_113 : memref<20000x128xf32, #tpu.memory_space<hbm>>) target(%arg11 : memref<80x128xf32, #tpu.memory_space<vmem>>) offsets(%dma_start3A_110 : memref<80xi32, #tpu.memory_space<vmem>>) semaphore(%arg19 : memref<!tpu.dma_semaphore, #tpu.memory_space<semaphore_mem>>)
      %add3A_114 = arith.constant 2 : i32
      %add3A_115 = arith.addi %mul3A_79, %add3A_114 : i32
      %dma_wait3A_116 = arith.constant 0 : i32
      %dma_wait3A_117 = arith.constant 0 : i32
      %dma_wait3A_118 = tpu.memref_slice %arg3[%arg0, %arg1, %add3A_115, %dma_wait3A_116, %dma_wait3A_117] : memref<2x16x252x2x80xi32, #tpu.memory_space<hbm>> -> memref<1x1x1x2x80xi32, #tpu.memory_space<hbm>>
      %dma_wait3A_119 = tpu.memref_squeeze %dma_wait3A_118 : memref<1x1x1x2x80xi32, #tpu.memory_space<hbm>> -> memref<2x80xi32, #tpu.memory_space<hbm>>
      %dma_wait3A_120 = arith.constant 0 : i32
      %dma_wait3A_121 = arith.constant 0 : i32
      %dma_wait3A_122 = tpu.memref_slice %arg3[%arg0, %arg1, %add3A_115, %dma_wait3A_120, %dma_wait3A_121] : memref<2x16x252x2x80xi32, #tpu.memory_space<hbm>> -> memref<1x1x1x2x80xi32, #tpu.memory_space<hbm>>
      %dma_wait3A_123 = tpu.memref_squeeze %dma_wait3A_122 : memref<1x1x1x2x80xi32, #tpu.memory_space<hbm>> -> memref<2x80xi32, #tpu.memory_space<hbm>>
      tpu.wait_dma2 semaphore(%arg16 : memref<!tpu.dma_semaphore, #tpu.memory_space<semaphore_mem>>) src(%dma_wait3A_123 : memref<2x80xi32, #tpu.memory_space<hbm>>) dst(%arg8 : memref<2x80xi32, #tpu.memory_space<vmem>>)
      %dma_start3A_124 = arith.constant 0 : i32
      %dma_start3A_125 = arith.constant 0 : i32
      %dma_start3A_126 = tpu.memref_slice %arg8[%dma_start3A_124, %dma_start3A_125] : memref<2x80xi32, #tpu.memory_space<vmem>> -> memref<1x80xi32, #tpu.memory_space<vmem>>
      %dma_start3A_127 = tpu.memref_squeeze %dma_start3A_126 : memref<1x80xi32, #tpu.memory_space<vmem>> -> memref<80xi32, #tpu.memory_space<vmem>>
      %dma_start3A_128 = arith.constant 0 : i32
      %dma_start3A_129 = arith.constant 0 : i32
      %dma_start3A_130 = tpu.memref_slice %arg2[%dma_start3A_128, %dma_start3A_129] : memref<20000x128xf32, #tpu.memory_space<hbm>> -> memref<20000x128xf32, #tpu.memory_space<hbm>>
      tpu.enqueue_indirect_dma source(%dma_start3A_130 : memref<20000x128xf32, #tpu.memory_space<hbm>>) target(%arg12 : memref<80x128xf32, #tpu.memory_space<vmem>>) offsets(%dma_start3A_127 : memref<80xi32, #tpu.memory_space<vmem>>) semaphore(%arg20 : memref<!tpu.dma_semaphore, #tpu.memory_space<semaphore_mem>>)
      %add3A_131 = arith.constant 3 : i32
      %add3A_132 = arith.addi %mul3A_79, %add3A_131 : i32
      %dma_wait3A_133 = arith.constant 0 : i32
      %dma_wait3A_134 = arith.constant 0 : i32
      %dma_wait3A_135 = tpu.memref_slice %arg3[%arg0, %arg1, %add3A_132, %dma_wait3A_133, %dma_wait3A_134] : memref<2x16x252x2x80xi32, #tpu.memory_space<hbm>> -> memref<1x1x1x2x80xi32, #tpu.memory_space<hbm>>
      %dma_wait3A_136 = tpu.memref_squeeze %dma_wait3A_135 : memref<1x1x1x2x80xi32, #tpu.memory_space<hbm>> -> memref<2x80xi32, #tpu.memory_space<hbm>>
      %dma_wait3A_137 = arith.constant 0 : i32
      %dma_wait3A_138 = arith.constant 0 : i32
      %dma_wait3A_139 = tpu.memref_slice %arg3[%arg0, %arg1, %add3A_132, %dma_wait3A_137, %dma_wait3A_138] : memref<2x16x252x2x80xi32, #tpu.memory_space<hbm>> -> memref<1x1x1x2x80xi32, #tpu.memory_space<hbm>>
      %dma_wait3A_140 = tpu.memref_squeeze %dma_wait3A_139 : memref<1x1x1x2x80xi32, #tpu.memory_space<hbm>> -> memref<2x80xi32, #tpu.memory_space<hbm>>
      tpu.wait_dma2 semaphore(%arg17 : memref<!tpu.dma_semaphore, #tpu.memory_space<semaphore_mem>>) src(%dma_wait3A_140 : memref<2x80xi32, #tpu.memory_space<hbm>>) dst(%arg9 : memref<2x80xi32, #tpu.memory_space<vmem>>)
      %dma_start3A_141 = arith.constant 0 : i32
      %dma_start3A_142 = arith.constant 0 : i32
      %dma_start3A_143 = tpu.memref_slice %arg9[%dma_start3A_141, %dma_start3A_142] : memref<2x80xi32, #tpu.memory_space<vmem>> -> memref<1x80xi32, #tpu.memory_space<vmem>>
      %dma_start3A_144 = tpu.memref_squeeze %dma_start3A_143 : memref<1x80xi32, #tpu.memory_space<vmem>> -> memref<80xi32, #tpu.memory_space<vmem>>
      %dma_start3A_145 = arith.constant 0 : i32
      %dma_start3A_146 = arith.constant 0 : i32
      %dma_start3A_147 = tpu.memref_slice %arg2[%dma_start3A_145, %dma_start3A_146] : memref<20000x128xf32, #tpu.memory_space<hbm>> -> memref<20000x128xf32, #tpu.memory_space<hbm>>
      tpu.enqueue_indirect_dma source(%dma_start3A_147 : memref<20000x128xf32, #tpu.memory_space<hbm>>) target(%arg13 : memref<80x128xf32, #tpu.memory_space<vmem>>) offsets(%dma_start3A_144 : memref<80xi32, #tpu.memory_space<vmem>>) semaphore(%arg21 : memref<!tpu.dma_semaphore, #tpu.memory_space<semaphore_mem>>)
      %dma_wait3A_148 = arith.constant 0 : i32
      %dma_wait3A_149 = arith.constant 0 : i32
      %dma_wait3A_150 = tpu.memref_slice %arg6[%dma_wait3A_148, %dma_wait3A_149] : memref<2x80xi32, #tpu.memory_space<vmem>> -> memref<1x80xi32, #tpu.memory_space<vmem>>
      %dma_wait3A_151 = tpu.memref_squeeze %dma_wait3A_150 : memref<1x80xi32, #tpu.memory_space<vmem>> -> memref<80xi32, #tpu.memory_space<vmem>>
      %dma_wait3A_152 = arith.constant 0 : i32
      %dma_wait3A_153 = arith.constant 0 : i32
      %dma_wait3A_154 = tpu.memref_slice %arg2[%dma_wait3A_152, %dma_wait3A_153] : memref<20000x128xf32, #tpu.memory_space<hbm>> -> memref<20000x128xf32, #tpu.memory_space<hbm>>
      tpu.wait_indirect_dma semaphore(%arg18 : memref<!tpu.dma_semaphore, #tpu.memory_space<semaphore_mem>>) src(%dma_wait3A_154 : memref<20000x128xf32, #tpu.memory_space<hbm>>) dst(%arg10 : memref<80x128xf32, #tpu.memory_space<vmem>>)
      %dma_start3A_155 = arith.constant 1 : i32
      %dma_start3A_156 = arith.constant 0 : i32
      %dma_start3A_157 = tpu.memref_slice %arg6[%dma_start3A_155, %dma_start3A_156] : memref<2x80xi32, #tpu.memory_space<vmem>> -> memref<1x80xi32, #tpu.memory_space<vmem>>
      %dma_start3A_158 = tpu.memref_squeeze %dma_start3A_157 : memref<1x80xi32, #tpu.memory_space<vmem>> -> memref<80xi32, #tpu.memory_space<vmem>>
      %dma_start3A_159 = arith.constant 0 : i32
      %dma_start3A_160 = arith.constant 0 : i32
      %dma_start3A_161 = tpu.memref_slice %arg26[%dma_start3A_159, %dma_start3A_160] : memref<10008x128xf32, #tpu.memory_space<vmem_shared>> -> memref<10008x128xf32, #tpu.memory_space<vmem_shared>>
      tpu.enqueue_indirect_dma source(%arg10 : memref<80x128xf32, #tpu.memory_space<vmem>>) target(%dma_start3A_161 : memref<10008x128xf32, #tpu.memory_space<vmem_shared>>) offsets(%dma_start3A_158 : memref<80xi32, #tpu.memory_space<vmem>>) semaphore(%arg22 : memref<!tpu.dma_semaphore, #tpu.memory_space<semaphore_mem>>) {add = true}
      %dma_wait3A_162 = arith.constant 0 : i32
      %dma_wait3A_163 = arith.constant 0 : i32
      %dma_wait3A_164 = tpu.memref_slice %arg7[%dma_wait3A_162, %dma_wait3A_163] : memref<2x80xi32, #tpu.memory_space<vmem>> -> memref<1x80xi32, #tpu.memory_space<vmem>>
      %dma_wait3A_165 = tpu.memref_squeeze %dma_wait3A_164 : memref<1x80xi32, #tpu.memory_space<vmem>> -> memref<80xi32, #tpu.memory_space<vmem>>
      %dma_wait3A_166 = arith.constant 0 : i32
      %dma_wait3A_167 = arith.constant 0 : i32
      %dma_wait3A_168 = tpu.memref_slice %arg2[%dma_wait3A_166, %dma_wait3A_167] : memref<20000x128xf32, #tpu.memory_space<hbm>> -> memref<20000x128xf32, #tpu.memory_space<hbm>>
      tpu.wait_indirect_dma semaphore(%arg19 : memref<!tpu.dma_semaphore, #tpu.memory_space<semaphore_mem>>) src(%dma_wait3A_168 : memref<20000x128xf32, #tpu.memory_space<hbm>>) dst(%arg11 : memref<80x128xf32, #tpu.memory_space<vmem>>)
      %dma_start3A_169 = arith.constant 1 : i32
      %dma_start3A_170 = arith.constant 0 : i32
      %dma_start3A_171 = tpu.memref_slice %arg7[%dma_start3A_169, %dma_start3A_170] : memref<2x80xi32, #tpu.memory_space<vmem>> -> memref<1x80xi32, #tpu.memory_space<vmem>>
      %dma_start3A_172 = tpu.memref_squeeze %dma_start3A_171 : memref<1x80xi32, #tpu.memory_space<vmem>> -> memref<80xi32, #tpu.memory_space<vmem>>
      %dma_start3A_173 = arith.constant 0 : i32
      %dma_start3A_174 = arith.constant 0 : i32
      %dma_start3A_175 = tpu.memref_slice %arg26[%dma_start3A_173, %dma_start3A_174] : memref<10008x128xf32, #tpu.memory_space<vmem_shared>> -> memref<10008x128xf32, #tpu.memory_space<vmem_shared>>
      tpu.enqueue_indirect_dma source(%arg11 : memref<80x128xf32, #tpu.memory_space<vmem>>) target(%dma_start3A_175 : memref<10008x128xf32, #tpu.memory_space<vmem_shared>>) offsets(%dma_start3A_172 : memref<80xi32, #tpu.memory_space<vmem>>) semaphore(%arg23 : memref<!tpu.dma_semaphore, #tpu.memory_space<semaphore_mem>>) {add = true}
      %dma_wait3A_176 = arith.constant 0 : i32
      %dma_wait3A_177 = arith.constant 0 : i32
      %dma_wait3A_178 = tpu.memref_slice %arg8[%dma_wait3A_176, %dma_wait3A_177] : memref<2x80xi32, #tpu.memory_space<vmem>> -> memref<1x80xi32, #tpu.memory_space<vmem>>
      %dma_wait3A_179 = tpu.memref_squeeze %dma_wait3A_178 : memref<1x80xi32, #tpu.memory_space<vmem>> -> memref<80xi32, #tpu.memory_space<vmem>>
      %dma_wait3A_180 = arith.constant 0 : i32
      %dma_wait3A_181 = arith.constant 0 : i32
      %dma_wait3A_182 = tpu.memref_slice %arg2[%dma_wait3A_180, %dma_wait3A_181] : memref<20000x128xf32, #tpu.memory_space<hbm>> -> memref<20000x128xf32, #tpu.memory_space<hbm>>
      tpu.wait_indirect_dma semaphore(%arg20 : memref<!tpu.dma_semaphore, #tpu.memory_space<semaphore_mem>>) src(%dma_wait3A_182 : memref<20000x128xf32, #tpu.memory_space<hbm>>) dst(%arg12 : memref<80x128xf32, #tpu.memory_space<vmem>>)
      %dma_start3A_183 = arith.constant 1 : i32
      %dma_start3A_184 = arith.constant 0 : i32
      %dma_start3A_185 = tpu.memref_slice %arg8[%dma_start3A_183, %dma_start3A_184] : memref<2x80xi32, #tpu.memory_space<vmem>> -> memref<1x80xi32, #tpu.memory_space<vmem>>
      %dma_start3A_186 = tpu.memref_squeeze %dma_start3A_185 : memref<1x80xi32, #tpu.memory_space<vmem>> -> memref<80xi32, #tpu.memory_space<vmem>>
      %dma_start3A_187 = arith.constant 0 : i32
      %dma_start3A_188 = arith.constant 0 : i32
      %dma_start3A_189 = tpu.memref_slice %arg26[%dma_start3A_187, %dma_start3A_188] : memref<10008x128xf32, #tpu.memory_space<vmem_shared>> -> memref<10008x128xf32, #tpu.memory_space<vmem_shared>>
      tpu.enqueue_indirect_dma source(%arg12 : memref<80x128xf32, #tpu.memory_space<vmem>>) target(%dma_start3A_189 : memref<10008x128xf32, #tpu.memory_space<vmem_shared>>) offsets(%dma_start3A_186 : memref<80xi32, #tpu.memory_space<vmem>>) semaphore(%arg24 : memref<!tpu.dma_semaphore, #tpu.memory_space<semaphore_mem>>) {add = true}
      %dma_wait3A_190 = arith.constant 0 : i32
      %dma_wait3A_191 = arith.constant 0 : i32
      %dma_wait3A_192 = tpu.memref_slice %arg9[%dma_wait3A_190, %dma_wait3A_191] : memref<2x80xi32, #tpu.memory_space<vmem>> -> memref<1x80xi32, #tpu.memory_space<vmem>>
      %dma_wait3A_193 = tpu.memref_squeeze %dma_wait3A_192 : memref<1x80xi32, #tpu.memory_space<vmem>> -> memref<80xi32, #tpu.memory_space<vmem>>
      %dma_wait3A_194 = arith.constant 0 : i32
      %dma_wait3A_195 = arith.constant 0 : i32
      %dma_wait3A_196 = tpu.memref_slice %arg2[%dma_wait3A_194, %dma_wait3A_195] : memref<20000x128xf32, #tpu.memory_space<hbm>> -> memref<20000x128xf32, #tpu.memory_space<hbm>>
      tpu.wait_indirect_dma semaphore(%arg21 : memref<!tpu.dma_semaphore, #tpu.memory_space<semaphore_mem>>) src(%dma_wait3A_196 : memref<20000x128xf32, #tpu.memory_space<hbm>>) dst(%arg13 : memref<80x128xf32, #tpu.memory_space<vmem>>)
      %dma_start3A_197 = arith.constant 1 : i32
      %dma_start3A_198 = arith.constant 0 : i32
      %dma_start3A_199 = tpu.memref_slice %arg9[%dma_start3A_197, %dma_start3A_198] : memref<2x80xi32, #tpu.memory_space<vmem>> -> memref<1x80xi32, #tpu.memory_space<vmem>>
      %dma_start3A_200 = tpu.memref_squeeze %dma_start3A_199 : memref<1x80xi32, #tpu.memory_space<vmem>> -> memref<80xi32, #tpu.memory_space<vmem>>
      %dma_start3A_201 = arith.constant 0 : i32
      %dma_start3A_202 = arith.constant 0 : i32
      %dma_start3A_203 = tpu.memref_slice %arg26[%dma_start3A_201, %dma_start3A_202] : memref<10008x128xf32, #tpu.memory_space<vmem_shared>> -> memref<10008x128xf32, #tpu.memory_space<vmem_shared>>
      tpu.enqueue_indirect_dma source(%arg13 : memref<80x128xf32, #tpu.memory_space<vmem>>) target(%dma_start3A_203 : memref<10008x128xf32, #tpu.memory_space<vmem_shared>>) offsets(%dma_start3A_200 : memref<80xi32, #tpu.memory_space<vmem>>) semaphore(%arg25 : memref<!tpu.dma_semaphore, #tpu.memory_space<semaphore_mem>>) {add = true}
      %lt3A = arith.constant 62 : i32
      %lt3A_204 = arith.cmpi slt, %scan3A_76, %lt3A : i32
      %convert_element_type3A = arith.extui %lt3A_204 : i1 to i32
      %cond3A = arith.constant 0 : i32
      %cond3A_205 = arith.cmpi ne, %convert_element_type3A, %cond3A : i32
      scf.if %cond3A_205 {
        %dma_wait3A_207 = arith.constant 1 : i32
        %dma_wait3A_208 = arith.constant 0 : i32
        %dma_wait3A_209 = tpu.memref_slice %arg6[%dma_wait3A_207, %dma_wait3A_208] : memref<2x80xi32, #tpu.memory_space<vmem>> -> memref<1x80xi32, #tpu.memory_space<vmem>>
        %dma_wait3A_210 = tpu.memref_squeeze %dma_wait3A_209 : memref<1x80xi32, #tpu.memory_space<vmem>> -> memref<80xi32, #tpu.memory_space<vmem>>
        %dma_wait3A_211 = arith.constant 0 : i32
        %dma_wait3A_212 = arith.constant 0 : i32
        %dma_wait3A_213 = tpu.memref_slice %arg26[%dma_wait3A_211, %dma_wait3A_212] : memref<10008x128xf32, #tpu.memory_space<vmem_shared>> -> memref<10008x128xf32, #tpu.memory_space<vmem_shared>>
        tpu.wait_indirect_dma semaphore(%arg22 : memref<!tpu.dma_semaphore, #tpu.memory_space<semaphore_mem>>) src(%arg10 : memref<80x128xf32, #tpu.memory_space<vmem>>) dst(%dma_wait3A_213 : memref<10008x128xf32, #tpu.memory_space<vmem_shared>>)
        %add3A_214 = arith.constant 4 : i32
        %add3A_215 = arith.addi %mul3A_79, %add3A_214 : i32
        %add3A_216 = arith.constant 0 : i32
        %add3A_217 = arith.addi %add3A_215, %add3A_216 : i32
        %dma_start3A_218 = arith.constant 0 : i32
        %dma_start3A_219 = arith.constant 0 : i32
        %dma_start3A_220 = tpu.memref_slice %arg3[%arg0, %arg1, %add3A_217, %dma_start3A_218, %dma_start3A_219] : memref<2x16x252x2x80xi32, #tpu.memory_space<hbm>> -> memref<1x1x1x2x80xi32, #tpu.memory_space<hbm>>
        %dma_start3A_221 = tpu.memref_squeeze %dma_start3A_220 : memref<1x1x1x2x80xi32, #tpu.memory_space<hbm>> -> memref<2x80xi32, #tpu.memory_space<hbm>>
        %dma_start3A_222 = arith.constant 0 : i32
        %dma_start3A_223 = arith.constant 0 : i32
        %dma_start3A_224 = tpu.memref_slice %arg3[%arg0, %arg1, %add3A_217, %dma_start3A_222, %dma_start3A_223] : memref<2x16x252x2x80xi32, #tpu.memory_space<hbm>> -> memref<1x1x1x2x80xi32, #tpu.memory_space<hbm>>
        %dma_start3A_225 = tpu.memref_squeeze %dma_start3A_224 : memref<1x1x1x2x80xi32, #tpu.memory_space<hbm>> -> memref<2x80xi32, #tpu.memory_space<hbm>>
        tpu.enqueue_dma source(%dma_start3A_225 : memref<2x80xi32, #tpu.memory_space<hbm>>) target(%arg6 : memref<2x80xi32, #tpu.memory_space<vmem>>) target_semaphore(%arg14 : memref<!tpu.dma_semaphore, #tpu.memory_space<semaphore_mem>>)
        %dma_wait3A_226 = arith.constant 1 : i32
        %dma_wait3A_227 = arith.constant 0 : i32
        %dma_wait3A_228 = tpu.memref_slice %arg7[%dma_wait3A_226, %dma_wait3A_227] : memref<2x80xi32, #tpu.memory_space<vmem>> -> memref<1x80xi32, #tpu.memory_space<vmem>>
        %dma_wait3A_229 = tpu.memref_squeeze %dma_wait3A_228 : memref<1x80xi32, #tpu.memory_space<vmem>> -> memref<80xi32, #tpu.memory_space<vmem>>
        %dma_wait3A_230 = arith.constant 0 : i32
        %dma_wait3A_231 = arith.constant 0 : i32
        %dma_wait3A_232 = tpu.memref_slice %arg26[%dma_wait3A_230, %dma_wait3A_231] : memref<10008x128xf32, #tpu.memory_space<vmem_shared>> -> memref<10008x128xf32, #tpu.memory_space<vmem_shared>>
        tpu.wait_indirect_dma semaphore(%arg23 : memref<!tpu.dma_semaphore, #tpu.memory_space<semaphore_mem>>) src(%arg11 : memref<80x128xf32, #tpu.memory_space<vmem>>) dst(%dma_wait3A_232 : memref<10008x128xf32, #tpu.memory_space<vmem_shared>>)
        %add3A_233 = arith.constant 4 : i32
        %add3A_234 = arith.addi %mul3A_79, %add3A_233 : i32
        %add3A_235 = arith.constant 1 : i32
        %add3A_236 = arith.addi %add3A_234, %add3A_235 : i32
        %dma_start3A_237 = arith.constant 0 : i32
        %dma_start3A_238 = arith.constant 0 : i32
        %dma_start3A_239 = tpu.memref_slice %arg3[%arg0, %arg1, %add3A_236, %dma_start3A_237, %dma_start3A_238] : memref<2x16x252x2x80xi32, #tpu.memory_space<hbm>> -> memref<1x1x1x2x80xi32, #tpu.memory_space<hbm>>
        %dma_start3A_240 = tpu.memref_squeeze %dma_start3A_239 : memref<1x1x1x2x80xi32, #tpu.memory_space<hbm>> -> memref<2x80xi32, #tpu.memory_space<hbm>>
        %dma_start3A_241 = arith.constant 0 : i32
        %dma_start3A_242 = arith.constant 0 : i32
        %dma_start3A_243 = tpu.memref_slice %arg3[%arg0, %arg1, %add3A_236, %dma_start3A_241, %dma_start3A_242] : memref<2x16x252x2x80xi32, #tpu.memory_space<hbm>> -> memref<1x1x1x2x80xi32, #tpu.memory_space<hbm>>
        %dma_start3A_244 = tpu.memref_squeeze %dma_start3A_243 : memref<1x1x1x2x80xi32, #tpu.memory_space<hbm>> -> memref<2x80xi32, #tpu.memory_space<hbm>>
        tpu.enqueue_dma source(%dma_start3A_244 : memref<2x80xi32, #tpu.memory_space<hbm>>) target(%arg7 : memref<2x80xi32, #tpu.memory_space<vmem>>) target_semaphore(%arg15 : memref<!tpu.dma_semaphore, #tpu.memory_space<semaphore_mem>>)
        %dma_wait3A_245 = arith.constant 1 : i32
        %dma_wait3A_246 = arith.constant 0 : i32
        %dma_wait3A_247 = tpu.memref_slice %arg8[%dma_wait3A_245, %dma_wait3A_246] : memref<2x80xi32, #tpu.memory_space<vmem>> -> memref<1x80xi32, #tpu.memory_space<vmem>>
        %dma_wait3A_248 = tpu.memref_squeeze %dma_wait3A_247 : memref<1x80xi32, #tpu.memory_space<vmem>> -> memref<80xi32, #tpu.memory_space<vmem>>
        %dma_wait3A_249 = arith.constant 0 : i32
        %dma_wait3A_250 = arith.constant 0 : i32
        %dma_wait3A_251 = tpu.memref_slice %arg26[%dma_wait3A_249, %dma_wait3A_250] : memref<10008x128xf32, #tpu.memory_space<vmem_shared>> -> memref<10008x128xf32, #tpu.memory_space<vmem_shared>>
        tpu.wait_indirect_dma semaphore(%arg24 : memref<!tpu.dma_semaphore, #tpu.memory_space<semaphore_mem>>) src(%arg12 : memref<80x128xf32, #tpu.memory_space<vmem>>) dst(%dma_wait3A_251 : memref<10008x128xf32, #tpu.memory_space<vmem_shared>>)
        %add3A_252 = arith.constant 4 : i32
        %add3A_253 = arith.addi %mul3A_79, %add3A_252 : i32
        %add3A_254 = arith.constant 2 : i32
        %add3A_255 = arith.addi %add3A_253, %add3A_254 : i32
        %dma_start3A_256 = arith.constant 0 : i32
        %dma_start3A_257 = arith.constant 0 : i32
        %dma_start3A_258 = tpu.memref_slice %arg3[%arg0, %arg1, %add3A_255, %dma_start3A_256, %dma_start3A_257] : memref<2x16x252x2x80xi32, #tpu.memory_space<hbm>> -> memref<1x1x1x2x80xi32, #tpu.memory_space<hbm>>
        %dma_start3A_259 = tpu.memref_squeeze %dma_start3A_258 : memref<1x1x1x2x80xi32, #tpu.memory_space<hbm>> -> memref<2x80xi32, #tpu.memory_space<hbm>>
        %dma_start3A_260 = arith.constant 0 : i32
        %dma_start3A_261 = arith.constant 0 : i32
        %dma_start3A_262 = tpu.memref_slice %arg3[%arg0, %arg1, %add3A_255, %dma_start3A_260, %dma_start3A_261] : memref<2x16x252x2x80xi32, #tpu.memory_space<hbm>> -> memref<1x1x1x2x80xi32, #tpu.memory_space<hbm>>
        %dma_start3A_263 = tpu.memref_squeeze %dma_start3A_262 : memref<1x1x1x2x80xi32, #tpu.memory_space<hbm>> -> memref<2x80xi32, #tpu.memory_space<hbm>>
        tpu.enqueue_dma source(%dma_start3A_263 : memref<2x80xi32, #tpu.memory_space<hbm>>) target(%arg8 : memref<2x80xi32, #tpu.memory_space<vmem>>) target_semaphore(%arg16 : memref<!tpu.dma_semaphore, #tpu.memory_space<semaphore_mem>>)
        %dma_wait3A_264 = arith.constant 1 : i32
        %dma_wait3A_265 = arith.constant 0 : i32
        %dma_wait3A_266 = tpu.memref_slice %arg9[%dma_wait3A_264, %dma_wait3A_265] : memref<2x80xi32, #tpu.memory_space<vmem>> -> memref<1x80xi32, #tpu.memory_space<vmem>>
        %dma_wait3A_267 = tpu.memref_squeeze %dma_wait3A_266 : memref<1x80xi32, #tpu.memory_space<vmem>> -> memref<80xi32, #tpu.memory_space<vmem>>
        %dma_wait3A_268 = arith.constant 0 : i32
        %dma_wait3A_269 = arith.constant 0 : i32
        %dma_wait3A_270 = tpu.memref_slice %arg26[%dma_wait3A_268, %dma_wait3A_269] : memref<10008x128xf32, #tpu.memory_space<vmem_shared>> -> memref<10008x128xf32, #tpu.memory_space<vmem_shared>>
        tpu.wait_indirect_dma semaphore(%arg25 : memref<!tpu.dma_semaphore, #tpu.memory_space<semaphore_mem>>) src(%arg13 : memref<80x128xf32, #tpu.memory_space<vmem>>) dst(%dma_wait3A_270 : memref<10008x128xf32, #tpu.memory_space<vmem_shared>>)
        %add3A_271 = arith.constant 4 : i32
        %add3A_272 = arith.addi %mul3A_79, %add3A_271 : i32
        %add3A_273 = arith.constant 3 : i32
        %add3A_274 = arith.addi %add3A_272, %add3A_273 : i32
        %dma_start3A_275 = arith.constant 0 : i32
        %dma_start3A_276 = arith.constant 0 : i32
        %dma_start3A_277 = tpu.memref_slice %arg3[%arg0, %arg1, %add3A_274, %dma_start3A_275, %dma_start3A_276] : memref<2x16x252x2x80xi32, #tpu.memory_space<hbm>> -> memref<1x1x1x2x80xi32, #tpu.memory_space<hbm>>
        %dma_start3A_278 = tpu.memref_squeeze %dma_start3A_277 : memref<1x1x1x2x80xi32, #tpu.memory_space<hbm>> -> memref<2x80xi32, #tpu.memory_space<hbm>>
        %dma_start3A_279 = arith.constant 0 : i32
        %dma_start3A_280 = arith.constant 0 : i32
        %dma_start3A_281 = tpu.memref_slice %arg3[%arg0, %arg1, %add3A_274, %dma_start3A_279, %dma_start3A_280] : memref<2x16x252x2x80xi32, #tpu.memory_space<hbm>> -> memref<1x1x1x2x80xi32, #tpu.memory_space<hbm>>
        %dma_start3A_282 = tpu.memref_squeeze %dma_start3A_281 : memref<1x1x1x2x80xi32, #tpu.memory_space<hbm>> -> memref<2x80xi32, #tpu.memory_space<hbm>>
        tpu.enqueue_dma source(%dma_start3A_282 : memref<2x80xi32, #tpu.memory_space<hbm>>) target(%arg9 : memref<2x80xi32, #tpu.memory_space<vmem>>) target_semaphore(%arg17 : memref<!tpu.dma_semaphore, #tpu.memory_space<semaphore_mem>>)
      } else {
      }
      %scan3A_206 = arith.constant 0 : i32
      scf.yield %scan3A_206 : i32
    }
    %scan3A_41 = arith.constant 63 : i32
    %dma_wait3A = arith.constant 1 : i32
    %dma_wait3A_42 = arith.constant 0 : i32
    %dma_wait3A_43 = tpu.memref_slice %arg6[%dma_wait3A, %dma_wait3A_42] : memref<2x80xi32, #tpu.memory_space<vmem>> -> memref<1x80xi32, #tpu.memory_space<vmem>>
    %dma_wait3A_44 = tpu.memref_squeeze %dma_wait3A_43 : memref<1x80xi32, #tpu.memory_space<vmem>> -> memref<80xi32, #tpu.memory_space<vmem>>
    %dma_wait3A_45 = arith.constant 0 : i32
    %dma_wait3A_46 = arith.constant 0 : i32
    %dma_wait3A_47 = tpu.memref_slice %arg26[%dma_wait3A_45, %dma_wait3A_46] : memref<10008x128xf32, #tpu.memory_space<vmem_shared>> -> memref<10008x128xf32, #tpu.memory_space<vmem_shared>>
    tpu.wait_indirect_dma semaphore(%arg22 : memref<!tpu.dma_semaphore, #tpu.memory_space<semaphore_mem>>) src(%arg10 : memref<80x128xf32, #tpu.memory_space<vmem>>) dst(%dma_wait3A_47 : memref<10008x128xf32, #tpu.memory_space<vmem_shared>>)
    %dma_wait3A_48 = arith.constant 1 : i32
    %dma_wait3A_49 = arith.constant 0 : i32
    %dma_wait3A_50 = tpu.memref_slice %arg7[%dma_wait3A_48, %dma_wait3A_49] : memref<2x80xi32, #tpu.memory_space<vmem>> -> memref<1x80xi32, #tpu.memory_space<vmem>>
    %dma_wait3A_51 = tpu.memref_squeeze %dma_wait3A_50 : memref<1x80xi32, #tpu.memory_space<vmem>> -> memref<80xi32, #tpu.memory_space<vmem>>
    %dma_wait3A_52 = arith.constant 0 : i32
    %dma_wait3A_53 = arith.constant 0 : i32
    %dma_wait3A_54 = tpu.memref_slice %arg26[%dma_wait3A_52, %dma_wait3A_53] : memref<10008x128xf32, #tpu.memory_space<vmem_shared>> -> memref<10008x128xf32, #tpu.memory_space<vmem_shared>>
    tpu.wait_indirect_dma semaphore(%arg23 : memref<!tpu.dma_semaphore, #tpu.memory_space<semaphore_mem>>) src(%arg11 : memref<80x128xf32, #tpu.memory_space<vmem>>) dst(%dma_wait3A_54 : memref<10008x128xf32, #tpu.memory_space<vmem_shared>>)
    %dma_wait3A_55 = arith.constant 1 : i32
    %dma_wait3A_56 = arith.constant 0 : i32
    %dma_wait3A_57 = tpu.memref_slice %arg8[%dma_wait3A_55, %dma_wait3A_56] : memref<2x80xi32, #tpu.memory_space<vmem>> -> memref<1x80xi32, #tpu.memory_space<vmem>>
    %dma_wait3A_58 = tpu.memref_squeeze %dma_wait3A_57 : memref<1x80xi32, #tpu.memory_space<vmem>> -> memref<80xi32, #tpu.memory_space<vmem>>
    %dma_wait3A_59 = arith.constant 0 : i32
    %dma_wait3A_60 = arith.constant 0 : i32
    %dma_wait3A_61 = tpu.memref_slice %arg26[%dma_wait3A_59, %dma_wait3A_60] : memref<10008x128xf32, #tpu.memory_space<vmem_shared>> -> memref<10008x128xf32, #tpu.memory_space<vmem_shared>>
    tpu.wait_indirect_dma semaphore(%arg24 : memref<!tpu.dma_semaphore, #tpu.memory_space<semaphore_mem>>) src(%arg12 : memref<80x128xf32, #tpu.memory_space<vmem>>) dst(%dma_wait3A_61 : memref<10008x128xf32, #tpu.memory_space<vmem_shared>>)
    %dma_wait3A_62 = arith.constant 1 : i32
    %dma_wait3A_63 = arith.constant 0 : i32
    %dma_wait3A_64 = tpu.memref_slice %arg9[%dma_wait3A_62, %dma_wait3A_63] : memref<2x80xi32, #tpu.memory_space<vmem>> -> memref<1x80xi32, #tpu.memory_space<vmem>>
    %dma_wait3A_65 = tpu.memref_squeeze %dma_wait3A_64 : memref<1x80xi32, #tpu.memory_space<vmem>> -> memref<80xi32, #tpu.memory_space<vmem>>
    %dma_wait3A_66 = arith.constant 0 : i32
    %dma_wait3A_67 = arith.constant 0 : i32
    %dma_wait3A_68 = tpu.memref_slice %arg26[%dma_wait3A_66, %dma_wait3A_67] : memref<10008x128xf32, #tpu.memory_space<vmem_shared>> -> memref<10008x128xf32, #tpu.memory_space<vmem_shared>>
    tpu.wait_indirect_dma semaphore(%arg25 : memref<!tpu.dma_semaphore, #tpu.memory_space<semaphore_mem>>) src(%arg13 : memref<80x128xf32, #tpu.memory_space<vmem>>) dst(%dma_wait3A_68 : memref<10008x128xf32, #tpu.memory_space<vmem_shared>>)
    %barrier3A_69 = arith.constant 0 : index
    tpu.barrier barrier_id(%barrier3A_69)
    %mul3A_70 = arith.constant 624 : i32
    %mul3A_71 = arith.muli %arg1, %mul3A_70 : i32
    %mul3A_72 = arith.constant 10000 : i32
    %mul3A_73 = arith.muli %arg0, %mul3A_72 : i32
    %mul3A_74 = arith.constant 624 : i32
    %mul3A_75 = arith.muli %arg1, %mul3A_74 : i32
    %add3A = arith.addi %mul3A_73, %mul3A_75 : i32
    "tpu.region"() ({
      %run_scoped3A = tpu.sem_alloc : memref<!tpu.dma_semaphore, #tpu.memory_space<semaphore_mem>>
      %dma_start3A_76 = arith.constant 0 : i32
      %dma_start3A_77 = tpu.memref_slice %arg5[%add3A, %dma_start3A_76] : memref<20000x128xf32, #tpu.memory_space<hbm>> -> memref<640x128xf32, #tpu.memory_space<hbm>>
      %dma_start3A_78 = arith.constant 0 : i32
      %dma_start3A_79 = tpu.memref_slice %arg26[%mul3A_71, %dma_start3A_78] : memref<10008x128xf32, #tpu.memory_space<vmem_shared>> -> memref<640x128xf32, #tpu.memory_space<vmem_shared>>
      tpu.enqueue_dma source(%dma_start3A_79 : memref<640x128xf32, #tpu.memory_space<vmem_shared>>) target(%dma_start3A_77 : memref<640x128xf32, #tpu.memory_space<hbm>>) target_semaphore(%run_scoped3A : memref<!tpu.dma_semaphore, #tpu.memory_space<semaphore_mem>>)
      %dma_wait3A_80 = arith.constant 0 : i32
      %dma_wait3A_81 = tpu.memref_slice %arg5[%add3A, %dma_wait3A_80] : memref<20000x128xf32, #tpu.memory_space<hbm>> -> memref<640x128xf32, #tpu.memory_space<hbm>>
      %dma_wait3A_82 = arith.constant 0 : i32
      %dma_wait3A_83 = tpu.memref_slice %arg26[%mul3A_71, %dma_wait3A_82] : memref<10008x128xf32, #tpu.memory_space<vmem_shared>> -> memref<640x128xf32, #tpu.memory_space<vmem_shared>>
      tpu.wait_dma2 semaphore(%run_scoped3A : memref<!tpu.dma_semaphore, #tpu.memory_space<semaphore_mem>>) src(%dma_wait3A_83 : memref<640x128xf32, #tpu.memory_space<vmem_shared>>) dst(%dma_wait3A_81 : memref<640x128xf32, #tpu.memory_space<hbm>>)
      tpu.yield
    }) : () -> ()
    return
  }
}

module attributes {stable_mosaic.version = 14 : i64} {
  func.func @_norm_body(%arg0: i32, %arg1: memref<2000x200xf32, #tpu.memory_space<vmem>>, %arg2: memref<2000x128xf32, #tpu.memory_space<vmem>>, %arg3: memref<2000x128xf32, #tpu.memory_space<vmem>>) attributes {dimension_semantics = [#tpu.dimension_semantics<arbitrary>], iteration_bounds = array<i64: 5>, scalar_prefetch = 0 : i64, scratch_operands = 0 : i64, tpu.core_type = #tpu.core_type<tc>, window_params = [{transform_indices = @transform_0, window_bounds = array<i64: 2000, 200>}, {transform_indices = @transform_1, window_bounds = array<i64: 2000, 128>}, {transform_indices = @transform_2, window_bounds = array<i64: 2000, 128>}]} {
    %get3A = arith.constant 0 : index
    %get3A_0 = arith.constant 0 : index
    %get3A_1 = vector.load %arg1[%get3A, %get3A_0] : memref<2000x200xf32, #tpu.memory_space<vmem>>, vector<2000x200xf32>
    %mul3A = arith.mulf %get3A_1, %get3A_1 : vector<2000x200xf32>
    %reduce_sum3A = arith.constant dense<0.000000e+00> : vector<2000xf32>
    %reduce_sum3A_2 = vector.multi_reduction <add>, %mul3A, %reduce_sum3A [1] : vector<2000x200xf32> to vector<2000xf32>
    %broadcast_in_dim3A = vector.shape_cast %reduce_sum3A_2 : vector<2000xf32> to vector<2000x1xf32>
    %sqrt3A = math.sqrt %broadcast_in_dim3A : vector<2000x1xf32>
    %jit3A = arith.constant 9.99999996E-13 : f32
    %max3A = vector.broadcast %jit3A : f32 to vector<2000x1xf32>
    %max3A_3 = arith.maximumf %max3A, %sqrt3A : vector<2000x1xf32>
    %div3A = vector.broadcast %max3A_3 : vector<2000x1xf32> to vector<2000x200xf32>
    %div3A_4 = arith.divf %get3A_1, %div3A : vector<2000x200xf32>
    %slice3A = vector.extract_strided_slice %div3A_4 {offsets = [0, 0], sizes = [2000, 128], strides = [1, 1]} : vector<2000x200xf32> to vector<2000x128xf32>
    %swap3A = arith.constant 0 : index
    %swap3A_5 = arith.constant 0 : index
    %swap3A_6 = vector.load %arg2[%swap3A, %swap3A_5] : memref<2000x128xf32, #tpu.memory_space<vmem>>, vector<2000x128xf32>
    tpu.vector_store %arg2[%swap3A, %swap3A_5], %slice3A {strides = array<i32>} : memref<2000x128xf32, #tpu.memory_space<vmem>>, vector<2000x128xf32>,
    %slice3A_7 = vector.extract_strided_slice %div3A_4 {offsets = [0, 128], sizes = [2000, 72], strides = [1, 1]} : vector<2000x200xf32> to vector<2000x72xf32>
    %broadcast_in_dim3A_8 = arith.constant 0.000000e+00 : f32
    %broadcast_in_dim3A_9 = vector.broadcast %broadcast_in_dim3A_8 : f32 to vector<2000x56xf32>
    %concatenate3A = tpu.concatenate %slice3A_7, %broadcast_in_dim3A_9 in 1 : vector<2000x72xf32>, vector<2000x56xf32> -> vector<2000x128xf32>
    %swap3A_10 = arith.constant 0 : index
    %swap3A_11 = arith.constant 0 : index
    %swap3A_12 = vector.load %arg3[%swap3A_10, %swap3A_11] : memref<2000x128xf32, #tpu.memory_space<vmem>>, vector<2000x128xf32>
    tpu.vector_store %arg3[%swap3A_10, %swap3A_11], %concatenate3A {strides = array<i32>} : memref<2000x128xf32, #tpu.memory_space<vmem>>, vector<2000x128xf32>,
    return
  }
  func.func @transform_0(%arg0: i32) -> (i32, i32) {
    %c0_i32 = arith.constant 0 : i32
    %c0_i32_0 = arith.constant 0 : i32
    return %arg0, %c0_i32 : i32, i32
  }
  func.func @transform_1(%arg0: i32) -> (i32, i32) {
    %c0_i32 = arith.constant 0 : i32
    %c0_i32_0 = arith.constant 0 : i32
    return %arg0, %c0_i32 : i32, i32
  }
  func.func @transform_2(%arg0: i32) -> (i32, i32) {
    %c0_i32 = arith.constant 0 : i32
    %c0_i32_0 = arith.constant 0 : i32
    return %arg0, %c0_i32 : i32, i32
  }
}

module attributes {stable_mosaic.version = 14 : i64} {
  func.func @_layer_body(%arg0: i32, %arg1: memref<2000x128xf32, #tpu.memory_space<vmem>>, %arg2: memref<2000x128xf32, #tpu.memory_space<vmem>>, %arg3: memref<2000x128xf32, #tpu.memory_space<vmem>>, %arg4: memref<2000x128xf32, #tpu.memory_space<vmem>>, %arg5: memref<2000x128xf32, #tpu.memory_space<vmem>>, %arg6: memref<2000x128xf32, #tpu.memory_space<vmem>>, %arg7: memref<256x256xf32, #tpu.memory_space<vmem>>, %arg8: memref<256x256xf32, #tpu.memory_space<vmem>>, %arg9: memref<2000x128xf32, #tpu.memory_space<vmem>>, %arg10: memref<2000x128xf32, #tpu.memory_space<vmem>>) attributes {dimension_semantics = [#tpu.dimension_semantics<arbitrary>], iteration_bounds = array<i64: 5>, scalar_prefetch = 0 : i64, scratch_operands = 0 : i64, tpu.core_type = #tpu.core_type<tc>, window_params = [{transform_indices = @transform_0, window_bounds = array<i64: 2000, 128>}, {transform_indices = @transform_1, window_bounds = array<i64: 2000, 128>}, {transform_indices = @transform_2, window_bounds = array<i64: 2000, 128>}, {transform_indices = @transform_3, window_bounds = array<i64: 2000, 128>}, {transform_indices = @transform_4, window_bounds = array<i64: 2000, 128>}, {transform_indices = @transform_5, window_bounds = array<i64: 2000, 128>}, {pipeline_mode = #tpu.pipeline_mode<synchronous>, transform_indices = @transform_6, window_bounds = array<i64: 256, 256>}, {pipeline_mode = #tpu.pipeline_mode<synchronous>, transform_indices = @transform_7, window_bounds = array<i64: 256, 256>}, {transform_indices = @transform_8, window_bounds = array<i64: 2000, 128>}, {transform_indices = @transform_9, window_bounds = array<i64: 2000, 128>}]} {
    %get3A = arith.constant 0 : index
    %get3A_0 = arith.constant 0 : index
    %get3A_1 = vector.load %arg1[%get3A, %get3A_0] : memref<2000x128xf32, #tpu.memory_space<vmem>>, vector<2000x128xf32>
    %get3A_2 = arith.constant 0 : index
    %get3A_3 = arith.constant 0 : index
    %get3A_4 = vector.load %arg3[%get3A_2, %get3A_3] : memref<2000x128xf32, #tpu.memory_space<vmem>>, vector<2000x128xf32>
    %add3A = arith.addf %get3A_1, %get3A_4 : vector<2000x128xf32>
    %get3A_5 = arith.constant 0 : index
    %get3A_6 = arith.constant 0 : index
    %get3A_7 = vector.load %arg2[%get3A_5, %get3A_6] : memref<2000x128xf32, #tpu.memory_space<vmem>>, vector<2000x128xf32>
    %get3A_8 = arith.constant 0 : index
    %get3A_9 = arith.constant 0 : index
    %get3A_10 = vector.load %arg4[%get3A_8, %get3A_9] : memref<2000x128xf32, #tpu.memory_space<vmem>>, vector<2000x128xf32>
    %add3A_11 = arith.addf %get3A_7, %get3A_10 : vector<2000x128xf32>
    %concatenate3A = tpu.concatenate %add3A, %add3A_11 in 1 : vector<2000x128xf32>, vector<2000x128xf32> -> vector<2000x256xf32>
    %get3A_12 = arith.constant 0 : index
    %get3A_13 = arith.constant 0 : index
    %get3A_14 = vector.load %arg4[%get3A_12, %get3A_13] : memref<2000x128xf32, #tpu.memory_space<vmem>>, vector<2000x128xf32>
    %iota3A = tpu.iota {dimensions = array<i32: 1>} : vector<2000x128xi32>
    %ge3A = arith.constant 72 : i32
    %ge3A_15 = vector.broadcast %ge3A : i32 to vector<2000x128xi32>
    %ge3A_16 = arith.cmpi sge, %iota3A, %ge3A_15 : vector<2000x128xi32>
    %jit3A = arith.constant 0.000000e+00 : f32
    %broadcast_in_dim3A = vector.broadcast %jit3A : f32 to vector<2000x128xf32>
    %select_n3A = arith.select %ge3A_16, %get3A_14, %broadcast_in_dim3A : vector<2000x128xi1>, vector<2000x128xf32>
    %reduce_sum3A = arith.constant dense<0.000000e+00> : vector<2000xf32>
    %reduce_sum3A_17 = vector.multi_reduction <add>, %select_n3A, %reduce_sum3A [1] : vector<2000x128xf32> to vector<2000xf32>
    %mul3A = arith.constant 0.0178571437 : f32
    %mul3A_18 = vector.broadcast %mul3A : f32 to vector<2000xf32>
    %mul3A_19 = arith.mulf %reduce_sum3A_17, %mul3A_18 : vector<2000xf32>
    %max3A = arith.constant 1.000000e+00 : f32
    %max3A_20 = vector.broadcast %max3A : f32 to vector<2000xf32>
    %max3A_21 = arith.maximumf %mul3A_19, %max3A_20 : vector<2000xf32>
    %div3A = arith.constant 1.000000e+00 : f32
    %div3A_22 = vector.broadcast %div3A : f32 to vector<2000xf32>
    %div3A_23 = arith.divf %div3A_22, %max3A_21 : vector<2000xf32>
    %get3A_24 = arith.constant 0 : index
    %get3A_25 = arith.constant 0 : index
    %get3A_26 = vector.load %arg7[%get3A_24, %get3A_25] : memref<256x256xf32, #tpu.memory_space<vmem>>, vector<256x256xf32>
    %dot_general3A = arith.constant dense<0.000000e+00> : vector<2000x256xf32>
    %dot_general3A_27 = tpu.matmul %concatenate3A, %get3A_26, %dot_general3A {dimension_numbers = #tpu.dot_dimension_numbers<[1], [0], [0], [1], [0, 0, 1, 1], [], []>, transpose_lhs_hint = false} : vector<2000x256xf32>, vector<256x256xf32>, vector<2000x256xf32> -> vector<2000x256xf32>
    %broadcast_in_dim3A_28 = vector.shape_cast %div3A_23 : vector<2000xf32> to vector<2000x1xf32>
    %mul3A_29 = vector.broadcast %broadcast_in_dim3A_28 : vector<2000x1xf32> to vector<2000x256xf32>
    %mul3A_30 = arith.mulf %dot_general3A_27, %mul3A_29 : vector<2000x256xf32>
    %get3A_31 = arith.constant 0 : index
    %get3A_32 = arith.constant 0 : index
    %get3A_33 = vector.load %arg5[%get3A_31, %get3A_32] : memref<2000x128xf32, #tpu.memory_space<vmem>>, vector<2000x128xf32>
    %get3A_34 = arith.constant 0 : index
    %get3A_35 = arith.constant 0 : index
    %get3A_36 = vector.load %arg6[%get3A_34, %get3A_35] : memref<2000x128xf32, #tpu.memory_space<vmem>>, vector<2000x128xf32>
    %concatenate3A_37 = tpu.concatenate %get3A_33, %get3A_36 in 1 : vector<2000x128xf32>, vector<2000x128xf32> -> vector<2000x256xf32>
    %get3A_38 = arith.constant 0 : index
    %get3A_39 = arith.constant 0 : index
    %get3A_40 = vector.load %arg8[%get3A_38, %get3A_39] : memref<256x256xf32, #tpu.memory_space<vmem>>, vector<256x256xf32>
    %dot_general3A_41 = arith.constant dense<0.000000e+00> : vector<2000x256xf32>
    %dot_general3A_42 = tpu.matmul %concatenate3A_37, %get3A_40, %dot_general3A_41 {dimension_numbers = #tpu.dot_dimension_numbers<[1], [0], [0], [1], [0, 0, 1, 1], [], []>, transpose_lhs_hint = false} : vector<2000x256xf32>, vector<256x256xf32>, vector<2000x256xf32> -> vector<2000x256xf32>
    %add3A_43 = arith.addf %mul3A_30, %dot_general3A_42 : vector<2000x256xf32>
    %ge3A_44 = arith.constant 0.000000e+00 : f32
    %ge3A_45 = vector.broadcast %ge3A_44 : f32 to vector<2000x256xf32>
    %ge3A_46 = arith.cmpf oge, %add3A_43, %ge3A_45 : vector<2000x256xf32>
    %mul3A_47 = arith.constant 0.229166672 : f32
    %mul3A_48 = vector.broadcast %mul3A_47 : f32 to vector<2000x256xf32>
    %mul3A_49 = arith.mulf %add3A_43, %mul3A_48 : vector<2000x256xf32>
    %select_n3A_50 = arith.select %ge3A_46, %add3A_43, %mul3A_49 : vector<2000x256xi1>, vector<2000x256xf32>
    %slice3A = vector.extract_strided_slice %select_n3A_50 {offsets = [0, 0], sizes = [2000, 128], strides = [1, 1]} : vector<2000x256xf32> to vector<2000x128xf32>
    %swap3A = arith.constant 0 : index
    %swap3A_51 = arith.constant 0 : index
    %swap3A_52 = vector.load %arg9[%swap3A, %swap3A_51] : memref<2000x128xf32, #tpu.memory_space<vmem>>, vector<2000x128xf32>
    tpu.vector_store %arg9[%swap3A, %swap3A_51], %slice3A {strides = array<i32>} : memref<2000x128xf32, #tpu.memory_space<vmem>>, vector<2000x128xf32>,
    %slice3A_53 = vector.extract_strided_slice %select_n3A_50 {offsets = [0, 128], sizes = [2000, 128], strides = [1, 1]} : vector<2000x256xf32> to vector<2000x128xf32>
    %swap3A_54 = arith.constant 0 : index
    %swap3A_55 = arith.constant 0 : index
    %swap3A_56 = vector.load %arg10[%swap3A_54, %swap3A_55] : memref<2000x128xf32, #tpu.memory_space<vmem>>, vector<2000x128xf32>
    tpu.vector_store %arg10[%swap3A_54, %swap3A_55], %slice3A_53 {strides = array<i32>} : memref<2000x128xf32, #tpu.memory_space<vmem>>, vector<2000x128xf32>,
    return
  }
  func.func @transform_0(%arg0: i32) -> (i32, i32) {
    %c0_i32 = arith.constant 0 : i32
    %c0_i32_0 = arith.constant 0 : i32
    return %arg0, %c0_i32 : i32, i32
  }
  func.func @transform_1(%arg0: i32) -> (i32, i32) {
    %c0_i32 = arith.constant 0 : i32
    %c0_i32_0 = arith.constant 0 : i32
    return %arg0, %c0_i32 : i32, i32
  }
  func.func @transform_2(%arg0: i32) -> (i32, i32) {
    %c0_i32 = arith.constant 0 : i32
    %c0_i32_0 = arith.constant 0 : i32
    return %arg0, %c0_i32 : i32, i32
  }
  func.func @transform_3(%arg0: i32) -> (i32, i32) {
    %c0_i32 = arith.constant 0 : i32
    %c0_i32_0 = arith.constant 0 : i32
    return %arg0, %c0_i32 : i32, i32
  }
  func.func @transform_4(%arg0: i32) -> (i32, i32) {
    %c0_i32 = arith.constant 0 : i32
    %c0_i32_0 = arith.constant 0 : i32
    return %arg0, %c0_i32 : i32, i32
  }
  func.func @transform_5(%arg0: i32) -> (i32, i32) {
    %c0_i32 = arith.constant 0 : i32
    %c0_i32_0 = arith.constant 0 : i32
    return %arg0, %c0_i32 : i32, i32
  }
  func.func @transform_6(%arg0: i32) -> (i32, i32) {
    %c0_i32 = arith.constant 0 : i32
    %c0_i32_0 = arith.constant 0 : i32
    %c0_i32_1 = arith.constant 0 : i32
    return %c0_i32, %c0_i32_0 : i32, i32
  }
  func.func @transform_7(%arg0: i32) -> (i32, i32) {
    %c0_i32 = arith.constant 0 : i32
    %c0_i32_0 = arith.constant 0 : i32
    %c0_i32_1 = arith.constant 0 : i32
    return %c0_i32, %c0_i32_0 : i32, i32
  }
  func.func @transform_8(%arg0: i32) -> (i32, i32) {
    %c0_i32 = arith.constant 0 : i32
    %c0_i32_0 = arith.constant 0 : i32
    return %arg0, %c0_i32 : i32, i32
  }
  func.func @transform_9(%arg0: i32) -> (i32, i32) {
    %c0_i32 = arith.constant 0 : i32
    %c0_i32_0 = arith.constant 0 : i32
    return %arg0, %c0_i32 : i32, i32
  }
}

module attributes {stable_mosaic.version = 14 : i64} {
  func.func @_final_body(%arg0: i32, %arg1: memref<2000x128xf32, #tpu.memory_space<vmem>>, %arg2: memref<2000x128xf32, #tpu.memory_space<vmem>>, %arg3: memref<2000x128xf32, #tpu.memory_space<vmem>>, %arg4: memref<2000x128xf32, #tpu.memory_space<vmem>>, %arg5: memref<2000x128xf32, #tpu.memory_space<vmem>>, %arg6: memref<2000x128xf32, #tpu.memory_space<vmem>>, %arg7: memref<2000x128xf32, #tpu.memory_space<vmem>>, %arg8: memref<2000x128xf32, #tpu.memory_space<vmem>>, %arg9: memref<256x256xf32, #tpu.memory_space<vmem>>, %arg10: memref<256x256xf32, #tpu.memory_space<vmem>>, %arg11: memref<256x256xf32, #tpu.memory_space<vmem>>, %arg12: memref<1x256xf32, #tpu.memory_space<vmem>>, %arg13: memref<2000x256xf32, #tpu.memory_space<vmem>>) attributes {dimension_semantics = [#tpu.dimension_semantics<arbitrary>], iteration_bounds = array<i64: 5>, scalar_prefetch = 0 : i64, scratch_operands = 0 : i64, tpu.core_type = #tpu.core_type<tc>, window_params = [{transform_indices = @transform_0, window_bounds = array<i64: 2000, 128>}, {transform_indices = @transform_1, window_bounds = array<i64: 2000, 128>}, {transform_indices = @transform_2, window_bounds = array<i64: 2000, 128>}, {transform_indices = @transform_3, window_bounds = array<i64: 2000, 128>}, {transform_indices = @transform_4, window_bounds = array<i64: 2000, 128>}, {transform_indices = @transform_5, window_bounds = array<i64: 2000, 128>}, {transform_indices = @transform_6, window_bounds = array<i64: 2000, 128>}, {transform_indices = @transform_7, window_bounds = array<i64: 2000, 128>}, {pipeline_mode = #tpu.pipeline_mode<synchronous>, transform_indices = @transform_8, window_bounds = array<i64: 256, 256>}, {pipeline_mode = #tpu.pipeline_mode<synchronous>, transform_indices = @transform_9, window_bounds = array<i64: 256, 256>}, {pipeline_mode = #tpu.pipeline_mode<synchronous>, transform_indices = @transform_10, window_bounds = array<i64: 256, 256>}, {pipeline_mode = #tpu.pipeline_mode<synchronous>, transform_indices = @transform_11, window_bounds = array<i64: 1, 256>}, {transform_indices = @transform_12, window_bounds = array<i64: 2000, 256>}]} {
    %get3A = arith.constant 0 : index
    %get3A_0 = arith.constant 0 : index
    %get3A_1 = vector.load %arg1[%get3A, %get3A_0] : memref<2000x128xf32, #tpu.memory_space<vmem>>, vector<2000x128xf32>
    %get3A_2 = arith.constant 0 : index
    %get3A_3 = arith.constant 0 : index
    %get3A_4 = vector.load %arg3[%get3A_2, %get3A_3] : memref<2000x128xf32, #tpu.memory_space<vmem>>, vector<2000x128xf32>
    %add3A = arith.addf %get3A_1, %get3A_4 : vector<2000x128xf32>
    %get3A_5 = arith.constant 0 : index
    %get3A_6 = arith.constant 0 : index
    %get3A_7 = vector.load %arg2[%get3A_5, %get3A_6] : memref<2000x128xf32, #tpu.memory_space<vmem>>, vector<2000x128xf32>
    %get3A_8 = arith.constant 0 : index
    %get3A_9 = arith.constant 0 : index
    %get3A_10 = vector.load %arg4[%get3A_8, %get3A_9] : memref<2000x128xf32, #tpu.memory_space<vmem>>, vector<2000x128xf32>
    %add3A_11 = arith.addf %get3A_7, %get3A_10 : vector<2000x128xf32>
    %concatenate3A = tpu.concatenate %add3A, %add3A_11 in 1 : vector<2000x128xf32>, vector<2000x128xf32> -> vector<2000x256xf32>
    %get3A_12 = arith.constant 0 : index
    %get3A_13 = arith.constant 0 : index
    %get3A_14 = vector.load %arg4[%get3A_12, %get3A_13] : memref<2000x128xf32, #tpu.memory_space<vmem>>, vector<2000x128xf32>
    %iota3A = tpu.iota {dimensions = array<i32: 1>} : vector<2000x128xi32>
    %ge3A = arith.constant 72 : i32
    %ge3A_15 = vector.broadcast %ge3A : i32 to vector<2000x128xi32>
    %ge3A_16 = arith.cmpi sge, %iota3A, %ge3A_15 : vector<2000x128xi32>
    %jit3A = arith.constant 0.000000e+00 : f32
    %broadcast_in_dim3A = vector.broadcast %jit3A : f32 to vector<2000x128xf32>
    %select_n3A = arith.select %ge3A_16, %get3A_14, %broadcast_in_dim3A : vector<2000x128xi1>, vector<2000x128xf32>
    %reduce_sum3A = arith.constant dense<0.000000e+00> : vector<2000xf32>
    %reduce_sum3A_17 = vector.multi_reduction <add>, %select_n3A, %reduce_sum3A [1] : vector<2000x128xf32> to vector<2000xf32>
    %mul3A = arith.constant 0.0178571437 : f32
    %mul3A_18 = vector.broadcast %mul3A : f32 to vector<2000xf32>
    %mul3A_19 = arith.mulf %reduce_sum3A_17, %mul3A_18 : vector<2000xf32>
    %max3A = arith.constant 1.000000e+00 : f32
    %max3A_20 = vector.broadcast %max3A : f32 to vector<2000xf32>
    %max3A_21 = arith.maximumf %mul3A_19, %max3A_20 : vector<2000xf32>
    %div3A = arith.constant 1.000000e+00 : f32
    %div3A_22 = vector.broadcast %div3A : f32 to vector<2000xf32>
    %div3A_23 = arith.divf %div3A_22, %max3A_21 : vector<2000xf32>
    %get3A_24 = arith.constant 0 : index
    %get3A_25 = arith.constant 0 : index
    %get3A_26 = vector.load %arg9[%get3A_24, %get3A_25] : memref<256x256xf32, #tpu.memory_space<vmem>>, vector<256x256xf32>
    %dot_general3A = arith.constant dense<0.000000e+00> : vector<2000x256xf32>
    %dot_general3A_27 = tpu.matmul %concatenate3A, %get3A_26, %dot_general3A {dimension_numbers = #tpu.dot_dimension_numbers<[1], [0], [0], [1], [0, 0, 1, 1], [], []>, transpose_lhs_hint = false} : vector<2000x256xf32>, vector<256x256xf32>, vector<2000x256xf32> -> vector<2000x256xf32>
    %broadcast_in_dim3A_28 = vector.shape_cast %div3A_23 : vector<2000xf32> to vector<2000x1xf32>
    %mul3A_29 = vector.broadcast %broadcast_in_dim3A_28 : vector<2000x1xf32> to vector<2000x256xf32>
    %mul3A_30 = arith.mulf %dot_general3A_27, %mul3A_29 : vector<2000x256xf32>
    %get3A_31 = arith.constant 0 : index
    %get3A_32 = arith.constant 0 : index
    %get3A_33 = vector.load %arg5[%get3A_31, %get3A_32] : memref<2000x128xf32, #tpu.memory_space<vmem>>, vector<2000x128xf32>
    %get3A_34 = arith.constant 0 : index
    %get3A_35 = arith.constant 0 : index
    %get3A_36 = vector.load %arg6[%get3A_34, %get3A_35] : memref<2000x128xf32, #tpu.memory_space<vmem>>, vector<2000x128xf32>
    %concatenate3A_37 = tpu.concatenate %get3A_33, %get3A_36 in 1 : vector<2000x128xf32>, vector<2000x128xf32> -> vector<2000x256xf32>
    %get3A_38 = arith.constant 0 : index
    %get3A_39 = arith.constant 0 : index
    %get3A_40 = vector.load %arg10[%get3A_38, %get3A_39] : memref<256x256xf32, #tpu.memory_space<vmem>>, vector<256x256xf32>
    %dot_general3A_41 = arith.constant dense<0.000000e+00> : vector<2000x256xf32>
    %dot_general3A_42 = tpu.matmul %concatenate3A_37, %get3A_40, %dot_general3A_41 {dimension_numbers = #tpu.dot_dimension_numbers<[1], [0], [0], [1], [0, 0, 1, 1], [], []>, transpose_lhs_hint = false} : vector<2000x256xf32>, vector<256x256xf32>, vector<2000x256xf32> -> vector<2000x256xf32>
    %add3A_43 = arith.addf %mul3A_30, %dot_general3A_42 : vector<2000x256xf32>
    %ge3A_44 = arith.constant 0.000000e+00 : f32
    %ge3A_45 = vector.broadcast %ge3A_44 : f32 to vector<2000x256xf32>
    %ge3A_46 = arith.cmpf oge, %add3A_43, %ge3A_45 : vector<2000x256xf32>
    %mul3A_47 = arith.constant 0.229166672 : f32
    %mul3A_48 = vector.broadcast %mul3A_47 : f32 to vector<2000x256xf32>
    %mul3A_49 = arith.mulf %add3A_43, %mul3A_48 : vector<2000x256xf32>
    %select_n3A_50 = arith.select %ge3A_46, %add3A_43, %mul3A_49 : vector<2000x256xi1>, vector<2000x256xf32>
    %mul3A_51 = arith.mulf %select_n3A_50, %select_n3A_50 : vector<2000x256xf32>
    %reduce_sum3A_52 = arith.constant dense<0.000000e+00> : vector<2000xf32>
    %reduce_sum3A_53 = vector.multi_reduction <add>, %mul3A_51, %reduce_sum3A_52 [1] : vector<2000x256xf32> to vector<2000xf32>
    %broadcast_in_dim3A_54 = vector.shape_cast %reduce_sum3A_53 : vector<2000xf32> to vector<2000x1xf32>
    %sqrt3A = math.sqrt %broadcast_in_dim3A_54 : vector<2000x1xf32>
    %jit3A_55 = arith.constant 9.99999996E-13 : f32
    %max3A_56 = vector.broadcast %jit3A_55 : f32 to vector<2000x1xf32>
    %max3A_57 = arith.maximumf %max3A_56, %sqrt3A : vector<2000x1xf32>
    %div3A_58 = vector.broadcast %max3A_57 : vector<2000x1xf32> to vector<2000x256xf32>
    %div3A_59 = arith.divf %select_n3A_50, %div3A_58 : vector<2000x256xf32>
    %get3A_60 = arith.constant 0 : index
    %get3A_61 = arith.constant 0 : index
    %get3A_62 = vector.load %arg7[%get3A_60, %get3A_61] : memref<2000x128xf32, #tpu.memory_space<vmem>>, vector<2000x128xf32>
    %get3A_63 = arith.constant 0 : index
    %get3A_64 = arith.constant 0 : index
    %get3A_65 = vector.load %arg8[%get3A_63, %get3A_64] : memref<2000x128xf32, #tpu.memory_space<vmem>>, vector<2000x128xf32>
    %concatenate3A_66 = tpu.concatenate %get3A_62, %get3A_65 in 1 : vector<2000x128xf32>, vector<2000x128xf32> -> vector<2000x256xf32>
    %get3A_67 = arith.constant 0 : index
    %get3A_68 = arith.constant 0 : index
    %get3A_69 = vector.load %arg11[%get3A_67, %get3A_68] : memref<256x256xf32, #tpu.memory_space<vmem>>, vector<256x256xf32>
    %dot_general3A_70 = arith.constant dense<0.000000e+00> : vector<2000x256xf32>
    %dot_general3A_71 = tpu.matmul %concatenate3A_66, %get3A_69, %dot_general3A_70 {dimension_numbers = #tpu.dot_dimension_numbers<[1], [0], [0], [1], [0, 0, 1, 1], [], []>, transpose_lhs_hint = false} : vector<2000x256xf32>, vector<256x256xf32>, vector<2000x256xf32> -> vector<2000x256xf32>
    %get3A_72 = arith.constant 0 : index
    %get3A_73 = arith.constant 0 : index
    %get3A_74 = vector.load %arg12[%get3A_72, %get3A_73] : memref<1x256xf32, #tpu.memory_space<vmem>>, vector<1x256xf32>
    %add3A_75 = vector.broadcast %get3A_74 : vector<1x256xf32> to vector<2000x256xf32>
    %add3A_76 = arith.addf %dot_general3A_71, %add3A_75 : vector<2000x256xf32>
    %logistic3A = arith.negf %add3A_76 : vector<2000x256xf32>
    %logistic3A_77 = math.exp %logistic3A : vector<2000x256xf32>
    %logistic3A_78 = arith.constant 1.000000e+00 : f32
    %logistic3A_79 = vector.broadcast %logistic3A_78 : f32 to vector<2000x256xf32>
    %logistic3A_80 = arith.addf %logistic3A_79, %logistic3A_77 : vector<2000x256xf32>
    %logistic3A_81 = arith.divf %logistic3A_79, %logistic3A_80 : vector<2000x256xf32>
    %mul3A_82 = arith.mulf %logistic3A_81, %div3A_59 : vector<2000x256xf32>
    %sub3A = arith.constant 1.000000e+00 : f32
    %sub3A_83 = vector.broadcast %sub3A : f32 to vector<2000x256xf32>
    %sub3A_84 = arith.subf %sub3A_83, %logistic3A_81 : vector<2000x256xf32>
    %mul3A_85 = arith.mulf %sub3A_84, %concatenate3A_66 : vector<2000x256xf32>
    %add3A_86 = arith.addf %mul3A_82, %mul3A_85 : vector<2000x256xf32>
    %swap3A = arith.constant 0 : index
    %swap3A_87 = arith.constant 0 : index
    %swap3A_88 = vector.load %arg13[%swap3A, %swap3A_87] : memref<2000x256xf32, #tpu.memory_space<vmem>>, vector<2000x256xf32>
    tpu.vector_store %arg13[%swap3A, %swap3A_87], %add3A_86 {strides = array<i32>} : memref<2000x256xf32, #tpu.memory_space<vmem>>, vector<2000x256xf32>,
    return
  }
  func.func @transform_0(%arg0: i32) -> (i32, i32) {
    %c0_i32 = arith.constant 0 : i32
    %c0_i32_0 = arith.constant 0 : i32
    return %arg0, %c0_i32 : i32, i32
  }
  func.func @transform_1(%arg0: i32) -> (i32, i32) {
    %c0_i32 = arith.constant 0 : i32
    %c0_i32_0 = arith.constant 0 : i32
    return %arg0, %c0_i32 : i32, i32
  }
  func.func @transform_2(%arg0: i32) -> (i32, i32) {
    %c0_i32 = arith.constant 0 : i32
    %c0_i32_0 = arith.constant 0 : i32
    return %arg0, %c0_i32 : i32, i32
  }
  func.func @transform_3(%arg0: i32) -> (i32, i32) {
    %c0_i32 = arith.constant 0 : i32
    %c0_i32_0 = arith.constant 0 : i32
    return %arg0, %c0_i32 : i32, i32
  }
  func.func @transform_4(%arg0: i32) -> (i32, i32) {
    %c0_i32 = arith.constant 0 : i32
    %c0_i32_0 = arith.constant 0 : i32
    return %arg0, %c0_i32 : i32, i32
  }
  func.func @transform_5(%arg0: i32) -> (i32, i32) {
    %c0_i32 = arith.constant 0 : i32
    %c0_i32_0 = arith.constant 0 : i32
    return %arg0, %c0_i32 : i32, i32
  }
  func.func @transform_6(%arg0: i32) -> (i32, i32) {
    %c0_i32 = arith.constant 0 : i32
    %c0_i32_0 = arith.constant 0 : i32
    return %arg0, %c0_i32 : i32, i32
  }
  func.func @transform_7(%arg0: i32) -> (i32, i32) {
    %c0_i32 = arith.constant 0 : i32
    %c0_i32_0 = arith.constant 0 : i32
    return %arg0, %c0_i32 : i32, i32
  }
  func.func @transform_8(%arg0: i32) -> (i32, i32) {
    %c0_i32 = arith.constant 0 : i32
    %c0_i32_0 = arith.constant 0 : i32
    %c0_i32_1 = arith.constant 0 : i32
    return %c0_i32, %c0_i32_0 : i32, i32
  }
  func.func @transform_9(%arg0: i32) -> (i32, i32) {
    %c0_i32 = arith.constant 0 : i32
    %c0_i32_0 = arith.constant 0 : i32
    %c0_i32_1 = arith.constant 0 : i32
    return %c0_i32, %c0_i32_0 : i32, i32
  }
  func.func @transform_10(%arg0: i32) -> (i32, i32) {
    %c0_i32 = arith.constant 0 : i32
    %c0_i32_0 = arith.constant 0 : i32
    %c0_i32_1 = arith.constant 0 : i32
    return %c0_i32, %c0_i32_0 : i32, i32
  }
  func.func @transform_11(%arg0: i32) -> (i32, i32) {
    %c0_i32 = arith.constant 0 : i32
    %c0_i32_0 = arith.constant 0 : i32
    %c0_i32_1 = arith.constant 0 : i32
    return %c0_i32, %c0_i32_0 : i32, i32
  }
  func.func @transform_12(%arg0: i32) -> (i32, i32) {
    %c0_i32 = arith.constant 0 : i32
    %c0_i32_0 = arith.constant 0 : i32
    return %arg0, %c0_i32 : i32, i32
  }
}

</mosaic_0001>

<sc_bundles>
// kernel: edge_segsum.11.cloned.1.call-start
scs
__scs_entry_jumppad:
0x0: {  	(pc) =	sbr.rel $0x88, $3  }
0x1: {  	(tag) =	ssettag $0x0;
	lr =	simm.s32 $0x1  }
0x2: {  	[smem:$0x3F99] =	sst lr;
	_ =	strace $0xD0000000  }
0x3: {  	_ = 	snop  }
0x4: {  	_ = 	snop  }
0x5: {  	_ = 	snop  }
0x6: {  	_ = 	snop  }
0x7: {  	_ = 	snop  }
__scs_overlays_trampoline_lowered:
0x8: {  	[smem:$0x3FA8] =	sst s0  }
0x9: {  	[smem:$0x3FA9] =	sst s1  }
0xa: {  	[smem:$0x3FAA] =	sst s2  }
0xb: {  	[smem:$0x3FAB] =	sst s3  }
0xc: {  	[smem:$0x3FAC] =	sst s4  }
0xd: {  	[smem:$0x3FAD] =	sst s5  }
0xe: {  	[smem:$0x3FAE] =	sst s6  }
0xf: {  	[smem:$0x3FAF] =	sst s7  }
0x10: {  	[smem:$0x3FB0] =	sst s8  }
0x11: {  	[smem:$0x3FB1] =	sst s9;
	s0 =	simm.s32 @!p0 $0x0  }
0x12: {  	s1 =	sld [smem:$0x3F97];
	s0 =	simm.s32 @p0 $0x1  }
0x13: {  	[smem:$0x3FB2] =	sst s0;
	s0 =	simm.s32 @!p1 $0x0  }
0x14: {  	s2 =	sld [smem:$0x3F96];
	s0 =	simm.s32 @p1 $0x1  }
0x15: {  	[smem:$0x3FB3] =	sst s0;
	s0 =	simm.s32 @!p2 $0x0  }
0x16: {  	s3 =	sld [smem:$0x3FDB];
	s0 =	simm.s32 @p2 $0x1  }
0x17: {  	s4 =	simm.s32 $0x1BF5;
	[smem:$0x3FB5] =	sst s0  }
0x18: {  	s0 =	sld [smem:$0x3F98];
	_ =	swait.ge [sflag:s4], $0x0  }
0x19: {  	s7 =	sld [smem:$0x3F99]  }
0x1a: {  	s8 =	sadd.s32 $0xFFFFE003, lr  }
0x1b: {  	s9 =	sadd.s32 $0xFFFFFEF7, lr;
	s5 =	simm.s32 $0xFFFFFFFF;
	p2 =	slt.u32 s8, $0xFFFFF086  }
0x1c: {  	p1 =	slt.u32 s9, $0xF7A;
	s5 =	simm.s32 @!p2 $0x0  }
0x1d: {  	s5 =	simm.s32 @p1 $0x1;
	p0 =	seq.s32 s7, s2  }
0x1e: {  	s7 =	smul.u32 @!p0 $0xF7A, s2;
	p2 =	seq.s32 @!p0 s5, $0x0  }
0x1f: {  	s9 =	smul.u32 $0xF7A, s1;
	s8 =	simm.s32 @!p0 $0x1BF5;
	p2 =	por !p2, p0  }
0x20: {  	[sflag:s8] =	ssyncset.s32 @!p0 $0xFFFFF086;
	s6 =	sadd.s32 @!p0 s3, s7;
	s7 =	simm.s32 @!p0 $0x108  }
0x21: {  	s3 =	sadd.s32 s3, s9;
	s6 =	sadd.s32 @!p0 $0x88, s6;
	s7 =	simm.s32 @p2 $0x1082  }
0x22: {  	[simem:s7], [sflag:s8] =	dma.local @!p0 [hbm:s6], $0xF7A  }
0x23: {  	s9 =	sor.u32 $0xD0000000, s2;
	s6 =	simm.s32 $0x108;
	_ =	swait.ge @!p0 [sflag:s8], $0x0  }
0x24: {  	s3 =	sadd.s32 $0x88, s3;
	s6 =	simm.s32 @!p1 $0x1082;
	[sflag:s4] =	ssyncset.s32 $0xFFFFF086  }
0x25: {  	[simem:s6], [sflag:s4] =	dma.local [hbm:s3], $0xF7A  }
0x26: {  	[smem:$0x3F99] =	sst s1;
	(tag) =	ssettag s2;
	_ =	strace s9  }
0x27: {  	s1 =	sld [smem:$0x3FA9]  }
0x28: {  	s2 =	sld [smem:$0x3FAA]  }
0x29: {  	s4 =	sld [smem:$0x3FAC]  }
0x2a: {  	p0 =	seq.s32 s5, $0x0;
	s5 =	sld [smem:$0x3FAD]  }
0x2b: {  	s6 =	sld [smem:$0x3FAE]  }
0x2c: {  	s7 =	sld [smem:$0x3FAF]  }
0x2d: {  	s3 =	simm.s32 $0x108;
	s8 =	sld [smem:$0x3FB0]  }
0x2e: {  	s3 =	simm.s32 @!p0 $0x1082;
	s9 =	sld [smem:$0x3FB1]  }
0x2f: {  	lr =	sadd.s32 s0, s3;
	s0 =	sld [smem:$0x3FA8]  }
0x30: {  	s3 =	sld [smem:$0x3FAB]  }
0x31: {  	[smem:$0x3FB4] =	sst s10  }
0x32: {  	s10 =	sld [smem:$0x3FB2];
	_ =	sdelay $0x3  }
0x33: {  	p0 =	seq.s32 s10, $0x1;
	s10 =	sld [smem:$0x3FB4];
	_ =	sdelay $0x3  }
0x34: {  	[smem:$0x3FB4] =	sst s10  }
0x35: {  	s10 =	sld [smem:$0x3FB3];
	_ =	sdelay $0x3  }
0x36: {  	p1 =	seq.s32 s10, $0x1;
	s10 =	sld [smem:$0x3FB4];
	_ =	sdelay $0x3  }
0x37: {  	[smem:$0x3FB4] =	sst s10  }
0x38: {  	s10 =	sld [smem:$0x3FB5]  }
0x39: {  	_ = 	snop;
	(pc) =	sbr.ind lr, $3  }
0x3a: {  	_ = 	snop  }
0x3b: {  	_ = 	snop  }
0x3c: {  	p2 =	seq.s32 s10, $0x1;
	s10 =	sld [smem:$0x3FB4]  }
0x3d: {  	_ =	shalt  }
0x3e: {  	_ =	shalt  }
0x3f: {  	_ =	shalt  }
0x40: {  	_ =	shalt  }
0x41: {  	_ =	shalt  }
0x42: {  	_ =	shalt  }
0x43: {  	_ =	shalt  }
0x44: {  	_ =	shalt  }
0x45: {  	_ =	shalt  }
0x46: {  	_ =	shalt  }
0x47: {  	_ =	shalt  }
0x48: {  	_ =	shalt  }
0x49: {  	_ =	shalt  }
0x4a: {  	_ =	shalt  }
0x4b: {  	_ =	shalt  }
0x4c: {  	_ =	shalt  }
0x4d: {  	_ =	shalt  }
0x4e: {  	_ =	shalt  }
0x4f: {  	_ =	shalt  }
0x50: {  	_ =	shalt  }
0x51: {  	_ =	shalt  }
0x52: {  	_ =	shalt  }
0x53: {  	_ =	shalt  }
0x54: {  	_ =	shalt  }
0x55: {  	_ =	shalt  }
0x56: {  	_ =	shalt  }
0x57: {  	_ =	shalt  }
0x58: {  	_ =	shalt  }
0x59: {  	_ =	shalt  }
0x5a: {  	_ =	shalt  }
0x5b: {  	_ =	shalt  }
0x5c: {  	_ =	shalt  }
0x5d: {  	_ =	shalt  }
0x5e: {  	_ =	shalt  }
0x5f: {  	_ =	shalt  }
0x60: {  	_ =	shalt  }
0x61: {  	_ =	shalt  }
0x62: {  	_ =	shalt  }
0x63: {  	_ =	shalt  }
0x64: {  	_ =	shalt  }
0x65: {  	_ =	shalt  }
0x66: {  	_ =	shalt  }
0x67: {  	_ =	shalt  }
0x68: {  	_ =	shalt  }
0x69: {  	_ =	shalt  }
0x6a: {  	_ =	shalt  }
0x6b: {  	_ =	shalt  }
0x6c: {  	_ =	shalt  }
0x6d: {  	_ =	shalt  }
0x6e: {  	_ =	shalt  }
0x6f: {  	_ =	shalt  }
0x70: {  	_ =	shalt  }
0x71: {  	_ =	shalt  }
0x72: {  	_ =	shalt  }
0x73: {  	_ =	shalt  }
0x74: {  	_ =	shalt  }
0x75: {  	_ =	shalt  }
0x76: {  	_ =	shalt  }
0x77: {  	_ =	shalt  }
0x78: {  	_ =	shalt  }
0x79: {  	_ =	shalt  }
0x7a: {  	_ =	shalt  }
0x7b: {  	_ =	shalt  }
0x7c: {  	_ =	shalt  }
0x7d: {  	_ =	shalt  }
0x7e: {  	_ =	shalt  }
0x7f: {  	_ =	shalt  }
0x80: {  	_ =	shalt  }
0x81: {  	_ =	shalt  }
0x82: {  	_ =	shalt  }
0x83: {  	_ =	shalt  }
0x84: {  	_ =	shalt  }
0x85: {  	_ =	shalt  }
0x86: {  	_ =	shalt  }
0x87: {  	_ =	shalt  }
.Lfunc_end0:
.L_simem_size_0:
called_computation.2_lowered:
.L_overlay_start_0:
0x88: {  	s2 =	sld [smem:$0x3FD9]  }
0x89: {  	s3 =	sld [smem:$0x3FFE];
	_ =	sdelay $0x1  }
0x8a: {  	s1 =	srdreg.scid  }
0x8b: {  	s0 =	sand.u32 $0x1, s1  }
0x8c: {  	s16 =	sshll.u32 s0, $0xA;
	s2 =	sadd.s32 s3, s2  }
0x8d: {  	s2 =	sadd.s32 s2, s16  }
0x8e: {  	[smem:$0x3FC0] =	sst s2  }
0x8f: {  	_ = 	snop  }
0x90: {  	(tm) =	ssettm $0x1  }
0x91: {  	s17 =	sld [smem:$0x3FFB];
	_ =	sdelay $0x3  }
0x92: {  	_ =	strace s17  }
0x93: {  	s2 =	sld [smem:$0x3FFC];
	_ =	sdelay $0x3  }
0x94: {  	_ =	strace s2  }
0x95: {  	s2 =	sld [smem:$0x3FFD];
	_ =	sdelay $0x3  }
0x96: {  	_ =	strace s2  }
0x97: {  	_ =	strace $0x8FFFFFFF  }
0x98: {  	s18 =	sld [smem:$0x3FDB];
	_ =	sdelay $0x1  }
0x99: {  	s19 =	simm.s32 $_scs_section_size  }
0x9a: {  	s4 =	simm.s32 $_size__tile_overlayer_lowered;
	s5 =	simm.s32 $_tile_overlayer_lowered  }
0x9b: {  	s22 =	simm.s32 $0x1BFF;
	s21 =	sshll.u32 s5, $0x1;
	s2 =	sadd.s32 s19, s18  }
0x9c: {  	s6 =	simm.s32 $0x0;
	s20 =	sshll.u32 s4, $0x1;
	s4 =	sadd.s32 s21, s2  }
0x9d: {  	[timem:s6], [sflag:s22] =	dma.local [hbm:s4], s20  }
0x9e: {  	_ =	swait.ge [sflag:s22], s20  }
0x9f: {  	s3 =	ssub.s32 $0x0, s20;
	[sflag:s22] =	ssyncset.done $0x0  }
0xa0: {  	[sflag:s22] =	ssyncadd.s32 s3;
	_ =	sdelay $0x1  }
0xa1: {  	s23 =	simm.s32 $0x1B8B  }
0xa2: {  	_ =	swait.ge [sflag:s23], $0x1  }
0xa3: {  	[sflag:s23] =	ssyncset.done $0x0  }
0xa4: {  	s25 =	simm.s32 $0x1B8E;
	s24 =	sld [smem:$0x3FFE];
	[sflag:s23] =	ssyncadd.s32 $0xFFFFFFFF  }
0xa5: {  	s26 =	simm.s32 $execute0_lowered;
	[smem:$0x3FD2] =	sst s25  }
0xa6: {  	s4 =	sshll.u32 s26, $0x1;
	_ =	strace $0x8000004C;
	[dreg:$0x1] =	wrdreg $0xFFFFFFFF  }
0xa7: {  	s28 =	simm.s32 $_size_execute0_lowered;
	s2 =	sadd.s32 s2, s4;
	[dreg:$0x0] =	wrdreg $0x0  }
0xa8: {  	s4 =	sshll.u32 s28, $0x1;
	[dreg:$0x2] =	wrdreg s2  }
0xa9: {  	[dreg:$0x3] =	wrdreg s4  }
0xaa: {  	[dreg:$0x4] =	wrdreg $0xC0  }
0xab: {  	_ =	task [dreg:s6], $0x5FFFF  }
0xac: {  	[dreg:$0x1] =	wrdreg $0xFFFFFFFF  }
0xad: {  	[dreg:$0x0] =	wrdreg $0x60  }
0xae: {  	[dreg:$0x2] =	wrdreg s24  }
0xaf: {  	[dreg:$0x3] =	wrdreg $0xA4000  }
0xb0: {  	[dreg:$0x4] =	wrdreg $0x9  }
0xb1: {  	_ =	task.clear_ibuf [dreg:s6], $0x5FFFF;
	_ =	strace $0x9000004C  }
0xb2: {  	s29 =	simm.s32 $0x9;
	_ =	strace $0x8000004E  }
0xb3: {  	_ =	swait.ge [sflag:s29], $0x1  }
0xb4: {  	[sflag:s29] =	ssyncadd.s32 $0xFFFFFFFF  }
0xb5: {  	_ =	strace $0x9000004E  }
0xb6: {  	_ =	sfence  }
0xb7: {  	s30 =	sld [smem:$0x0];
	_ =	sdelay $0x2  }
0xb8: {  	s31 =	sshll.u32 s1, $0xD;
	s1 =	sshrl.u32 s1, $0x2  }
0xb9: {  	s3 =	sand.u32 $0x4000, s31;
	s1 =	sadd.s32 s1, s30  }
0xba: {  	s0 =	sor.u32 s3, s0;
	s1 =	sshll.u32 s1, $0x11  }
0xbb: {  	s0 =	sor.u32 s1, s0  }
0xbc: {  	s0 =	sadd.s32 $0x8F2B, s0  }
0xbd: {  	[sflag:s0] =	ssyncadd.remote.s32 $0x1  }
0xbe: {  	_ =	sfence.sel $0xFFFF  }
0xbf: {  	[dreg:$0x0] =	wrdreg $0xFFFFFFFF;
	(pc) =	sbr.abs _section_cstart, $3  }
0xc0: {  	[dreg:$0x1] =	wrdreg $0xFFFFFFFF  }
0xc1: {  	_ =	task.clear_ibuf [dreg:s6], $0x2FFFF;
	_ =	strace $0x9FFFFFFF  }
0xc2: {  	(tm) =	ssettm $0x7FFFFFFF  }
0xc3: {  	_ =	shalt  }
tec
execute0_lowered:
.L_overlay_start_1:
0x0: {  	(tag) =	ssettag $0x1  }
0x1: {  	s0 =	rddreg [dreg:$0x0]  }
0x2: {  	s2 =	rddreg [dreg:$0x1];
	s3 =	simm.s32 $0x0  }
0x3: {  	s1 =	srdreg.scid;
	s11 =	stileid.u32;
	s28 =	simm.s32 $0x2C00  }
0x4: {  	s29 =	simm.s32 $0x3;
	s30 =	simm.s32 $0x5400;
	s31 =	simm.s32 $0x4  }
0x5: {  	[smem:$0x7FF] =	sst s3;
	s1 =	sand.u32 $0x1, s1;
	s6 =	smul.u32 $0x2700, s11  }
0x6: {  	s4 =	sadd.s32 $0x148800, s0;
	s5 =	sadd.s32 $0x43800, s0;
	s26 =	smul.u32 $0xFC00, s11  }
0x7: {  	s9 =	sadd.s32 $0x82800, s0;
	s10 =	smul.u32 $0x4E000, s11;
	s17 =	sshll.u32 s11, $0x6  }
0x8: {  	s11 =	simm.s32 $0x7;
	_ =	strace $0x8000004D;
	s7 =	smul.u32 $0x27100, s1  }
0x9: {  	s8 =	smul.u32 $0xFC000, s1;
	[dreg:$0x3] =	wrdreg s9;
	s1 =	ssub.s32 $0x2, s1  }
0xa: {  	s12 =	sshrl.u32 s1, $0x1;
	s16 =	sshrl.u32 s10, $0x2;
	s10 =	sor.u32 $0x1C0D, s17  }
0xb: {  	s17 =	simm.s32 $0x9;
	s6 =	sadd.s32 s6, s7;
	s1 =	ssub.s32 s1, s12  }
0xc: {  	s13 =	sadd.s32 s26, s8;
	s7 =	sadd.s32 s16, s2;
	[dreg:$0x4] =	wrdreg s10  }
0xd: {  	s0 =	sadd.s32 s6, s0;
	s9 =	sshrl.u32 s13, $0x3;
	s20 =	smax.u32 s1, $0x1  }
0xe: {  	s21 =	sadd.s32 $0x700, s13;
	s22 =	sadd.s32 $0x600, s13;
	s23 =	sadd.s32 $0x500, s13  }
0xf: {  	s26 =	sadd.s32 $0x400, s13;
	s12 =	sshrl.u32 s7, $0x3;
	s1 =	simm.s32 $0x5  }
0x10: {  	s13 =	simm.s32 $0x8;
	s7 =	simm.s32 $0xA;
	s18 =	sadd.s32 s5, s9  }
0x11: {  	s0 =	sadd.s32 $0x196A00, s0;
	[dreg:$0xa] =	wrdreg s20;
	s24 =	sshrl.u32 s22, $0x3  }
0x12: {  	s25 =	sshrl.u32 s23, $0x3;
	[dreg:$0xb] =	wrdreg s26;
	s20 =	simm.s32 $0x100  }
0x13: {  	s22 =	simm.s32 $0x300;
	s23 =	simm.s32 $0x1;
	s26 =	simm.s32 $0x2  }
0x14: {  	s9 =	sadd.s32 $0x20, s18;
	s19 =	sadd.s32 $0x40, s18;
	[dreg:$0x5] =	wrdreg s18  }
0x15: {  	s8 =	sadd.s32 $0x60, s18;
	[dreg:$0x9] =	wrdreg s0;
	s0 =	sshrl.u32 s21, $0x3  }
.Ltmp0:
0x16: {  	s15 =	sadd.s32 s24, s5;
	s16 =	sadd.s32 s25, s5;
	(pc) =	sbr.rel .LBB2_1-.Ltmp0, $4  }
0x17: {  	s21 =	simm.s32 $0x200;
	s24 =	simm.s32 $0x50;
	[dreg:$0x6] =	wrdreg s9  }
0x18: {  	s25 =	simm.s32 $0x400;
	s18 =	simm.s32 $0xB;
	[dreg:$0x7] =	wrdreg s19  }
0x19: {  	[dreg:$0x8] =	wrdreg s8;
	s14 =	sadd.s32 s0, s5;
	s0 =	simm.s32 $0x7C00  }
0x1a: {  	s9 =	simm.s32 $0x6;
	s19 =	simm.s32 $0xC;
	s8 =	simm.s32 $0x0  }
.LBB2_4:
0x1b: {  	_ =	swait.ge [sflag:s17], $0x2800  }
0x1c: {  	[sflag:s17] =	ssyncset.done $0x0  }
0x1d: {  	[sflag:s17] =	ssyncadd.s32 $0xFFFFD800  }
0x1e: {  	_ =	swait.ge [sflag:s7], $0x2800  }
0x1f: {  	[sflag:s7] =	ssyncset.done $0x0  }
0x20: {  	[sflag:s7] =	ssyncadd.s32 $0xFFFFD800  }
0x21: {  	_ =	swait.ge [sflag:s18], $0x2800  }
0x22: {  	[sflag:s18] =	ssyncset.done $0x0  }
0x23: {  	[sflag:s18] =	ssyncadd.s32 $0xFFFFD800  }
0x24: {  	_ =	swait.ge [sflag:s19], $0x2800  }
0x25: {  	[sflag:s19] =	ssyncset.done $0x0  }
0x26: {  	[sflag:s19] =	ssyncadd.s32 $0xFFFFD800  }
0x27: {  	[bflag:$0x0] =	sbarrier.arrive $0xFFFF  }
0x28: {  	s10 =	rddreg [dreg:$0x4]  }
0x29: {  	s6 =	rddreg [dreg:$0x9]  }
0x2a: {  	[hbm:s6], [sflag:s10] =	dma.local [spmem:s12], $0x2800  }
0x2b: {  	s6 =	simm.s32 $0xD  }
0x2c: {  	_ =	swait.ge [sflag:s6], $0x2800  }
0x2d: {  	s8 =	rddreg [dreg:$0xc]  }
0x2e: {  	[sflag:s6] =	ssyncset.done $0x0;
	s6 =	rddreg [dreg:$0xa];
	s8 =	sadd.s32 $0x1, s8  }
0x2f: {  	p0 =	sne.s32 s8, s6  }
.Ltmp1:
0x30: {  	_ = 	snop;
	(pc) =	sbr.rel @!p0 .LBB2_5-.Ltmp1, $3  }
0x31: {  	_ =	sdelay $0x1  }
0x32: {  	s6 =	simm.s32 $0xD  }
0x33: {  	[sflag:s6] =	ssyncadd.s32 $0xFFFFD800  }
.LBB2_1:
0x34: {  	[dreg:$0xc] =	wrdreg s8  }
0x35: {  	s8 =	simm.s32 $0xD;
	s6 =	rddreg [dreg:$0x3]  }
0x36: {  	[spmem:s12], [sflag:s10] =	dma.local [hbm:s6], $0x2800  }
0x37: {  	_ =	swait.ge [sflag:s8], $0x2800  }
0x38: {  	[sflag:s8] =	ssyncset.done $0x0  }
0x39: {  	[sflag:s8] =	ssyncadd.s32 $0xFFFFD800  }
0x3a: {  	[bflag:$0x0] =	sbarrier.arrive $0xFFFF  }
0x3b: {  	s8 =	rddreg [dreg:$0x5]  }
0x3c: {  	[tilespmem:s3], [sflag:$0x1] =	stream.linear.gather [hbm4b:s8+s3], $0x100, $0x38;
	[tilespmem:$0x1DCC0] =	vst v63  }
0x3d: {  	s10 =	rddreg [dreg:$0x6]  }
0x3e: {  	[tilespmem:s20], [sflag:$0x2] =	stream.linear.gather [hbm4b:s10+s3], $0x100, $0x38;
	[tilespmem:$0x1DCC0] =	vst v63  }
0x3f: {  	s8 =	rddreg [dreg:$0x7]  }
0x40: {  	[tilespmem:s21], [sflag:$0x3] =	stream.linear.gather [hbm4b:s8+s3], $0x100, $0x38;
	[tilespmem:$0x1DCC0] =	vst v63  }
0x41: {  	s10 =	rddreg [dreg:$0x8]  }
0x42: {  	[tilespmem:s22], [sflag:$0x4] =	stream.linear.gather [hbm4b:s10+s3], $0x100, $0x38;
	[tilespmem:$0x1DCC0] =	vst v63  }
0x43: {  	s6 =	rddreg [dreg:$0xb];
	s10 =	simm.s32 $0x0  }
.LBB2_2:
0x44: {  	_ =	swait.ge [sflag:s23], $0x100  }
0x45: {  	[sflag:s23] =	ssyncset.done $0x0  }
0x46: {  	[sflag:s23] =	ssyncadd.s32 $0xFFFFFF00  }
0x47: {  	[tilespmem:s25], [sflag:$0x5] =	stream.indirect.gather [hbm4b:s4+s24], $0x80, s3, s24, $0xb8;
	[tilespmem:$0x1DCC0] =	vst v63  }
0x48: {  	_ =	swait.ge [sflag:s26], $0x100  }
0x49: {  	[sflag:s26] =	ssyncset.done $0x0  }
0x4a: {  	[sflag:s26] =	ssyncadd.s32 $0xFFFFFF00  }
0x4b: {  	[tilespmem:s28], [sflag:$0x6] =	stream.indirect.gather [hbm4b:s4+s24], $0x80, s20, s24, $0xb8;
	[tilespmem:$0x1DCC0] =	vst v63  }
0x4c: {  	_ =	swait.ge [sflag:s29], $0x100  }
0x4d: {  	[sflag:s29] =	ssyncset.done $0x0  }
0x4e: {  	[sflag:s29] =	ssyncadd.s32 $0xFFFFFF00  }
0x4f: {  	[tilespmem:s30], [sflag:$0x7] =	stream.indirect.gather [hbm4b:s4+s24], $0x80, s21, s24, $0xb8;
	[tilespmem:$0x1DCC0] =	vst v63  }
0x50: {  	_ =	swait.ge [sflag:s31], $0x100  }
0x51: {  	[sflag:s31] =	ssyncset.done $0x0  }
0x52: {  	[sflag:s31] =	ssyncadd.s32 $0xFFFFFF00  }
0x53: {  	[tilespmem:s0], [sflag:$0x8] =	stream.indirect.gather [hbm4b:s4+s24], $0x80, s22, s24, $0xb8;
	[tilespmem:$0x1DCC0] =	vst v63  }
0x54: {  	_ =	swait.ge [sflag:s1], $0x2800  }
0x55: {  	[sflag:s1] =	ssyncset.done $0x0  }
0x56: {  	s8 =	simm.s32 $0x80;
	[sflag:s1] =	ssyncadd.s32 $0xFFFFD800  }
0x57: {  	[spmem:s2] =	stream.indirect.scatter.add.f32 [tilespmem:s25], [sflag:$0x9], $0x80, s8, s24, $0xb8;
	[tilespmem:$0x1DCC0] =	vst v63  }
0x58: {  	_ =	swait.ge [sflag:s9], $0x2800  }
0x59: {  	[sflag:s9] =	ssyncset.done $0x0  }
0x5a: {  	s8 =	simm.s32 $0x180;
	[sflag:s9] =	ssyncadd.s32 $0xFFFFD800  }
0x5b: {  	[spmem:s2] =	stream.indirect.scatter.add.f32 [tilespmem:s28], [sflag:$0xA], $0x80, s8, s24, $0xb8;
	[tilespmem:$0x1DCC0] =	vst v63  }
0x5c: {  	_ =	swait.ge [sflag:s11], $0x2800  }
0x5d: {  	[sflag:s11] =	ssyncset.done $0x0  }
0x5e: {  	p0 =	seq.s32 s10, $0x1F00;
	s8 =	simm.s32 $0x280;
	[sflag:s11] =	ssyncadd.s32 $0xFFFFD800  }
0x5f: {  	[spmem:s2] =	stream.indirect.scatter.add.f32 [tilespmem:s30], [sflag:$0xB], $0x80, s8, s24, $0xb8;
	[tilespmem:$0x1DCC0] =	vst v63  }
.Ltmp2:
0x60: {  	_ = 	snop;
	(pc) =	sbr.rel @p0 .LBB2_4-.Ltmp2, $4  }
0x61: {  	_ =	swait.ge [sflag:s13], $0x2800  }
0x62: {  	[sflag:s13] =	ssyncset.done $0x0  }
0x63: {  	s8 =	simm.s32 $0x380;
	[sflag:s13] =	ssyncadd.s32 $0xFFFFD800  }
0x64: {  	[spmem:s2] =	stream.indirect.scatter.add.f32 [tilespmem:s0], [sflag:$0xC], $0x80, s8, s24, $0xb8;
	[tilespmem:$0x1DCC0] =	vst v63  }
0x65: {  	_ =	swait.ge [sflag:s17], $0x2800  }
0x66: {  	s8 =	smov.u32 s12;
	s12 =	sshrl.u32 s6, $0x3;
	[sflag:s17] =	ssyncset.done $0x0  }
0x67: {  	s12 =	sadd.s32 s5, s12;
	[sflag:s17] =	ssyncadd.s32 $0xFFFFD800  }
0x68: {  	[tilespmem:s3], [sflag:$0x1] =	stream.linear.gather [hbm4b:s12+s3], $0x100, $0x38;
	[tilespmem:$0x1DCC0] =	vst v63  }
0x69: {  	_ =	swait.ge [sflag:s7], $0x2800  }
0x6a: {  	[sflag:s7] =	ssyncset.done $0x0  }
0x6b: {  	s12 =	sadd.s32 s10, s16;
	[sflag:s7] =	ssyncadd.s32 $0xFFFFD800  }
0x6c: {  	[tilespmem:s20], [sflag:$0x2] =	stream.linear.gather [hbm4b:s12+s3], $0x100, $0x38;
	[tilespmem:$0x1DCC0] =	vst v63  }
0x6d: {  	_ =	swait.ge [sflag:s18], $0x2800  }
0x6e: {  	[sflag:s18] =	ssyncset.done $0x0  }
0x6f: {  	s12 =	sadd.s32 s10, s15;
	[sflag:s18] =	ssyncadd.s32 $0xFFFFD800  }
0x70: {  	[tilespmem:s21], [sflag:$0x3] =	stream.linear.gather [hbm4b:s12+s3], $0x100, $0x38;
	[tilespmem:$0x1DCC0] =	vst v63  }
.Ltmp3:
0x71: {  	_ =	swait.ge [sflag:s19], $0x2800;
	(pc) =	sbr.rel .LBB2_2-.Ltmp3, $4  }
0x72: {  	[sflag:s19] =	ssyncset.done $0x0  }
0x73: {  	s12 =	sadd.s32 s10, s14;
	[sflag:s19] =	ssyncadd.s32 $0xFFFFD800  }
0x74: {  	[tilespmem:s22], [sflag:$0x4] =	stream.linear.gather [hbm4b:s12+s3], $0x100, $0x38;
	[tilespmem:$0x1DCC0] =	vst v63  }
0x75: {  	s6 =	sadd.s32 $0x400, s6;
	s10 =	sadd.s32 $0x80, s10;
	s12 =	smov.u32 s8  }
.LBB2_5:
0x76: {  	_ =	sfence.sel $0x180000  }
0x77: {  	[bflag:$0x0] =	sbarrier.arrive $0xFFFF  }
0x78: {  	_ =	strace $0x9000004D  }
0x79: {  	s0 =	stileid.u32;
	[bflag:$0x2] =	sbarrier.arrive $0xFFFF  }
0x7a: {  	p0 =	sne.s32 s0, $0x0;
	s0 =	rddreg [dreg:$0x2]  }
0x7b: {  	s0 =	sadd.s32 @!p0 $0x100000, s0  }
0x7c: {  	[sflag:s0] =	ssyncadd.tile.s32 @!p0 $0x1;
	_ =	shalt  }
.Lfunc_end2:
_tile_overlayer_lowered:
.L_overlay_start_2:
0x7d: {  	(tag) =	ssettag $0x2  }
0x7e: {  	s0 =	rddreg [dreg:$0x0];
	s2 =	stileid.u32  }
0x7f: {  	s1 =	rddreg [dreg:$0x1];
	p0 =	sne.s32 s2, $0x0  }
0x80: {  	s3 =	rddreg [dreg:$0x2];
	[bflag:$0x3] =	sbarrier.arrive $0xFFFF;
	s2 =	simm.s32 @!p0 $0x1C0D  }
0x81: {  	[timem:s3], [sflag:s2] =	dma.local @!p0 [hbm:s0], s1  }
0x82: {  	s0 =	simm.s32 @!p0 $0xD  }
0x83: {  	_ =	swait.ge @!p0 [sflag:s0], s1  }
0x84: {  	s1 =	ssub.s32 @!p0 $0x0, s1;
	[sflag:s0] =	ssyncset.done @!p0 $0x0  }
0x85: {  	[sflag:s0] =	ssyncadd.s32 @!p0 s1  }
0x86: {  	[bflag:$0x3] =	sbarrier.arrive $0xFFFF  }
0x87: {  	_ =	shalt  }

// kernel: edge_segsum.5.cloned.1.call-start
scs
__scs_entry_jumppad:
0x0: {  	(pc) =	sbr.rel $0x88, $3  }
0x1: {  	(tag) =	ssettag $0x0;
	lr =	simm.s32 $0x1  }
0x2: {  	[smem:$0x3F99] =	sst lr;
	_ =	strace $0xD0000000  }
0x3: {  	_ = 	snop  }
0x4: {  	_ = 	snop  }
0x5: {  	_ = 	snop  }
0x6: {  	_ = 	snop  }
0x7: {  	_ = 	snop  }
__scs_overlays_trampoline_lowered:
0x8: {  	[smem:$0x3FA8] =	sst s0  }
0x9: {  	[smem:$0x3FA9] =	sst s1  }
0xa: {  	[smem:$0x3FAA] =	sst s2  }
0xb: {  	[smem:$0x3FAB] =	sst s3  }
0xc: {  	[smem:$0x3FAC] =	sst s4  }
0xd: {  	[smem:$0x3FAD] =	sst s5  }
0xe: {  	[smem:$0x3FAE] =	sst s6  }
0xf: {  	[smem:$0x3FAF] =	sst s7  }
0x10: {  	[smem:$0x3FB0] =	sst s8  }
0x11: {  	[smem:$0x3FB1] =	sst s9;
	s0 =	simm.s32 @!p0 $0x0  }
0x12: {  	s1 =	sld [smem:$0x3F97];
	s0 =	simm.s32 @p0 $0x1  }
0x13: {  	[smem:$0x3FB2] =	sst s0;
	s0 =	simm.s32 @!p1 $0x0  }
0x14: {  	s2 =	sld [smem:$0x3F96];
	s0 =	simm.s32 @p1 $0x1  }
0x15: {  	[smem:$0x3FB3] =	sst s0;
	s0 =	simm.s32 @!p2 $0x0  }
0x16: {  	s3 =	sld [smem:$0x3FDB];
	s0 =	simm.s32 @p2 $0x1  }
0x17: {  	s4 =	simm.s32 $0x1BF5;
	[smem:$0x3FB5] =	sst s0  }
0x18: {  	s0 =	sld [smem:$0x3F98];
	_ =	swait.ge [sflag:s4], $0x0  }
0x19: {  	s7 =	sld [smem:$0x3F99]  }
0x1a: {  	s8 =	sadd.s32 $0xFFFFE003, lr  }
0x1b: {  	s9 =	sadd.s32 $0xFFFFFEF7, lr;
	s5 =	simm.s32 $0xFFFFFFFF;
	p2 =	slt.u32 s8, $0xFFFFF086  }
0x1c: {  	p1 =	slt.u32 s9, $0xF7A;
	s5 =	simm.s32 @!p2 $0x0  }
0x1d: {  	s5 =	simm.s32 @p1 $0x1;
	p0 =	seq.s32 s7, s2  }
0x1e: {  	s7 =	smul.u32 @!p0 $0xF7A, s2;
	p2 =	seq.s32 @!p0 s5, $0x0  }
0x1f: {  	s9 =	smul.u32 $0xF7A, s1;
	s8 =	simm.s32 @!p0 $0x1BF5;
	p2 =	por !p2, p0  }
0x20: {  	[sflag:s8] =	ssyncset.s32 @!p0 $0xFFFFF086;
	s6 =	sadd.s32 @!p0 s3, s7;
	s7 =	simm.s32 @!p0 $0x108  }
0x21: {  	s3 =	sadd.s32 s3, s9;
	s6 =	sadd.s32 @!p0 $0x88, s6;
	s7 =	simm.s32 @p2 $0x1082  }
0x22: {  	[simem:s7], [sflag:s8] =	dma.local @!p0 [hbm:s6], $0xF7A  }
0x23: {  	s9 =	sor.u32 $0xD0000000, s2;
	s6 =	simm.s32 $0x108;
	_ =	swait.ge @!p0 [sflag:s8], $0x0  }
0x24: {  	s3 =	sadd.s32 $0x88, s3;
	s6 =	simm.s32 @!p1 $0x1082;
	[sflag:s4] =	ssyncset.s32 $0xFFFFF086  }
0x25: {  	[simem:s6], [sflag:s4] =	dma.local [hbm:s3], $0xF7A  }
0x26: {  	[smem:$0x3F99] =	sst s1;
	(tag) =	ssettag s2;
	_ =	strace s9  }
0x27: {  	s1 =	sld [smem:$0x3FA9]  }
0x28: {  	s2 =	sld [smem:$0x3FAA]  }
0x29: {  	s4 =	sld [smem:$0x3FAC]  }
0x2a: {  	p0 =	seq.s32 s5, $0x0;
	s5 =	sld [smem:$0x3FAD]  }
0x2b: {  	s6 =	sld [smem:$0x3FAE]  }
0x2c: {  	s7 =	sld [smem:$0x3FAF]  }
0x2d: {  	s3 =	simm.s32 $0x108;
	s8 =	sld [smem:$0x3FB0]  }
0x2e: {  	s3 =	simm.s32 @!p0 $0x1082;
	s9 =	sld [smem:$0x3FB1]  }
0x2f: {  	lr =	sadd.s32 s0, s3;
	s0 =	sld [smem:$0x3FA8]  }
0x30: {  	s3 =	sld [smem:$0x3FAB]  }
0x31: {  	[smem:$0x3FB4] =	sst s10  }
0x32: {  	s10 =	sld [smem:$0x3FB2];
	_ =	sdelay $0x3  }
0x33: {  	p0 =	seq.s32 s10, $0x1;
	s10 =	sld [smem:$0x3FB4];
	_ =	sdelay $0x3  }
0x34: {  	[smem:$0x3FB4] =	sst s10  }
0x35: {  	s10 =	sld [smem:$0x3FB3];
	_ =	sdelay $0x3  }
0x36: {  	p1 =	seq.s32 s10, $0x1;
	s10 =	sld [smem:$0x3FB4];
	_ =	sdelay $0x3  }
0x37: {  	[smem:$0x3FB4] =	sst s10  }
0x38: {  	s10 =	sld [smem:$0x3FB5]  }
0x39: {  	_ = 	snop;
	(pc) =	sbr.ind lr, $3  }
0x3a: {  	_ = 	snop  }
0x3b: {  	_ = 	snop  }
0x3c: {  	p2 =	seq.s32 s10, $0x1;
	s10 =	sld [smem:$0x3FB4]  }
0x3d: {  	_ =	shalt  }
0x3e: {  	_ =	shalt  }
0x3f: {  	_ =	shalt  }
0x40: {  	_ =	shalt  }
0x41: {  	_ =	shalt  }
0x42: {  	_ =	shalt  }
0x43: {  	_ =	shalt  }
0x44: {  	_ =	shalt  }
0x45: {  	_ =	shalt  }
0x46: {  	_ =	shalt  }
0x47: {  	_ =	shalt  }
0x48: {  	_ =	shalt  }
0x49: {  	_ =	shalt  }
0x4a: {  	_ =	shalt  }
0x4b: {  	_ =	shalt  }
0x4c: {  	_ =	shalt  }
0x4d: {  	_ =	shalt  }
0x4e: {  	_ =	shalt  }
0x4f: {  	_ =	shalt  }
0x50: {  	_ =	shalt  }
0x51: {  	_ =	shalt  }
0x52: {  	_ =	shalt  }
0x53: {  	_ =	shalt  }
0x54: {  	_ =	shalt  }
0x55: {  	_ =	shalt  }
0x56: {  	_ =	shalt  }
0x57: {  	_ =	shalt  }
0x58: {  	_ =	shalt  }
0x59: {  	_ =	shalt  }
0x5a: {  	_ =	shalt  }
0x5b: {  	_ =	shalt  }
0x5c: {  	_ =	shalt  }
0x5d: {  	_ =	shalt  }
0x5e: {  	_ =	shalt  }
0x5f: {  	_ =	shalt  }
0x60: {  	_ =	shalt  }
0x61: {  	_ =	shalt  }
0x62: {  	_ =	shalt  }
0x63: {  	_ =	shalt  }
0x64: {  	_ =	shalt  }
0x65: {  	_ =	shalt  }
0x66: {  	_ =	shalt  }
0x67: {  	_ =	shalt  }
0x68: {  	_ =	shalt  }
0x69: {  	_ =	shalt  }
0x6a: {  	_ =	shalt  }
0x6b: {  	_ =	shalt  }
0x6c: {  	_ =	shalt  }
0x6d: {  	_ =	shalt  }
0x6e: {  	_ =	shalt  }
0x6f: {  	_ =	shalt  }
0x70: {  	_ =	shalt  }
0x71: {  	_ =	shalt  }
0x72: {  	_ =	shalt  }
0x73: {  	_ =	shalt  }
0x74: {  	_ =	shalt  }
0x75: {  	_ =	shalt  }
0x76: {  	_ =	shalt  }
0x77: {  	_ =	shalt  }
0x78: {  	_ =	shalt  }
0x79: {  	_ =	shalt  }
0x7a: {  	_ =	shalt  }
0x7b: {  	_ =	shalt  }
0x7c: {  	_ =	shalt  }
0x7d: {  	_ =	shalt  }
0x7e: {  	_ =	shalt  }
0x7f: {  	_ =	shalt  }
0x80: {  	_ =	shalt  }
0x81: {  	_ =	shalt  }
0x82: {  	_ =	shalt  }
0x83: {  	_ =	shalt  }
0x84: {  	_ =	shalt  }
0x85: {  	_ =	shalt  }
0x86: {  	_ =	shalt  }
0x87: {  	_ =	shalt  }
.Lfunc_end0:
.L_simem_size_0:
called_computation_lowered:
.L_overlay_start_0:
0x88: {  	s2 =	sld [smem:$0x3FD9]  }
0x89: {  	s3 =	sld [smem:$0x3FFE];
	_ =	sdelay $0x1  }
0x8a: {  	s1 =	srdreg.scid  }
0x8b: {  	s0 =	sand.u32 $0x1, s1  }
0x8c: {  	s17 =	sshll.u32 s0, $0xA;
	s2 =	sadd.s32 s3, s2  }
0x8d: {  	s2 =	sadd.s32 s2, s17  }
0x8e: {  	[smem:$0x3FC0] =	sst s2  }
0x8f: {  	_ = 	snop  }
0x90: {  	s2 =	sld [smem:$0x3FD0];
	(tm) =	ssettm $0x1  }
0x91: {  	s18 =	sld [smem:$0x3FFB];
	_ =	sdelay $0x3  }
0x92: {  	_ =	strace s18  }
0x93: {  	s3 =	sld [smem:$0x3FFC];
	_ =	sdelay $0x3  }
0x94: {  	_ =	strace s3  }
0x95: {  	s3 =	sld [smem:$0x3FFD];
	_ =	sdelay $0x3  }
0x96: {  	_ =	strace s3  }
0x97: {  	_ =	strace $0x8FFFFFFF  }
0x98: {  	s19 =	sld [smem:$0x3FDB];
	_ =	sdelay $0x1  }
0x99: {  	s4 =	simm.s32 $_scs_section_size  }
0x9a: {  	s5 =	simm.s32 $_size__tile_overlayer_lowered;
	s6 =	simm.s32 $_tile_overlayer_lowered  }
0x9b: {  	s22 =	simm.s32 $0x1BFF;
	s21 =	sshll.u32 s6, $0x1;
	s3 =	sadd.s32 s4, s19  }
0x9c: {  	s7 =	simm.s32 $0x0;
	s20 =	sshll.u32 s5, $0x1;
	s5 =	sadd.s32 s21, s3  }
0x9d: {  	[timem:s7], [sflag:s22] =	dma.local [hbm:s5], s20  }
0x9e: {  	_ =	swait.ge [sflag:s22], s20  }
0x9f: {  	s4 =	ssub.s32 $0x0, s20;
	[sflag:s22] =	ssyncset.done $0x0  }
0xa0: {  	[sflag:s22] =	ssyncadd.s32 s4;
	_ =	sdelay $0x1  }
0xa1: {  	s23 =	simm.s32 $0x1B8B  }
0xa2: {  	_ =	swait.ge [sflag:s23], $0x1  }
0xa3: {  	[sflag:s23] =	ssyncset.done $0x0  }
0xa4: {  	s25 =	simm.s32 $0x1B8E;
	s24 =	sld [smem:$0x3FFE];
	[sflag:s23] =	ssyncadd.s32 $0xFFFFFFFF  }
0xa5: {  	s26 =	simm.s32 $execute0_lowered;
	[smem:$0x3FD2] =	sst s25  }
0xa6: {  	s5 =	sshll.u32 s26, $0x1;
	_ =	strace $0x80000046;
	[dreg:$0x1] =	wrdreg $0xFFFFFFFF  }
0xa7: {  	s28 =	simm.s32 $_size_execute0_lowered;
	s3 =	sadd.s32 s3, s5;
	[dreg:$0x0] =	wrdreg $0x0  }
0xa8: {  	s5 =	sshll.u32 s28, $0x1;
	[dreg:$0x2] =	wrdreg s3  }
0xa9: {  	[dreg:$0x3] =	wrdreg s5  }
0xaa: {  	[dreg:$0x4] =	wrdreg $0xC0  }
0xab: {  	_ =	task [dreg:s7], $0x5FFFF  }
0xac: {  	[dreg:$0x1] =	wrdreg $0xFFFFFFFF  }
0xad: {  	[dreg:$0x0] =	wrdreg $0x60  }
0xae: {  	[dreg:$0x2] =	wrdreg s2  }
0xaf: {  	[dreg:$0x3] =	wrdreg s24  }
0xb0: {  	[dreg:$0x4] =	wrdreg $0xA4000  }
0xb1: {  	[dreg:$0x5] =	wrdreg $0x9  }
0xb2: {  	_ =	task.clear_ibuf [dreg:s7], $0x6FFFF;
	_ =	strace $0x90000046  }
0xb3: {  	s29 =	simm.s32 $0x9;
	_ =	strace $0x80000048  }
0xb4: {  	_ =	swait.ge [sflag:s29], $0x1  }
0xb5: {  	[sflag:s29] =	ssyncadd.s32 $0xFFFFFFFF  }
0xb6: {  	_ =	strace $0x90000048  }
0xb7: {  	_ =	sfence  }
0xb8: {  	s30 =	sld [smem:$0x0];
	_ =	sdelay $0x2  }
0xb9: {  	s31 =	sshll.u32 s1, $0xD;
	s1 =	sshrl.u32 s1, $0x2  }
0xba: {  	s3 =	sand.u32 $0x4000, s31;
	s1 =	sadd.s32 s1, s30  }
0xbb: {  	s0 =	sor.u32 s3, s0;
	s1 =	sshll.u32 s1, $0x11  }
0xbc: {  	s0 =	sor.u32 s1, s0  }
0xbd: {  	s0 =	sadd.s32 $0x8F2B, s0  }
0xbe: {  	[sflag:s0] =	ssyncadd.remote.s32 $0x1  }
0xbf: {  	_ =	sfence.sel $0xFFFF  }
0xc0: {  	[dreg:$0x0] =	wrdreg $0xFFFFFFFF;
	(pc) =	sbr.abs _section_cstart, $3  }
0xc1: {  	[dreg:$0x1] =	wrdreg $0xFFFFFFFF  }
0xc2: {  	_ =	task.clear_ibuf [dreg:s7], $0x2FFFF;
	_ =	strace $0x9FFFFFFF  }
0xc3: {  	(tm) =	ssettm $0x7FFFFFFF  }
tec
execute0_lowered:
.L_overlay_start_1:
0x0: {  	(tag) =	ssettag $0x1  }
0x1: {  	s1 =	rddreg [dreg:$0x0]  }
0x2: {  	s0 =	rddreg [dreg:$0x1]  }
0x3: {  	s3 =	rddreg [dreg:$0x2]  }
0x4: {  	s2 =	srdreg.scid;
	s11 =	stileid.u32;
	s4 =	simm.s32 $0x0  }
0x5: {  	s28 =	simm.s32 $0x2C00;
	s29 =	simm.s32 $0x3;
	s30 =	simm.s32 $0x5400  }
0x6: {  	s31 =	simm.s32 $0x4;
	s2 =	sand.u32 $0x1, s2;
	s6 =	smul.u32 $0x2700, s11  }
0x7: {  	[smem:$0x7FF] =	sst s4;
	s5 =	sadd.s32 $0x4800, s0;
	s26 =	smul.u32 $0xFC00, s11  }
0x8: {  	s9 =	sadd.s32 $0x82800, s0;
	s10 =	smul.u32 $0x4E000, s11;
	s17 =	sshll.u32 s11, $0x6  }
0x9: {  	s11 =	simm.s32 $0x7;
	s7 =	smul.u32 $0x27100, s2;
	_ =	strace $0x80000047  }
0xa: {  	s8 =	smul.u32 $0xFC000, s2;
	[dreg:$0x4] =	wrdreg s9;
	s2 =	ssub.s32 $0x2, s2  }
0xb: {  	s12 =	sshrl.u32 s2, $0x1;
	s16 =	sshrl.u32 s10, $0x2;
	s10 =	sor.u32 $0x1C0D, s17  }
0xc: {  	s17 =	simm.s32 $0x9;
	s6 =	sadd.s32 s6, s7;
	s2 =	ssub.s32 s2, s12  }
0xd: {  	s13 =	sadd.s32 s26, s8;
	s7 =	sadd.s32 s16, s3;
	[dreg:$0x5] =	wrdreg s10  }
0xe: {  	s0 =	sadd.s32 s6, s0;
	s9 =	sshrl.u32 s13, $0x3;
	s20 =	smax.u32 s2, $0x1  }
0xf: {  	s21 =	sadd.s32 $0x700, s13;
	s22 =	sadd.s32 $0x600, s13;
	s23 =	sadd.s32 $0x500, s13  }
0x10: {  	s26 =	sadd.s32 $0x400, s13;
	s12 =	sshrl.u32 s7, $0x3;
	s2 =	simm.s32 $0x5  }
0x11: {  	s13 =	simm.s32 $0x8;
	s7 =	simm.s32 $0xA;
	s18 =	sadd.s32 s5, s9  }
0x12: {  	s0 =	sadd.s32 $0x85000, s0;
	[dreg:$0xb] =	wrdreg s20;
	s24 =	sshrl.u32 s22, $0x3  }
0x13: {  	s25 =	sshrl.u32 s23, $0x3;
	[dreg:$0xc] =	wrdreg s26;
	s20 =	simm.s32 $0x100  }
0x14: {  	s22 =	simm.s32 $0x300;
	s23 =	simm.s32 $0x1;
	s26 =	simm.s32 $0x2  }
0x15: {  	s9 =	sadd.s32 $0x20, s18;
	s19 =	sadd.s32 $0x40, s18;
	[dreg:$0x6] =	wrdreg s18  }
0x16: {  	s8 =	sadd.s32 $0x60, s18;
	[dreg:$0xa] =	wrdreg s0;
	s0 =	sshrl.u32 s21, $0x3  }
.Ltmp0:
0x17: {  	s15 =	sadd.s32 s24, s5;
	s16 =	sadd.s32 s25, s5;
	(pc) =	sbr.rel .LBB2_1-.Ltmp0, $4  }
0x18: {  	s21 =	simm.s32 $0x200;
	s24 =	simm.s32 $0x50;
	[dreg:$0x7] =	wrdreg s9  }
0x19: {  	s25 =	simm.s32 $0x400;
	s18 =	simm.s32 $0xB;
	[dreg:$0x8] =	wrdreg s19  }
0x1a: {  	[dreg:$0x9] =	wrdreg s8;
	s14 =	sadd.s32 s0, s5;
	s0 =	simm.s32 $0x7C00  }
0x1b: {  	s9 =	simm.s32 $0x6;
	s19 =	simm.s32 $0xC;
	s8 =	simm.s32 $0x0  }
.LBB2_4:
0x1c: {  	_ =	swait.ge [sflag:s17], $0x2800  }
0x1d: {  	[sflag:s17] =	ssyncset.done $0x0  }
0x1e: {  	[sflag:s17] =	ssyncadd.s32 $0xFFFFD800  }
0x1f: {  	_ =	swait.ge [sflag:s7], $0x2800  }
0x20: {  	[sflag:s7] =	ssyncset.done $0x0  }
0x21: {  	[sflag:s7] =	ssyncadd.s32 $0xFFFFD800  }
0x22: {  	_ =	swait.ge [sflag:s18], $0x2800  }
0x23: {  	[sflag:s18] =	ssyncset.done $0x0  }
0x24: {  	[sflag:s18] =	ssyncadd.s32 $0xFFFFD800  }
0x25: {  	_ =	swait.ge [sflag:s19], $0x2800  }
0x26: {  	[sflag:s19] =	ssyncset.done $0x0  }
0x27: {  	[sflag:s19] =	ssyncadd.s32 $0xFFFFD800  }
0x28: {  	[bflag:$0x0] =	sbarrier.arrive $0xFFFF  }
0x29: {  	s10 =	rddreg [dreg:$0x5]  }
0x2a: {  	s6 =	rddreg [dreg:$0xa]  }
0x2b: {  	[hbm:s6], [sflag:s10] =	dma.local [spmem:s12], $0x2800  }
0x2c: {  	s6 =	simm.s32 $0xD  }
0x2d: {  	_ =	swait.ge [sflag:s6], $0x2800  }
0x2e: {  	s8 =	rddreg [dreg:$0xd]  }
0x2f: {  	[sflag:s6] =	ssyncset.done $0x0;
	s6 =	rddreg [dreg:$0xb];
	s8 =	sadd.s32 $0x1, s8  }
0x30: {  	p0 =	sne.s32 s8, s6  }
.Ltmp1:
0x31: {  	_ = 	snop;
	(pc) =	sbr.rel @!p0 .LBB2_5-.Ltmp1, $3  }
0x32: {  	_ =	sdelay $0x1  }
0x33: {  	s6 =	simm.s32 $0xD  }
0x34: {  	[sflag:s6] =	ssyncadd.s32 $0xFFFFD800  }
.LBB2_1:
0x35: {  	[dreg:$0xd] =	wrdreg s8  }
0x36: {  	s8 =	simm.s32 $0xD;
	s6 =	rddreg [dreg:$0x4]  }
0x37: {  	[spmem:s12], [sflag:s10] =	dma.local [hbm:s6], $0x2800  }
0x38: {  	_ =	swait.ge [sflag:s8], $0x2800  }
0x39: {  	[sflag:s8] =	ssyncset.done $0x0  }
0x3a: {  	[sflag:s8] =	ssyncadd.s32 $0xFFFFD800  }
0x3b: {  	[bflag:$0x0] =	sbarrier.arrive $0xFFFF  }
0x3c: {  	s8 =	rddreg [dreg:$0x6]  }
0x3d: {  	[tilespmem:s4], [sflag:$0x1] =	stream.linear.gather [hbm4b:s8+s4], $0x100, $0x38;
	[tilespmem:$0x1DCC0] =	vst v63  }
0x3e: {  	s10 =	rddreg [dreg:$0x7]  }
0x3f: {  	[tilespmem:s20], [sflag:$0x2] =	stream.linear.gather [hbm4b:s10+s4], $0x100, $0x38;
	[tilespmem:$0x1DCC0] =	vst v63  }
0x40: {  	s8 =	rddreg [dreg:$0x8]  }
0x41: {  	[tilespmem:s21], [sflag:$0x3] =	stream.linear.gather [hbm4b:s8+s4], $0x100, $0x38;
	[tilespmem:$0x1DCC0] =	vst v63  }
0x42: {  	s10 =	rddreg [dreg:$0x9]  }
0x43: {  	[tilespmem:s22], [sflag:$0x4] =	stream.linear.gather [hbm4b:s10+s4], $0x100, $0x38;
	[tilespmem:$0x1DCC0] =	vst v63  }
0x44: {  	s6 =	rddreg [dreg:$0xc];
	s10 =	simm.s32 $0x0  }
.LBB2_2:
0x45: {  	_ =	swait.ge [sflag:s23], $0x100  }
0x46: {  	[sflag:s23] =	ssyncset.done $0x0  }
0x47: {  	[sflag:s23] =	ssyncadd.s32 $0xFFFFFF00  }
0x48: {  	[tilespmem:s25], [sflag:$0x5] =	stream.indirect.gather [hbm4b:s1+s24], $0x80, s4, s24, $0xb8;
	[tilespmem:$0x1DCC0] =	vst v63  }
0x49: {  	_ =	swait.ge [sflag:s26], $0x100  }
0x4a: {  	[sflag:s26] =	ssyncset.done $0x0  }
0x4b: {  	[sflag:s26] =	ssyncadd.s32 $0xFFFFFF00  }
0x4c: {  	[tilespmem:s28], [sflag:$0x6] =	stream.indirect.gather [hbm4b:s1+s24], $0x80, s20, s24, $0xb8;
	[tilespmem:$0x1DCC0] =	vst v63  }
0x4d: {  	_ =	swait.ge [sflag:s29], $0x100  }
0x4e: {  	[sflag:s29] =	ssyncset.done $0x0  }
0x4f: {  	[sflag:s29] =	ssyncadd.s32 $0xFFFFFF00  }
0x50: {  	[tilespmem:s30], [sflag:$0x7] =	stream.indirect.gather [hbm4b:s1+s24], $0x80, s21, s24, $0xb8;
	[tilespmem:$0x1DCC0] =	vst v63  }
0x51: {  	_ =	swait.ge [sflag:s31], $0x100  }
0x52: {  	[sflag:s31] =	ssyncset.done $0x0  }
0x53: {  	[sflag:s31] =	ssyncadd.s32 $0xFFFFFF00  }
0x54: {  	[tilespmem:s0], [sflag:$0x8] =	stream.indirect.gather [hbm4b:s1+s24], $0x80, s22, s24, $0xb8;
	[tilespmem:$0x1DCC0] =	vst v63  }
0x55: {  	_ =	swait.ge [sflag:s2], $0x2800  }
0x56: {  	[sflag:s2] =	ssyncset.done $0x0  }
0x57: {  	s8 =	simm.s32 $0x80;
	[sflag:s2] =	ssyncadd.s32 $0xFFFFD800  }
0x58: {  	[spmem:s3] =	stream.indirect.scatter.add.f32 [tilespmem:s25], [sflag:$0x9], $0x80, s8, s24, $0xb8;
	[tilespmem:$0x1DCC0] =	vst v63  }
0x59: {  	_ =	swait.ge [sflag:s9], $0x2800  }
0x5a: {  	[sflag:s9] =	ssyncset.done $0x0  }
0x5b: {  	s8 =	simm.s32 $0x180;
	[sflag:s9] =	ssyncadd.s32 $0xFFFFD800  }
0x5c: {  	[spmem:s3] =	stream.indirect.scatter.add.f32 [tilespmem:s28], [sflag:$0xA], $0x80, s8, s24, $0xb8;
	[tilespmem:$0x1DCC0] =	vst v63  }
0x5d: {  	_ =	swait.ge [sflag:s11], $0x2800  }
0x5e: {  	[sflag:s11] =	ssyncset.done $0x0  }
0x5f: {  	p0 =	seq.s32 s10, $0x1F00;
	s8 =	simm.s32 $0x280;
	[sflag:s11] =	ssyncadd.s32 $0xFFFFD800  }
0x60: {  	[spmem:s3] =	stream.indirect.scatter.add.f32 [tilespmem:s30], [sflag:$0xB], $0x80, s8, s24, $0xb8;
	[tilespmem:$0x1DCC0] =	vst v63  }
.Ltmp2:
0x61: {  	_ = 	snop;
	(pc) =	sbr.rel @p0 .LBB2_4-.Ltmp2, $4  }
0x62: {  	_ =	swait.ge [sflag:s13], $0x2800  }
0x63: {  	[sflag:s13] =	ssyncset.done $0x0  }
0x64: {  	s8 =	simm.s32 $0x380;
	[sflag:s13] =	ssyncadd.s32 $0xFFFFD800  }
0x65: {  	[spmem:s3] =	stream.indirect.scatter.add.f32 [tilespmem:s0], [sflag:$0xC], $0x80, s8, s24, $0xb8;
	[tilespmem:$0x1DCC0] =	vst v63  }
0x66: {  	_ =	swait.ge [sflag:s17], $0x2800  }
0x67: {  	s8 =	smov.u32 s12;
	s12 =	sshrl.u32 s6, $0x3;
	[sflag:s17] =	ssyncset.done $0x0  }
0x68: {  	s12 =	sadd.s32 s5, s12;
	[sflag:s17] =	ssyncadd.s32 $0xFFFFD800  }
0x69: {  	[tilespmem:s4], [sflag:$0x1] =	stream.linear.gather [hbm4b:s12+s4], $0x100, $0x38;
	[tilespmem:$0x1DCC0] =	vst v63  }
0x6a: {  	_ =	swait.ge [sflag:s7], $0x2800  }
0x6b: {  	[sflag:s7] =	ssyncset.done $0x0  }
0x6c: {  	s12 =	sadd.s32 s10, s16;
	[sflag:s7] =	ssyncadd.s32 $0xFFFFD800  }
0x6d: {  	[tilespmem:s20], [sflag:$0x2] =	stream.linear.gather [hbm4b:s12+s4], $0x100, $0x38;
	[tilespmem:$0x1DCC0] =	vst v63  }
0x6e: {  	_ =	swait.ge [sflag:s18], $0x2800  }
0x6f: {  	[sflag:s18] =	ssyncset.done $0x0  }
0x70: {  	s12 =	sadd.s32 s10, s15;
	[sflag:s18] =	ssyncadd.s32 $0xFFFFD800  }
0x71: {  	[tilespmem:s21], [sflag:$0x3] =	stream.linear.gather [hbm4b:s12+s4], $0x100, $0x38;
	[tilespmem:$0x1DCC0] =	vst v63  }
.Ltmp3:
0x72: {  	_ =	swait.ge [sflag:s19], $0x2800;
	(pc) =	sbr.rel .LBB2_2-.Ltmp3, $4  }
0x73: {  	[sflag:s19] =	ssyncset.done $0x0  }
0x74: {  	s12 =	sadd.s32 s10, s14;
	[sflag:s19] =	ssyncadd.s32 $0xFFFFD800  }
0x75: {  	[tilespmem:s22], [sflag:$0x4] =	stream.linear.gather [hbm4b:s12+s4], $0x100, $0x38;
	[tilespmem:$0x1DCC0] =	vst v63  }
0x76: {  	s6 =	sadd.s32 $0x400, s6;
	s10 =	sadd.s32 $0x80, s10;
	s12 =	smov.u32 s8  }
.LBB2_5:
0x77: {  	_ =	sfence.sel $0x180000  }
0x78: {  	[bflag:$0x0] =	sbarrier.arrive $0xFFFF  }
0x79: {  	_ =	strace $0x90000047  }
0x7a: {  	s0 =	stileid.u32;
	[bflag:$0x2] =	sbarrier.arrive $0xFFFF  }
0x7b: {  	p0 =	sne.s32 s0, $0x0;
	s0 =	rddreg [dreg:$0x3]  }
0x7c: {  	s0 =	sadd.s32 @!p0 $0x100000, s0  }
0x7d: {  	[sflag:s0] =	ssyncadd.tile.s32 @!p0 $0x1;
	_ =	shalt  }
.Lfunc_end2:
_tile_overlayer_lowered:
.L_overlay_start_2:
0x7e: {  	(tag) =	ssettag $0x2  }
0x7f: {  	s0 =	rddreg [dreg:$0x0];
	s2 =	stileid.u32  }
0x80: {  	s1 =	rddreg [dreg:$0x1];
	p0 =	sne.s32 s2, $0x0  }
0x81: {  	s3 =	rddreg [dreg:$0x2];
	[bflag:$0x3] =	sbarrier.arrive $0xFFFF;
	s2 =	simm.s32 @!p0 $0x1C0D  }
0x82: {  	[timem:s3], [sflag:s2] =	dma.local @!p0 [hbm:s0], s1  }
0x83: {  	s0 =	simm.s32 @!p0 $0xD  }
0x84: {  	_ =	swait.ge @!p0 [sflag:s0], s1  }
0x85: {  	s1 =	ssub.s32 @!p0 $0x0, s1;
	[sflag:s0] =	ssyncset.done @!p0 $0x0  }
0x86: {  	[sflag:s0] =	ssyncadd.s32 @!p0 s1  }
0x87: {  	[bflag:$0x3] =	sbarrier.arrive $0xFFFF  }
0x88: {  	_ =	shalt  }

// kernel: edge_segsum.8.cloned.1.call-start
scs
__scs_entry_jumppad:
0x0: {  	(pc) =	sbr.rel $0x88, $3  }
0x1: {  	(tag) =	ssettag $0x0;
	lr =	simm.s32 $0x1  }
0x2: {  	[smem:$0x3F99] =	sst lr;
	_ =	strace $0xD0000000  }
0x3: {  	_ = 	snop  }
0x4: {  	_ = 	snop  }
0x5: {  	_ = 	snop  }
0x6: {  	_ = 	snop  }
0x7: {  	_ = 	snop  }
__scs_overlays_trampoline_lowered:
0x8: {  	[smem:$0x3FA8] =	sst s0  }
0x9: {  	[smem:$0x3FA9] =	sst s1  }
0xa: {  	[smem:$0x3FAA] =	sst s2  }
0xb: {  	[smem:$0x3FAB] =	sst s3  }
0xc: {  	[smem:$0x3FAC] =	sst s4  }
0xd: {  	[smem:$0x3FAD] =	sst s5  }
0xe: {  	[smem:$0x3FAE] =	sst s6  }
0xf: {  	[smem:$0x3FAF] =	sst s7  }
0x10: {  	[smem:$0x3FB0] =	sst s8  }
0x11: {  	[smem:$0x3FB1] =	sst s9;
	s0 =	simm.s32 @!p0 $0x0  }
0x12: {  	s1 =	sld [smem:$0x3F97];
	s0 =	simm.s32 @p0 $0x1  }
0x13: {  	[smem:$0x3FB2] =	sst s0;
	s0 =	simm.s32 @!p1 $0x0  }
0x14: {  	s2 =	sld [smem:$0x3F96];
	s0 =	simm.s32 @p1 $0x1  }
0x15: {  	[smem:$0x3FB3] =	sst s0;
	s0 =	simm.s32 @!p2 $0x0  }
0x16: {  	s3 =	sld [smem:$0x3FDB];
	s0 =	simm.s32 @p2 $0x1  }
0x17: {  	s4 =	simm.s32 $0x1BF5;
	[smem:$0x3FB5] =	sst s0  }
0x18: {  	s0 =	sld [smem:$0x3F98];
	_ =	swait.ge [sflag:s4], $0x0  }
0x19: {  	s7 =	sld [smem:$0x3F99]  }
0x1a: {  	s8 =	sadd.s32 $0xFFFFE003, lr  }
0x1b: {  	s9 =	sadd.s32 $0xFFFFFEF7, lr;
	s5 =	simm.s32 $0xFFFFFFFF;
	p2 =	slt.u32 s8, $0xFFFFF086  }
0x1c: {  	p1 =	slt.u32 s9, $0xF7A;
	s5 =	simm.s32 @!p2 $0x0  }
0x1d: {  	s5 =	simm.s32 @p1 $0x1;
	p0 =	seq.s32 s7, s2  }
0x1e: {  	s7 =	smul.u32 @!p0 $0xF7A, s2;
	p2 =	seq.s32 @!p0 s5, $0x0  }
0x1f: {  	s9 =	smul.u32 $0xF7A, s1;
	s8 =	simm.s32 @!p0 $0x1BF5;
	p2 =	por !p2, p0  }
0x20: {  	[sflag:s8] =	ssyncset.s32 @!p0 $0xFFFFF086;
	s6 =	sadd.s32 @!p0 s3, s7;
	s7 =	simm.s32 @!p0 $0x108  }
0x21: {  	s3 =	sadd.s32 s3, s9;
	s6 =	sadd.s32 @!p0 $0x88, s6;
	s7 =	simm.s32 @p2 $0x1082  }
0x22: {  	[simem:s7], [sflag:s8] =	dma.local @!p0 [hbm:s6], $0xF7A  }
0x23: {  	s9 =	sor.u32 $0xD0000000, s2;
	s6 =	simm.s32 $0x108;
	_ =	swait.ge @!p0 [sflag:s8], $0x0  }
0x24: {  	s3 =	sadd.s32 $0x88, s3;
	s6 =	simm.s32 @!p1 $0x1082;
	[sflag:s4] =	ssyncset.s32 $0xFFFFF086  }
0x25: {  	[simem:s6], [sflag:s4] =	dma.local [hbm:s3], $0xF7A  }
0x26: {  	[smem:$0x3F99] =	sst s1;
	(tag) =	ssettag s2;
	_ =	strace s9  }
0x27: {  	s1 =	sld [smem:$0x3FA9]  }
0x28: {  	s2 =	sld [smem:$0x3FAA]  }
0x29: {  	s4 =	sld [smem:$0x3FAC]  }
0x2a: {  	p0 =	seq.s32 s5, $0x0;
	s5 =	sld [smem:$0x3FAD]  }
0x2b: {  	s6 =	sld [smem:$0x3FAE]  }
0x2c: {  	s7 =	sld [smem:$0x3FAF]  }
0x2d: {  	s3 =	simm.s32 $0x108;
	s8 =	sld [smem:$0x3FB0]  }
0x2e: {  	s3 =	simm.s32 @!p0 $0x1082;
	s9 =	sld [smem:$0x3FB1]  }
0x2f: {  	lr =	sadd.s32 s0, s3;
	s0 =	sld [smem:$0x3FA8]  }
0x30: {  	s3 =	sld [smem:$0x3FAB]  }
0x31: {  	[smem:$0x3FB4] =	sst s10  }
0x32: {  	s10 =	sld [smem:$0x3FB2];
	_ =	sdelay $0x3  }
0x33: {  	p0 =	seq.s32 s10, $0x1;
	s10 =	sld [smem:$0x3FB4];
	_ =	sdelay $0x3  }
0x34: {  	[smem:$0x3FB4] =	sst s10  }
0x35: {  	s10 =	sld [smem:$0x3FB3];
	_ =	sdelay $0x3  }
0x36: {  	p1 =	seq.s32 s10, $0x1;
	s10 =	sld [smem:$0x3FB4];
	_ =	sdelay $0x3  }
0x37: {  	[smem:$0x3FB4] =	sst s10  }
0x38: {  	s10 =	sld [smem:$0x3FB5]  }
0x39: {  	_ = 	snop;
	(pc) =	sbr.ind lr, $3  }
0x3a: {  	_ = 	snop  }
0x3b: {  	_ = 	snop  }
0x3c: {  	p2 =	seq.s32 s10, $0x1;
	s10 =	sld [smem:$0x3FB4]  }
0x3d: {  	_ =	shalt  }
0x3e: {  	_ =	shalt  }
0x3f: {  	_ =	shalt  }
0x40: {  	_ =	shalt  }
0x41: {  	_ =	shalt  }
0x42: {  	_ =	shalt  }
0x43: {  	_ =	shalt  }
0x44: {  	_ =	shalt  }
0x45: {  	_ =	shalt  }
0x46: {  	_ =	shalt  }
0x47: {  	_ =	shalt  }
0x48: {  	_ =	shalt  }
0x49: {  	_ =	shalt  }
0x4a: {  	_ =	shalt  }
0x4b: {  	_ =	shalt  }
0x4c: {  	_ =	shalt  }
0x4d: {  	_ =	shalt  }
0x4e: {  	_ =	shalt  }
0x4f: {  	_ =	shalt  }
0x50: {  	_ =	shalt  }
0x51: {  	_ =	shalt  }
0x52: {  	_ =	shalt  }
0x53: {  	_ =	shalt  }
0x54: {  	_ =	shalt  }
0x55: {  	_ =	shalt  }
0x56: {  	_ =	shalt  }
0x57: {  	_ =	shalt  }
0x58: {  	_ =	shalt  }
0x59: {  	_ =	shalt  }
0x5a: {  	_ =	shalt  }
0x5b: {  	_ =	shalt  }
0x5c: {  	_ =	shalt  }
0x5d: {  	_ =	shalt  }
0x5e: {  	_ =	shalt  }
0x5f: {  	_ =	shalt  }
0x60: {  	_ =	shalt  }
0x61: {  	_ =	shalt  }
0x62: {  	_ =	shalt  }
0x63: {  	_ =	shalt  }
0x64: {  	_ =	shalt  }
0x65: {  	_ =	shalt  }
0x66: {  	_ =	shalt  }
0x67: {  	_ =	shalt  }
0x68: {  	_ =	shalt  }
0x69: {  	_ =	shalt  }
0x6a: {  	_ =	shalt  }
0x6b: {  	_ =	shalt  }
0x6c: {  	_ =	shalt  }
0x6d: {  	_ =	shalt  }
0x6e: {  	_ =	shalt  }
0x6f: {  	_ =	shalt  }
0x70: {  	_ =	shalt  }
0x71: {  	_ =	shalt  }
0x72: {  	_ =	shalt  }
0x73: {  	_ =	shalt  }
0x74: {  	_ =	shalt  }
0x75: {  	_ =	shalt  }
0x76: {  	_ =	shalt  }
0x77: {  	_ =	shalt  }
0x78: {  	_ =	shalt  }
0x79: {  	_ =	shalt  }
0x7a: {  	_ =	shalt  }
0x7b: {  	_ =	shalt  }
0x7c: {  	_ =	shalt  }
0x7d: {  	_ =	shalt  }
0x7e: {  	_ =	shalt  }
0x7f: {  	_ =	shalt  }
0x80: {  	_ =	shalt  }
0x81: {  	_ =	shalt  }
0x82: {  	_ =	shalt  }
0x83: {  	_ =	shalt  }
0x84: {  	_ =	shalt  }
0x85: {  	_ =	shalt  }
0x86: {  	_ =	shalt  }
0x87: {  	_ =	shalt  }
.Lfunc_end0:
.L_simem_size_0:
called_computation.1_lowered:
.L_overlay_start_0:
0x88: {  	s2 =	sld [smem:$0x3FD9]  }
0x89: {  	s3 =	sld [smem:$0x3FFE];
	_ =	sdelay $0x1  }
0x8a: {  	s1 =	srdreg.scid  }
0x8b: {  	s0 =	sand.u32 $0x1, s1  }
0x8c: {  	s17 =	sshll.u32 s0, $0xA;
	s2 =	sadd.s32 s3, s2  }
0x8d: {  	s2 =	sadd.s32 s2, s17  }
0x8e: {  	[smem:$0x3FC0] =	sst s2  }
0x8f: {  	_ = 	snop  }
0x90: {  	(tm) =	ssettm $0x1  }
0x91: {  	s18 =	sld [smem:$0x3FFB];
	_ =	sdelay $0x3  }
0x92: {  	_ =	strace s18  }
0x93: {  	s2 =	sld [smem:$0x3FFC];
	_ =	sdelay $0x3  }
0x94: {  	_ =	strace s2  }
0x95: {  	s2 =	sld [smem:$0x3FFD];
	_ =	sdelay $0x3  }
0x96: {  	_ =	strace s2  }
0x97: {  	_ =	strace $0x8FFFFFFF  }
0x98: {  	s19 =	sld [smem:$0x3FDB];
	_ =	sdelay $0x1  }
0x99: {  	s20 =	simm.s32 $_scs_section_size  }
0x9a: {  	s4 =	simm.s32 $_size__tile_overlayer_lowered;
	s5 =	simm.s32 $_tile_overlayer_lowered  }
0x9b: {  	s6 =	simm.s32 $0x1BFF;
	s21 =	sshll.u32 s5, $0x1;
	s3 =	sadd.s32 s20, s19  }
0x9c: {  	s22 =	simm.s32 $0x0;
	s4 =	sshll.u32 s4, $0x1;
	s5 =	sadd.s32 s21, s3  }
0x9d: {  	[timem:s22], [sflag:s6] =	dma.local [hbm:s5], s4  }
0x9e: {  	_ =	swait.ge [sflag:s6], s4  }
0x9f: {  	s4 =	ssub.s32 $0x0, s4;
	[sflag:s6] =	ssyncset.done $0x0  }
0xa0: {  	[sflag:s6] =	ssyncadd.s32 s4;
	_ =	sdelay $0x1  }
0xa1: {  	s23 =	simm.s32 $0x1B8B  }
0xa2: {  	_ =	swait.ge [sflag:s23], $0x1  }
0xa3: {  	[sflag:s23] =	ssyncset.done $0x0  }
0xa4: {  	[sflag:s23] =	ssyncadd.s32 $0xFFFFFFFF  }
0xa5: {  	s4 =	sld [smem:$0x0]  }
0xa6: {  	s5 =	sand.u32 $0xFFFFFFFE, s1  }
0xa7: {  	p0 =	sne.s32 s1, s5  }
0xa8: {  	s5 =	sshll.u32 @p0 s5, $0xE  }
0xa9: {  	s5 =	sadd.s32 @p0 $0x11B8D, s5;
	s6 =	sshll.u32 @p0 s4, $0x11  }
0xaa: {  	s5 =	sor.u32 @p0 s6, s5  }
0xab: {  	[sflag:s5] =	ssyncadd.remote.s32 @p0 $0x1;
	_ =	sdelay $0x1  }
0xac: {  	s5 =	simm.s32 @p0 $0x1B8D  }
0xad: {  	_ =	swait.eq @p0 [sflag:s5], $0x1  }
0xae: {  	[sflag:s5] =	ssyncadd.s32 @p0 $0xFFFFFFFF  }
0xaf: {  	s6 =	sshll.u32 @!p0 s1, $0xE  }
0xb0: {  	s6 =	sor.u32 @!p0 $0x4000, s6;
	s5 =	simm.s32 @!p0 $0x1B8D  }
0xb1: {  	s4 =	sshll.u32 @!p0 s4, $0x11;
	s6 =	sadd.s32 @!p0 $0x11B8D, s6;
	_ =	swait.eq @!p0 [sflag:s5], $0x1  }
0xb2: {  	s4 =	sor.u32 @!p0 s4, s6;
	[sflag:s5] =	ssyncadd.s32 @!p0 $0xFFFFFFFF  }
0xb3: {  	s25 =	simm.s32 $0x1B8E;
	s24 =	sld [smem:$0x3FFE];
	[sflag:s4] =	ssyncadd.remote.s32 @!p0 $0x1  }
0xb4: {  	s26 =	simm.s32 $execute0_lowered;
	[smem:$0x3FD2] =	sst s25  }
0xb5: {  	s5 =	sshll.u32 s26, $0x1;
	_ =	strace $0x80000049;
	[dreg:$0x1] =	wrdreg $0xFFFFFFFF  }
0xb6: {  	s28 =	simm.s32 $_size_execute0_lowered;
	s3 =	sadd.s32 s3, s5;
	[dreg:$0x0] =	wrdreg $0x0  }
0xb7: {  	s5 =	sshll.u32 s28, $0x1;
	[dreg:$0x2] =	wrdreg s3  }
0xb8: {  	[dreg:$0x3] =	wrdreg s5  }
0xb9: {  	[dreg:$0x4] =	wrdreg $0xC0  }
0xba: {  	_ =	task [dreg:s22], $0x5FFFF  }
0xbb: {  	[dreg:$0x1] =	wrdreg $0xFFFFFFFF  }
0xbc: {  	[dreg:$0x0] =	wrdreg $0x60  }
0xbd: {  	[dreg:$0x2] =	wrdreg s24  }
0xbe: {  	[dreg:$0x3] =	wrdreg $0xA4000  }
0xbf: {  	[dreg:$0x4] =	wrdreg $0xA  }
0xc0: {  	_ =	task.clear_ibuf [dreg:s22], $0x5FFFF;
	_ =	strace $0x90000049  }
0xc1: {  	s29 =	simm.s32 $0xA;
	_ =	strace $0x8000004B  }
0xc2: {  	_ =	swait.ge [sflag:s29], $0x1  }
0xc3: {  	[sflag:s29] =	ssyncadd.s32 $0xFFFFFFFF  }
0xc4: {  	_ =	strace $0x9000004B  }
0xc5: {  	_ =	sfence  }
0xc6: {  	s30 =	sld [smem:$0x0];
	_ =	sdelay $0x2  }
0xc7: {  	s31 =	sshll.u32 s1, $0xD;
	s1 =	sshrl.u32 s1, $0x2  }
0xc8: {  	s4 =	sand.u32 $0x4000, s31;
	s1 =	sadd.s32 s1, s30  }
0xc9: {  	s0 =	sor.u32 s4, s0;
	s1 =	sshll.u32 s1, $0x11  }
0xca: {  	s0 =	sor.u32 s1, s0  }
0xcb: {  	s0 =	sadd.s32 $0x8F2B, s0  }
0xcc: {  	[sflag:s0] =	ssyncadd.remote.s32 $0x1  }
0xcd: {  	_ =	sfence.sel $0xFFFF  }
0xce: {  	[dreg:$0x0] =	wrdreg $0xFFFFFFFF;
	(pc) =	sbr.abs _section_cstart, $3  }
0xcf: {  	[dreg:$0x1] =	wrdreg $0xFFFFFFFF  }
0xd0: {  	_ =	task.clear_ibuf [dreg:s22], $0x2FFFF;
	_ =	strace $0x9FFFFFFF  }
0xd1: {  	(tm) =	ssettm $0x7FFFFFFF  }
tec
execute0_lowered:
.L_overlay_start_1:
0x0: {  	(tag) =	ssettag $0x1  }
0x1: {  	s0 =	rddreg [dreg:$0x0]  }
0x2: {  	s2 =	rddreg [dreg:$0x1];
	s3 =	simm.s32 $0x0  }
0x3: {  	s1 =	srdreg.scid;
	s11 =	stileid.u32;
	s28 =	simm.s32 $0x2C00  }
0x4: {  	s29 =	simm.s32 $0x3;
	s30 =	simm.s32 $0x5400;
	s31 =	simm.s32 $0x4  }
0x5: {  	[smem:$0x7FF] =	sst s3;
	s1 =	sand.u32 $0x1, s1;
	s6 =	smul.u32 $0x2700, s11  }
0x6: {  	s4 =	sadd.s32 $0x121600, s0;
	s5 =	sadd.s32 $0x43800, s0;
	s26 =	smul.u32 $0xFC00, s11  }
0x7: {  	s9 =	sadd.s32 $0x82800, s0;
	s10 =	smul.u32 $0x4E000, s11;
	s17 =	sshll.u32 s11, $0x6  }
0x8: {  	s11 =	simm.s32 $0x7;
	_ =	strace $0x8000004A;
	s7 =	smul.u32 $0x27100, s1  }
0x9: {  	s8 =	smul.u32 $0xFC000, s1;
	[dreg:$0x3] =	wrdreg s9;
	s1 =	ssub.s32 $0x2, s1  }
0xa: {  	s12 =	sshrl.u32 s1, $0x1;
	s16 =	sshrl.u32 s10, $0x2;
	s10 =	sor.u32 $0x1C0D, s17  }
0xb: {  	s17 =	simm.s32 $0x9;
	s6 =	sadd.s32 s6, s7;
	s1 =	ssub.s32 s1, s12  }
0xc: {  	s13 =	sadd.s32 s26, s8;
	s7 =	sadd.s32 s16, s2;
	[dreg:$0x4] =	wrdreg s10  }
0xd: {  	s0 =	sadd.s32 s6, s0;
	s9 =	sshrl.u32 s13, $0x3;
	s20 =	smax.u32 s1, $0x1  }
0xe: {  	s21 =	sadd.s32 $0x700, s13;
	s22 =	sadd.s32 $0x600, s13;
	s23 =	sadd.s32 $0x500, s13  }
0xf: {  	s26 =	sadd.s32 $0x400, s13;
	s12 =	sshrl.u32 s7, $0x3;
	s1 =	simm.s32 $0x5  }
0x10: {  	s13 =	simm.s32 $0x8;
	s7 =	simm.s32 $0xA;
	s18 =	sadd.s32 s5, s9  }
0x11: {  	s0 =	sadd.s32 $0x16F800, s0;
	[dreg:$0xa] =	wrdreg s20;
	s24 =	sshrl.u32 s22, $0x3  }
0x12: {  	s25 =	sshrl.u32 s23, $0x3;
	[dreg:$0xb] =	wrdreg s26;
	s20 =	simm.s32 $0x100  }
0x13: {  	s22 =	simm.s32 $0x300;
	s23 =	simm.s32 $0x1;
	s26 =	simm.s32 $0x2  }
0x14: {  	s9 =	sadd.s32 $0x20, s18;
	s19 =	sadd.s32 $0x40, s18;
	[dreg:$0x5] =	wrdreg s18  }
0x15: {  	s8 =	sadd.s32 $0x60, s18;
	[dreg:$0x9] =	wrdreg s0;
	s0 =	sshrl.u32 s21, $0x3  }
.Ltmp0:
0x16: {  	s15 =	sadd.s32 s24, s5;
	s16 =	sadd.s32 s25, s5;
	(pc) =	sbr.rel .LBB2_1-.Ltmp0, $4  }
0x17: {  	s21 =	simm.s32 $0x200;
	s24 =	simm.s32 $0x50;
	[dreg:$0x6] =	wrdreg s9  }
0x18: {  	s25 =	simm.s32 $0x400;
	s18 =	simm.s32 $0xB;
	[dreg:$0x7] =	wrdreg s19  }
0x19: {  	[dreg:$0x8] =	wrdreg s8;
	s14 =	sadd.s32 s0, s5;
	s0 =	simm.s32 $0x7C00  }
0x1a: {  	s9 =	simm.s32 $0x6;
	s19 =	simm.s32 $0xC;
	s8 =	simm.s32 $0x0  }
.LBB2_4:
0x1b: {  	_ =	swait.ge [sflag:s17], $0x2800  }
0x1c: {  	[sflag:s17] =	ssyncset.done $0x0  }
0x1d: {  	[sflag:s17] =	ssyncadd.s32 $0xFFFFD800  }
0x1e: {  	_ =	swait.ge [sflag:s7], $0x2800  }
0x1f: {  	[sflag:s7] =	ssyncset.done $0x0  }
0x20: {  	[sflag:s7] =	ssyncadd.s32 $0xFFFFD800  }
0x21: {  	_ =	swait.ge [sflag:s18], $0x2800  }
0x22: {  	[sflag:s18] =	ssyncset.done $0x0  }
0x23: {  	[sflag:s18] =	ssyncadd.s32 $0xFFFFD800  }
0x24: {  	_ =	swait.ge [sflag:s19], $0x2800  }
0x25: {  	[sflag:s19] =	ssyncset.done $0x0  }
0x26: {  	[sflag:s19] =	ssyncadd.s32 $0xFFFFD800  }
0x27: {  	[bflag:$0x0] =	sbarrier.arrive $0xFFFF  }
0x28: {  	s10 =	rddreg [dreg:$0x4]  }
0x29: {  	s6 =	rddreg [dreg:$0x9]  }
0x2a: {  	[hbm:s6], [sflag:s10] =	dma.local [spmem:s12], $0x2800  }
0x2b: {  	s6 =	simm.s32 $0xD  }
0x2c: {  	_ =	swait.ge [sflag:s6], $0x2800  }
0x2d: {  	s8 =	rddreg [dreg:$0xc]  }
0x2e: {  	[sflag:s6] =	ssyncset.done $0x0;
	s6 =	rddreg [dreg:$0xa];
	s8 =	sadd.s32 $0x1, s8  }
0x2f: {  	p0 =	sne.s32 s8, s6  }
.Ltmp1:
0x30: {  	_ = 	snop;
	(pc) =	sbr.rel @!p0 .LBB2_5-.Ltmp1, $3  }
0x31: {  	_ =	sdelay $0x1  }
0x32: {  	s6 =	simm.s32 $0xD  }
0x33: {  	[sflag:s6] =	ssyncadd.s32 $0xFFFFD800  }
.LBB2_1:
0x34: {  	[dreg:$0xc] =	wrdreg s8  }
0x35: {  	s8 =	simm.s32 $0xD;
	s6 =	rddreg [dreg:$0x3]  }
0x36: {  	[spmem:s12], [sflag:s10] =	dma.local [hbm:s6], $0x2800  }
0x37: {  	_ =	swait.ge [sflag:s8], $0x2800  }
0x38: {  	[sflag:s8] =	ssyncset.done $0x0  }
0x39: {  	[sflag:s8] =	ssyncadd.s32 $0xFFFFD800  }
0x3a: {  	[bflag:$0x0] =	sbarrier.arrive $0xFFFF  }
0x3b: {  	s8 =	rddreg [dreg:$0x5]  }
0x3c: {  	[tilespmem:s3], [sflag:$0x1] =	stream.linear.gather [hbm4b:s8+s3], $0x100, $0x38;
	[tilespmem:$0x1DCC0] =	vst v63  }
0x3d: {  	s10 =	rddreg [dreg:$0x6]  }
0x3e: {  	[tilespmem:s20], [sflag:$0x2] =	stream.linear.gather [hbm4b:s10+s3], $0x100, $0x38;
	[tilespmem:$0x1DCC0] =	vst v63  }
0x3f: {  	s8 =	rddreg [dreg:$0x7]  }
0x40: {  	[tilespmem:s21], [sflag:$0x3] =	stream.linear.gather [hbm4b:s8+s3], $0x100, $0x38;
	[tilespmem:$0x1DCC0] =	vst v63  }
0x41: {  	s10 =	rddreg [dreg:$0x8]  }
0x42: {  	[tilespmem:s22], [sflag:$0x4] =	stream.linear.gather [hbm4b:s10+s3], $0x100, $0x38;
	[tilespmem:$0x1DCC0] =	vst v63  }
0x43: {  	s6 =	rddreg [dreg:$0xb];
	s10 =	simm.s32 $0x0  }
.LBB2_2:
0x44: {  	_ =	swait.ge [sflag:s23], $0x100  }
0x45: {  	[sflag:s23] =	ssyncset.done $0x0  }
0x46: {  	[sflag:s23] =	ssyncadd.s32 $0xFFFFFF00  }
0x47: {  	[tilespmem:s25], [sflag:$0x5] =	stream.indirect.gather [hbm4b:s4+s24], $0x80, s3, s24, $0xb8;
	[tilespmem:$0x1DCC0] =	vst v63  }
0x48: {  	_ =	swait.ge [sflag:s26], $0x100  }
0x49: {  	[sflag:s26] =	ssyncset.done $0x0  }
0x4a: {  	[sflag:s26] =	ssyncadd.s32 $0xFFFFFF00  }
0x4b: {  	[tilespmem:s28], [sflag:$0x6] =	stream.indirect.gather [hbm4b:s4+s24], $0x80, s20, s24, $0xb8;
	[tilespmem:$0x1DCC0] =	vst v63  }
0x4c: {  	_ =	swait.ge [sflag:s29], $0x100  }
0x4d: {  	[sflag:s29] =	ssyncset.done $0x0  }
0x4e: {  	[sflag:s29] =	ssyncadd.s32 $0xFFFFFF00  }
0x4f: {  	[tilespmem:s30], [sflag:$0x7] =	stream.indirect.gather [hbm4b:s4+s24], $0x80, s21, s24, $0xb8;
	[tilespmem:$0x1DCC0] =	vst v63  }
0x50: {  	_ =	swait.ge [sflag:s31], $0x100  }
0x51: {  	[sflag:s31] =	ssyncset.done $0x0  }
0x52: {  	[sflag:s31] =	ssyncadd.s32 $0xFFFFFF00  }
0x53: {  	[tilespmem:s0], [sflag:$0x8] =	stream.indirect.gather [hbm4b:s4+s24], $0x80, s22, s24, $0xb8;
	[tilespmem:$0x1DCC0] =	vst v63  }
0x54: {  	_ =	swait.ge [sflag:s1], $0x2800  }
0x55: {  	[sflag:s1] =	ssyncset.done $0x0  }
0x56: {  	s8 =	simm.s32 $0x80;
	[sflag:s1] =	ssyncadd.s32 $0xFFFFD800  }
0x57: {  	[spmem:s2] =	stream.indirect.scatter.add.f32 [tilespmem:s25], [sflag:$0x9], $0x80, s8, s24, $0xb8;
	[tilespmem:$0x1DCC0] =	vst v63  }
0x58: {  	_ =	swait.ge [sflag:s9], $0x2800  }
0x59: {  	[sflag:s9] =	ssyncset.done $0x0  }
0x5a: {  	s8 =	simm.s32 $0x180;
	[sflag:s9] =	ssyncadd.s32 $0xFFFFD800  }
0x5b: {  	[spmem:s2] =	stream.indirect.scatter.add.f32 [tilespmem:s28], [sflag:$0xA], $0x80, s8, s24, $0xb8;
	[tilespmem:$0x1DCC0] =	vst v63  }
0x5c: {  	_ =	swait.ge [sflag:s11], $0x2800  }
0x5d: {  	[sflag:s11] =	ssyncset.done $0x0  }
0x5e: {  	p0 =	seq.s32 s10, $0x1F00;
	s8 =	simm.s32 $0x280;
	[sflag:s11] =	ssyncadd.s32 $0xFFFFD800  }
0x5f: {  	[spmem:s2] =	stream.indirect.scatter.add.f32 [tilespmem:s30], [sflag:$0xB], $0x80, s8, s24, $0xb8;
	[tilespmem:$0x1DCC0] =	vst v63  }
.Ltmp2:
0x60: {  	_ = 	snop;
	(pc) =	sbr.rel @p0 .LBB2_4-.Ltmp2, $4  }
0x61: {  	_ =	swait.ge [sflag:s13], $0x2800  }
0x62: {  	[sflag:s13] =	ssyncset.done $0x0  }
0x63: {  	s8 =	simm.s32 $0x380;
	[sflag:s13] =	ssyncadd.s32 $0xFFFFD800  }
0x64: {  	[spmem:s2] =	stream.indirect.scatter.add.f32 [tilespmem:s0], [sflag:$0xC], $0x80, s8, s24, $0xb8;
	[tilespmem:$0x1DCC0] =	vst v63  }
0x65: {  	_ =	swait.ge [sflag:s17], $0x2800  }
0x66: {  	s8 =	smov.u32 s12;
	s12 =	sshrl.u32 s6, $0x3;
	[sflag:s17] =	ssyncset.done $0x0  }
0x67: {  	s12 =	sadd.s32 s5, s12;
	[sflag:s17] =	ssyncadd.s32 $0xFFFFD800  }
0x68: {  	[tilespmem:s3], [sflag:$0x1] =	stream.linear.gather [hbm4b:s12+s3], $0x100, $0x38;
	[tilespmem:$0x1DCC0] =	vst v63  }
0x69: {  	_ =	swait.ge [sflag:s7], $0x2800  }
0x6a: {  	[sflag:s7] =	ssyncset.done $0x0  }
0x6b: {  	s12 =	sadd.s32 s10, s16;
	[sflag:s7] =	ssyncadd.s32 $0xFFFFD800  }
0x6c: {  	[tilespmem:s20], [sflag:$0x2] =	stream.linear.gather [hbm4b:s12+s3], $0x100, $0x38;
	[tilespmem:$0x1DCC0] =	vst v63  }
0x6d: {  	_ =	swait.ge [sflag:s18], $0x2800  }
0x6e: {  	[sflag:s18] =	ssyncset.done $0x0  }
0x6f: {  	s12 =	sadd.s32 s10, s15;
	[sflag:s18] =	ssyncadd.s32 $0xFFFFD800  }
0x70: {  	[tilespmem:s21], [sflag:$0x3] =	stream.linear.gather [hbm4b:s12+s3], $0x100, $0x38;
	[tilespmem:$0x1DCC0] =	vst v63  }
.Ltmp3:
0x71: {  	_ =	swait.ge [sflag:s19], $0x2800;
	(pc) =	sbr.rel .LBB2_2-.Ltmp3, $4  }
0x72: {  	[sflag:s19] =	ssyncset.done $0x0  }
0x73: {  	s12 =	sadd.s32 s10, s14;
	[sflag:s19] =	ssyncadd.s32 $0xFFFFD800  }
0x74: {  	[tilespmem:s22], [sflag:$0x4] =	stream.linear.gather [hbm4b:s12+s3], $0x100, $0x38;
	[tilespmem:$0x1DCC0] =	vst v63  }
0x75: {  	s6 =	sadd.s32 $0x400, s6;
	s10 =	sadd.s32 $0x80, s10;
	s12 =	smov.u32 s8  }
.LBB2_5:
0x76: {  	_ =	sfence.sel $0x180000  }
0x77: {  	[bflag:$0x0] =	sbarrier.arrive $0xFFFF  }
0x78: {  	_ =	strace $0x9000004A  }
0x79: {  	s0 =	stileid.u32;
	[bflag:$0x2] =	sbarrier.arrive $0xFFFF  }
0x7a: {  	p0 =	sne.s32 s0, $0x0;
	s0 =	rddreg [dreg:$0x2]  }
0x7b: {  	s0 =	sadd.s32 @!p0 $0x100000, s0  }
0x7c: {  	[sflag:s0] =	ssyncadd.tile.s32 @!p0 $0x1;
	_ =	shalt  }
.Lfunc_end2:
_tile_overlayer_lowered:
.L_overlay_start_2:
0x7d: {  	(tag) =	ssettag $0x2  }
0x7e: {  	s0 =	rddreg [dreg:$0x0];
	s2 =	stileid.u32  }
0x7f: {  	s1 =	rddreg [dreg:$0x1];
	p0 =	sne.s32 s2, $0x0  }
0x80: {  	s3 =	rddreg [dreg:$0x2];
	[bflag:$0x3] =	sbarrier.arrive $0xFFFF;
	s2 =	simm.s32 @!p0 $0x1C0D  }
0x81: {  	[timem:s3], [sflag:s2] =	dma.local @!p0 [hbm:s0], s1  }
0x82: {  	s0 =	simm.s32 @!p0 $0xD  }
0x83: {  	_ =	swait.ge @!p0 [sflag:s0], s1  }
0x84: {  	s1 =	ssub.s32 @!p0 $0x0, s1;
	[sflag:s0] =	ssyncset.done @!p0 $0x0  }
0x85: {  	[sflag:s0] =	ssyncadd.s32 @!p0 s1  }
0x86: {  	[bflag:$0x3] =	sbarrier.arrive $0xFFFF  }
0x87: {  	_ =	shalt  }

</sc_bundles>
